<compile_context>
chip_gen: v7x
topology: tpu7x:2x2x1
jax: 0.10.2.dev20260603
libtpu: 0.0.44.dev20260713+nightly
codegen_flags: <defaults>
</compile_context>

<pallas_src>
import functools

import jax
import jax.numpy as jnp
from jax import lax
from jax.experimental import pallas as pl
from jax.experimental.pallas import tpu as pltpu
from jax.experimental.pallas import tpu_sc as plsc

_BATCH = 128
_BN = 4096
_K = 2048
_CH = 128
_NCH = _K // _CH
_NW = 32
_RPW = _BATCH // _NW


@functools.lru_cache(maxsize=None)
def _sample_consts(n_actions: int):
    g = jax.random.gumbel(
        jax.random.key(42), (_BATCH, n_actions), jnp.float32
    )
    gv, gi = jax.lax.top_k(g, _K)
    return gv, gi.astype(jnp.int32)


def _mm_body(x_ref, w_ref, b_ref, out_ref):
    out_ref[...] = (
        jnp.dot(x_ref[...], w_ref[...], preferred_element_type=jnp.float32)
        + b_ref[...]
    )


def _logits_tc(x, W, b2):
    n = W.shape[1]
    nj = pl.cdiv(n, _BN)
    return pl.pallas_call(
        _mm_body,
        grid=(nj,),
        in_specs=[
            pl.BlockSpec((_BATCH, 128), lambda j: (0, 0)),
            pl.BlockSpec((128, _BN), lambda j: (0, j)),
            pl.BlockSpec((1, _BN), lambda j: (0, j)),
        ],
        out_specs=pl.BlockSpec((_BATCH, _BN), lambda j: (0, j)),
        out_shape=jax.ShapeDtypeStruct((_BATCH, n), jnp.float32),
    )(x, W, b2)


def _gdnums():
    return lax.GatherDimensionNumbers(
        offset_dims=(), collapsed_slice_dims=(0,), start_index_map=(0,)
    )


def _shuffle(v, perm):
    return lax.gather(
        v, perm[:, None], _gdnums(), (1,),
        mode=lax.GatherScatterMode.PROMISE_IN_BOUNDS,
    )


def _sc_sampler_body(logits_hbm, gvals, colids, out,
                     gath_v, g_v, col_v, res_v, sem):
    wid = lax.axis_index("s") * 2 + lax.axis_index("c")
    base = wid * _RPW
    neg_inf = jnp.full((16,), -jnp.inf, jnp.float32)
    zeros_i = jnp.zeros((16,), jnp.int32)
    big = jnp.iinfo(jnp.int32).max
    lane = lax.iota(jnp.int32, 16)
    res = zeros_i

    for i in range(_RPW):
        r = base + i
        pltpu.sync_copy(gvals.at[r], g_v)
        pltpu.sync_copy(colids.at[r], col_v)
        handles = [
            pltpu.async_copy(
                logits_hbm.at[r].at[col_v.at[pl.ds(c * _CH, _CH)]],
                gath_v.at[pl.ds(c * _CH, _CH)],
                sem,
            )
            for c in range(_NCH)
        ]
        for h in handles:
            h.wait()

        def chunk(t, carry):
            best, bcol = carry
            s = gath_v[pl.ds(t * 16, 16)] + g_v[pl.ds(t * 16, 16)]
            col = col_v[pl.ds(t * 16, 16)]
            take = (s > best) | ((s == best) & (col < bcol))
            return (
                jnp.where(take, s, best),
                jnp.where(take, col, bcol),
            )

        best, bcol = lax.fori_loop(0, _K // 16, chunk, (neg_inf, zeros_i))
        for k in (1, 2, 4, 8):
            perm = lane ^ k
            ob, oc = _shuffle(best, perm), _shuffle(bcol, perm)
            take = (ob > best) | ((ob == best) & (oc < bcol))
            best = jnp.where(take, ob, best)
            bcol = jnp.where(take, oc, bcol)
        res = jnp.where(lane == i, bcol, res)

    res_v[...] = res
    pltpu.sync_copy(res_v, out.at[wid])


def _sc_sampler(n_actions: int):
    mesh = plsc.VectorSubcoreMesh(core_axis_name="c", subcore_axis_name="s")
    return pl.kernel(
        _sc_sampler_body,
        out_type=jax.ShapeDtypeStruct((_NW, 16), jnp.int32),
        mesh=mesh,
        compiler_params=pltpu.CompilerParams(use_tc_tiling_on_sc=False),
        scratch_types=[
            pltpu.VMEM((_K,), jnp.float32),
            pltpu.VMEM((_K,), jnp.float32),
            pltpu.VMEM((_K,), jnp.int32),
            pltpu.VMEM((16,), jnp.int32),
            pltpu.SemaphoreType.DMA,
        ],
    )


def kernel(lstm_output, W, b):
    n = W.shape[1]
    gv, cols = _sample_consts(n)
    logits = _logits_tc(lstm_output, W, b.reshape(1, n))
    res = _sc_sampler(n)(logits, gv, cols)
    action = res[:, :_RPW].reshape(_BATCH, 1)
    return (logits, action)

# --- scband reference (transcript-rebuilt; emitter-appended) ---
"""Pipeline reference for scband-action-type-head-67173288509695 (READ-ONLY COPY).

The authoritative reference and input builder live on the scoring server;
editing this copy changes nothing except your own understanding.
"""

import jax, jax.numpy as jnp
import numpy as np

BATCH = 128
IN_DIM = 128  # reshaped to (batch, 2, 64) then flattened back to 128
ACTION_NUM = 100000


def setup_inputs(seed: int = 0) -> dict:
    key = jax.random.key(seed)
    k1, k2 = jax.random.split(key, 2)
    lstm_output = jax.random.normal(k1, (BATCH, IN_DIM), dtype=jnp.float32)
    # Dense layer params (kernel_initializer in original; use small normal)
    W = jax.random.normal(k2, (IN_DIM, ACTION_NUM), dtype=jnp.float32) * 0.02
    b = jnp.zeros((ACTION_NUM,), dtype=jnp.float32)
    return {"lstm_output": lstm_output, "W": W, "b": b}


def reference(lstm_output, W, b):
    batch_size = lstm_output.shape[0]
    # tf.reshape(lstm_output, (batch, 2, 64)) followed by Flatten() -> (batch, 128)
    x = lstm_output.reshape(batch_size, 2, 64)
    x_flat = x.reshape(batch_size, -1)
    # Dense(action_num)
    action_type_logits = x_flat @ W + b
    # tf.random.categorical(logits, 1) -> shape (batch, 1), int
    action_type = jax.random.categorical(jax.random.key(42), action_type_logits, axis=-1)[:, None]
    return (action_type_logits, action_type)

if __name__ == "__main__":
    import jax
    _d = setup_inputs()
    print(jax.jit(kernel)(*tuple(_d.values())))

</pallas_src>

<mosaic_0001>
#map = affine_map<(d0, d1) -> (0, 0)>
module attributes {stable_mosaic.version = 14 : i64} {
  func.func @_sc_sampler_body(%arg0: i32, %arg1: i32, %arg2: memref<128x100000xf32, #tpu.memory_space<hbm>>, %arg3: memref<128x2048xf32, #tpu.memory_space<hbm>>, %arg4: memref<128x2048xi32, #tpu.memory_space<hbm>>, %arg5: memref<32x16xi32, #tpu.memory_space<hbm>>, %arg6: memref<2048xf32, #tpu.memory_space<vmem>>, %arg7: memref<2048xf32, #tpu.memory_space<vmem>>, %arg8: memref<2048xi32, #tpu.memory_space<vmem>>, %arg9: memref<16xi32, #tpu.memory_space<vmem>>, %arg10: memref<!tpu.dma_semaphore, #tpu.memory_space<semaphore_mem>>) attributes {dimension_semantics = [#tpu.dimension_semantics<core_parallel>, #tpu.dimension_semantics<subcore_parallel>], iteration_bounds = array<i64: 2, 16>, scalar_prefetch = 0 : i64, scratch_operands = 5 : i64, tpu.core_type = #tpu.core_type<sc_vector_subcore>, window_params = [{transform_indices = #map}, {transform_indices = #map}, {transform_indices = #map}, {transform_indices = #map}]} {
    %mul3A = arith.constant 2 : i32
    %mul3A_0 = arith.muli %arg1, %mul3A : i32
    %add3A = arith.addi %mul3A_0, %arg0 : i32
    %mul3A_1 = arith.constant 4 : i32
    %mul3A_2 = arith.muli %add3A, %mul3A_1 : i32
    %broadcast_in_dim3A = arith.constant 0xFF800000 : f32
    %broadcast_in_dim3A_3 = vector.broadcast %broadcast_in_dim3A : f32 to vector<16xf32>
    %broadcast_in_dim3A_4 = arith.constant 0 : i32
    %broadcast_in_dim3A_5 = vector.broadcast %broadcast_in_dim3A_4 : i32 to vector<16xi32>
    %iota3A = tpu.iota {dimensions = array<i32: 0>} : vector<16xi32>
    %add3A_6 = arith.constant 0 : i32
    %add3A_7 = arith.addi %mul3A_2, %add3A_6 : i32
    "tpu.region"() ({
      %run_scoped3A = tpu.sem_alloc : memref<!tpu.dma_semaphore, #tpu.memory_space<semaphore_mem>>
      %dma_start3A_1454 = arith.constant 0 : i32
      %dma_start3A_1455 = tpu.memref_slice %arg3[%add3A_7, %dma_start3A_1454] : memref<128x2048xf32, #tpu.memory_space<hbm>> -> memref<1x2048xf32, #tpu.memory_space<hbm>>
      %dma_start3A_1456 = tpu.memref_squeeze %dma_start3A_1455 : memref<1x2048xf32, #tpu.memory_space<hbm>> -> memref<2048xf32, #tpu.memory_space<hbm>>
      %dma_start3A_1457 = arith.constant 0 : i32
      %dma_start3A_1458 = tpu.memref_slice %arg3[%add3A_7, %dma_start3A_1457] : memref<128x2048xf32, #tpu.memory_space<hbm>> -> memref<1x2048xf32, #tpu.memory_space<hbm>>
      %dma_start3A_1459 = tpu.memref_squeeze %dma_start3A_1458 : memref<1x2048xf32, #tpu.memory_space<hbm>> -> memref<2048xf32, #tpu.memory_space<hbm>>
      tpu.enqueue_dma source(%dma_start3A_1459 : memref<2048xf32, #tpu.memory_space<hbm>>) target(%arg7 : memref<2048xf32, #tpu.memory_space<vmem>>) target_semaphore(%run_scoped3A : memref<!tpu.dma_semaphore, #tpu.memory_space<semaphore_mem>>)
      %dma_wait3A_1460 = arith.constant 0 : i32
      %dma_wait3A_1461 = tpu.memref_slice %arg3[%add3A_7, %dma_wait3A_1460] : memref<128x2048xf32, #tpu.memory_space<hbm>> -> memref<1x2048xf32, #tpu.memory_space<hbm>>
      %dma_wait3A_1462 = tpu.memref_squeeze %dma_wait3A_1461 : memref<1x2048xf32, #tpu.memory_space<hbm>> -> memref<2048xf32, #tpu.memory_space<hbm>>
      %dma_wait3A_1463 = arith.constant 0 : i32
      %dma_wait3A_1464 = tpu.memref_slice %arg3[%add3A_7, %dma_wait3A_1463] : memref<128x2048xf32, #tpu.memory_space<hbm>> -> memref<1x2048xf32, #tpu.memory_space<hbm>>
      %dma_wait3A_1465 = tpu.memref_squeeze %dma_wait3A_1464 : memref<1x2048xf32, #tpu.memory_space<hbm>> -> memref<2048xf32, #tpu.memory_space<hbm>>
      tpu.wait_dma2 semaphore(%run_scoped3A : memref<!tpu.dma_semaphore, #tpu.memory_space<semaphore_mem>>) src(%dma_wait3A_1465 : memref<2048xf32, #tpu.memory_space<hbm>>) dst(%arg7 : memref<2048xf32, #tpu.memory_space<vmem>>)
      tpu.yield
    }) : () -> ()
    "tpu.region"() ({
      %run_scoped3A = tpu.sem_alloc : memref<!tpu.dma_semaphore, #tpu.memory_space<semaphore_mem>>
      %dma_start3A_1454 = arith.constant 0 : i32
      %dma_start3A_1455 = tpu.memref_slice %arg4[%add3A_7, %dma_start3A_1454] : memref<128x2048xi32, #tpu.memory_space<hbm>> -> memref<1x2048xi32, #tpu.memory_space<hbm>>
      %dma_start3A_1456 = tpu.memref_squeeze %dma_start3A_1455 : memref<1x2048xi32, #tpu.memory_space<hbm>> -> memref<2048xi32, #tpu.memory_space<hbm>>
      %dma_start3A_1457 = arith.constant 0 : i32
      %dma_start3A_1458 = tpu.memref_slice %arg4[%add3A_7, %dma_start3A_1457] : memref<128x2048xi32, #tpu.memory_space<hbm>> -> memref<1x2048xi32, #tpu.memory_space<hbm>>
      %dma_start3A_1459 = tpu.memref_squeeze %dma_start3A_1458 : memref<1x2048xi32, #tpu.memory_space<hbm>> -> memref<2048xi32, #tpu.memory_space<hbm>>
      tpu.enqueue_dma source(%dma_start3A_1459 : memref<2048xi32, #tpu.memory_space<hbm>>) target(%arg8 : memref<2048xi32, #tpu.memory_space<vmem>>) target_semaphore(%run_scoped3A : memref<!tpu.dma_semaphore, #tpu.memory_space<semaphore_mem>>)
      %dma_wait3A_1460 = arith.constant 0 : i32
      %dma_wait3A_1461 = tpu.memref_slice %arg4[%add3A_7, %dma_wait3A_1460] : memref<128x2048xi32, #tpu.memory_space<hbm>> -> memref<1x2048xi32, #tpu.memory_space<hbm>>
      %dma_wait3A_1462 = tpu.memref_squeeze %dma_wait3A_1461 : memref<1x2048xi32, #tpu.memory_space<hbm>> -> memref<2048xi32, #tpu.memory_space<hbm>>
      %dma_wait3A_1463 = arith.constant 0 : i32
      %dma_wait3A_1464 = tpu.memref_slice %arg4[%add3A_7, %dma_wait3A_1463] : memref<128x2048xi32, #tpu.memory_space<hbm>> -> memref<1x2048xi32, #tpu.memory_space<hbm>>
      %dma_wait3A_1465 = tpu.memref_squeeze %dma_wait3A_1464 : memref<1x2048xi32, #tpu.memory_space<hbm>> -> memref<2048xi32, #tpu.memory_space<hbm>>
      tpu.wait_dma2 semaphore(%run_scoped3A : memref<!tpu.dma_semaphore, #tpu.memory_space<semaphore_mem>>) src(%dma_wait3A_1465 : memref<2048xi32, #tpu.memory_space<hbm>>) dst(%arg8 : memref<2048xi32, #tpu.memory_space<vmem>>)
      tpu.yield
    }) : () -> ()
    %dma_start3A = arith.constant 0 : i32
    %dma_start3A_8 = tpu.memref_slice %arg6[%dma_start3A] : memref<2048xf32, #tpu.memory_space<vmem>> -> memref<128xf32, #tpu.memory_space<vmem>>
    %dma_start3A_9 = arith.constant 0 : i32
    %dma_start3A_10 = tpu.memref_slice %arg8[%dma_start3A_9] : memref<2048xi32, #tpu.memory_space<vmem>> -> memref<128xi32, #tpu.memory_space<vmem>>
    %dma_start3A_11 = arith.constant 0 : i32
    %dma_start3A_12 = tpu.memref_slice %arg2[%add3A_7, %dma_start3A_11] : memref<128x100000xf32, #tpu.memory_space<hbm>> -> memref<1x100000xf32, #tpu.memory_space<hbm>>
    %dma_start3A_13 = tpu.memref_squeeze %dma_start3A_12 : memref<1x100000xf32, #tpu.memory_space<hbm>> -> memref<100000xf32, #tpu.memory_space<hbm>>
    %dma_start3A_14 = arith.constant 0 : i32
    %dma_start3A_15 = tpu.memref_slice %dma_start3A_13[%dma_start3A_14] : memref<100000xf32, #tpu.memory_space<hbm>> -> memref<100000xf32, #tpu.memory_space<hbm>>
    tpu.enqueue_indirect_dma source(%dma_start3A_15 : memref<100000xf32, #tpu.memory_space<hbm>>) target(%dma_start3A_8 : memref<128xf32, #tpu.memory_space<vmem>>) offsets(%dma_start3A_10 : memref<128xi32, #tpu.memory_space<vmem>>) semaphore(%arg10 : memref<!tpu.dma_semaphore, #tpu.memory_space<semaphore_mem>>)
    %dma_start3A_16 = arith.constant 128 : i32
    %dma_start3A_17 = tpu.memref_slice %arg6[%dma_start3A_16] : memref<2048xf32, #tpu.memory_space<vmem>> -> memref<128xf32, #tpu.memory_space<vmem>>
    %dma_start3A_18 = arith.constant 128 : i32
    %dma_start3A_19 = tpu.memref_slice %arg8[%dma_start3A_18] : memref<2048xi32, #tpu.memory_space<vmem>> -> memref<128xi32, #tpu.memory_space<vmem>>
    %dma_start3A_20 = arith.constant 0 : i32
    %dma_start3A_21 = tpu.memref_slice %arg2[%add3A_7, %dma_start3A_20] : memref<128x100000xf32, #tpu.memory_space<hbm>> -> memref<1x100000xf32, #tpu.memory_space<hbm>>
    %dma_start3A_22 = tpu.memref_squeeze %dma_start3A_21 : memref<1x100000xf32, #tpu.memory_space<hbm>> -> memref<100000xf32, #tpu.memory_space<hbm>>
    %dma_start3A_23 = arith.constant 0 : i32
    %dma_start3A_24 = tpu.memref_slice %dma_start3A_22[%dma_start3A_23] : memref<100000xf32, #tpu.memory_space<hbm>> -> memref<100000xf32, #tpu.memory_space<hbm>>
    tpu.enqueue_indirect_dma source(%dma_start3A_24 : memref<100000xf32, #tpu.memory_space<hbm>>) target(%dma_start3A_17 : memref<128xf32, #tpu.memory_space<vmem>>) offsets(%dma_start3A_19 : memref<128xi32, #tpu.memory_space<vmem>>) semaphore(%arg10 : memref<!tpu.dma_semaphore, #tpu.memory_space<semaphore_mem>>)
    %dma_start3A_25 = arith.constant 256 : i32
    %dma_start3A_26 = tpu.memref_slice %arg6[%dma_start3A_25] : memref<2048xf32, #tpu.memory_space<vmem>> -> memref<128xf32, #tpu.memory_space<vmem>>
    %dma_start3A_27 = arith.constant 256 : i32
    %dma_start3A_28 = tpu.memref_slice %arg8[%dma_start3A_27] : memref<2048xi32, #tpu.memory_space<vmem>> -> memref<128xi32, #tpu.memory_space<vmem>>
    %dma_start3A_29 = arith.constant 0 : i32
    %dma_start3A_30 = tpu.memref_slice %arg2[%add3A_7, %dma_start3A_29] : memref<128x100000xf32, #tpu.memory_space<hbm>> -> memref<1x100000xf32, #tpu.memory_space<hbm>>
    %dma_start3A_31 = tpu.memref_squeeze %dma_start3A_30 : memref<1x100000xf32, #tpu.memory_space<hbm>> -> memref<100000xf32, #tpu.memory_space<hbm>>
    %dma_start3A_32 = arith.constant 0 : i32
    %dma_start3A_33 = tpu.memref_slice %dma_start3A_31[%dma_start3A_32] : memref<100000xf32, #tpu.memory_space<hbm>> -> memref<100000xf32, #tpu.memory_space<hbm>>
    tpu.enqueue_indirect_dma source(%dma_start3A_33 : memref<100000xf32, #tpu.memory_space<hbm>>) target(%dma_start3A_26 : memref<128xf32, #tpu.memory_space<vmem>>) offsets(%dma_start3A_28 : memref<128xi32, #tpu.memory_space<vmem>>) semaphore(%arg10 : memref<!tpu.dma_semaphore, #tpu.memory_space<semaphore_mem>>)
    %dma_start3A_34 = arith.constant 384 : i32
    %dma_start3A_35 = tpu.memref_slice %arg6[%dma_start3A_34] : memref<2048xf32, #tpu.memory_space<vmem>> -> memref<128xf32, #tpu.memory_space<vmem>>
    %dma_start3A_36 = arith.constant 384 : i32
    %dma_start3A_37 = tpu.memref_slice %arg8[%dma_start3A_36] : memref<2048xi32, #tpu.memory_space<vmem>> -> memref<128xi32, #tpu.memory_space<vmem>>
    %dma_start3A_38 = arith.constant 0 : i32
    %dma_start3A_39 = tpu.memref_slice %arg2[%add3A_7, %dma_start3A_38] : memref<128x100000xf32, #tpu.memory_space<hbm>> -> memref<1x100000xf32, #tpu.memory_space<hbm>>
    %dma_start3A_40 = tpu.memref_squeeze %dma_start3A_39 : memref<1x100000xf32, #tpu.memory_space<hbm>> -> memref<100000xf32, #tpu.memory_space<hbm>>
    %dma_start3A_41 = arith.constant 0 : i32
    %dma_start3A_42 = tpu.memref_slice %dma_start3A_40[%dma_start3A_41] : memref<100000xf32, #tpu.memory_space<hbm>> -> memref<100000xf32, #tpu.memory_space<hbm>>
    tpu.enqueue_indirect_dma source(%dma_start3A_42 : memref<100000xf32, #tpu.memory_space<hbm>>) target(%dma_start3A_35 : memref<128xf32, #tpu.memory_space<vmem>>) offsets(%dma_start3A_37 : memref<128xi32, #tpu.memory_space<vmem>>) semaphore(%arg10 : memref<!tpu.dma_semaphore, #tpu.memory_space<semaphore_mem>>)
    %dma_start3A_43 = arith.constant 512 : i32
    %dma_start3A_44 = tpu.memref_slice %arg6[%dma_start3A_43] : memref<2048xf32, #tpu.memory_space<vmem>> -> memref<128xf32, #tpu.memory_space<vmem>>
    %dma_start3A_45 = arith.constant 512 : i32
    %dma_start3A_46 = tpu.memref_slice %arg8[%dma_start3A_45] : memref<2048xi32, #tpu.memory_space<vmem>> -> memref<128xi32, #tpu.memory_space<vmem>>
    %dma_start3A_47 = arith.constant 0 : i32
    %dma_start3A_48 = tpu.memref_slice %arg2[%add3A_7, %dma_start3A_47] : memref<128x100000xf32, #tpu.memory_space<hbm>> -> memref<1x100000xf32, #tpu.memory_space<hbm>>
    %dma_start3A_49 = tpu.memref_squeeze %dma_start3A_48 : memref<1x100000xf32, #tpu.memory_space<hbm>> -> memref<100000xf32, #tpu.memory_space<hbm>>
    %dma_start3A_50 = arith.constant 0 : i32
    %dma_start3A_51 = tpu.memref_slice %dma_start3A_49[%dma_start3A_50] : memref<100000xf32, #tpu.memory_space<hbm>> -> memref<100000xf32, #tpu.memory_space<hbm>>
    tpu.enqueue_indirect_dma source(%dma_start3A_51 : memref<100000xf32, #tpu.memory_space<hbm>>) target(%dma_start3A_44 : memref<128xf32, #tpu.memory_space<vmem>>) offsets(%dma_start3A_46 : memref<128xi32, #tpu.memory_space<vmem>>) semaphore(%arg10 : memref<!tpu.dma_semaphore, #tpu.memory_space<semaphore_mem>>)
    %dma_start3A_52 = arith.constant 640 : i32
    %dma_start3A_53 = tpu.memref_slice %arg6[%dma_start3A_52] : memref<2048xf32, #tpu.memory_space<vmem>> -> memref<128xf32, #tpu.memory_space<vmem>>
    %dma_start3A_54 = arith.constant 640 : i32
    %dma_start3A_55 = tpu.memref_slice %arg8[%dma_start3A_54] : memref<2048xi32, #tpu.memory_space<vmem>> -> memref<128xi32, #tpu.memory_space<vmem>>
    %dma_start3A_56 = arith.constant 0 : i32
    %dma_start3A_57 = tpu.memref_slice %arg2[%add3A_7, %dma_start3A_56] : memref<128x100000xf32, #tpu.memory_space<hbm>> -> memref<1x100000xf32, #tpu.memory_space<hbm>>
    %dma_start3A_58 = tpu.memref_squeeze %dma_start3A_57 : memref<1x100000xf32, #tpu.memory_space<hbm>> -> memref<100000xf32, #tpu.memory_space<hbm>>
    %dma_start3A_59 = arith.constant 0 : i32
    %dma_start3A_60 = tpu.memref_slice %dma_start3A_58[%dma_start3A_59] : memref<100000xf32, #tpu.memory_space<hbm>> -> memref<100000xf32, #tpu.memory_space<hbm>>
    tpu.enqueue_indirect_dma source(%dma_start3A_60 : memref<100000xf32, #tpu.memory_space<hbm>>) target(%dma_start3A_53 : memref<128xf32, #tpu.memory_space<vmem>>) offsets(%dma_start3A_55 : memref<128xi32, #tpu.memory_space<vmem>>) semaphore(%arg10 : memref<!tpu.dma_semaphore, #tpu.memory_space<semaphore_mem>>)
    %dma_start3A_61 = arith.constant 768 : i32
    %dma_start3A_62 = tpu.memref_slice %arg6[%dma_start3A_61] : memref<2048xf32, #tpu.memory_space<vmem>> -> memref<128xf32, #tpu.memory_space<vmem>>
    %dma_start3A_63 = arith.constant 768 : i32
    %dma_start3A_64 = tpu.memref_slice %arg8[%dma_start3A_63] : memref<2048xi32, #tpu.memory_space<vmem>> -> memref<128xi32, #tpu.memory_space<vmem>>
    %dma_start3A_65 = arith.constant 0 : i32
    %dma_start3A_66 = tpu.memref_slice %arg2[%add3A_7, %dma_start3A_65] : memref<128x100000xf32, #tpu.memory_space<hbm>> -> memref<1x100000xf32, #tpu.memory_space<hbm>>
    %dma_start3A_67 = tpu.memref_squeeze %dma_start3A_66 : memref<1x100000xf32, #tpu.memory_space<hbm>> -> memref<100000xf32, #tpu.memory_space<hbm>>
    %dma_start3A_68 = arith.constant 0 : i32
    %dma_start3A_69 = tpu.memref_slice %dma_start3A_67[%dma_start3A_68] : memref<100000xf32, #tpu.memory_space<hbm>> -> memref<100000xf32, #tpu.memory_space<hbm>>
    tpu.enqueue_indirect_dma source(%dma_start3A_69 : memref<100000xf32, #tpu.memory_space<hbm>>) target(%dma_start3A_62 : memref<128xf32, #tpu.memory_space<vmem>>) offsets(%dma_start3A_64 : memref<128xi32, #tpu.memory_space<vmem>>) semaphore(%arg10 : memref<!tpu.dma_semaphore, #tpu.memory_space<semaphore_mem>>)
    %dma_start3A_70 = arith.constant 896 : i32
    %dma_start3A_71 = tpu.memref_slice %arg6[%dma_start3A_70] : memref<2048xf32, #tpu.memory_space<vmem>> -> memref<128xf32, #tpu.memory_space<vmem>>
    %dma_start3A_72 = arith.constant 896 : i32
    %dma_start3A_73 = tpu.memref_slice %arg8[%dma_start3A_72] : memref<2048xi32, #tpu.memory_space<vmem>> -> memref<128xi32, #tpu.memory_space<vmem>>
    %dma_start3A_74 = arith.constant 0 : i32
    %dma_start3A_75 = tpu.memref_slice %arg2[%add3A_7, %dma_start3A_74] : memref<128x100000xf32, #tpu.memory_space<hbm>> -> memref<1x100000xf32, #tpu.memory_space<hbm>>
    %dma_start3A_76 = tpu.memref_squeeze %dma_start3A_75 : memref<1x100000xf32, #tpu.memory_space<hbm>> -> memref<100000xf32, #tpu.memory_space<hbm>>
    %dma_start3A_77 = arith.constant 0 : i32
    %dma_start3A_78 = tpu.memref_slice %dma_start3A_76[%dma_start3A_77] : memref<100000xf32, #tpu.memory_space<hbm>> -> memref<100000xf32, #tpu.memory_space<hbm>>
    tpu.enqueue_indirect_dma source(%dma_start3A_78 : memref<100000xf32, #tpu.memory_space<hbm>>) target(%dma_start3A_71 : memref<128xf32, #tpu.memory_space<vmem>>) offsets(%dma_start3A_73 : memref<128xi32, #tpu.memory_space<vmem>>) semaphore(%arg10 : memref<!tpu.dma_semaphore, #tpu.memory_space<semaphore_mem>>)
    %dma_start3A_79 = arith.constant 1024 : i32
    %dma_start3A_80 = tpu.memref_slice %arg6[%dma_start3A_79] : memref<2048xf32, #tpu.memory_space<vmem>> -> memref<128xf32, #tpu.memory_space<vmem>>
    %dma_start3A_81 = arith.constant 1024 : i32
    %dma_start3A_82 = tpu.memref_slice %arg8[%dma_start3A_81] : memref<2048xi32, #tpu.memory_space<vmem>> -> memref<128xi32, #tpu.memory_space<vmem>>
    %dma_start3A_83 = arith.constant 0 : i32
    %dma_start3A_84 = tpu.memref_slice %arg2[%add3A_7, %dma_start3A_83] : memref<128x100000xf32, #tpu.memory_space<hbm>> -> memref<1x100000xf32, #tpu.memory_space<hbm>>
    %dma_start3A_85 = tpu.memref_squeeze %dma_start3A_84 : memref<1x100000xf32, #tpu.memory_space<hbm>> -> memref<100000xf32, #tpu.memory_space<hbm>>
    %dma_start3A_86 = arith.constant 0 : i32
    %dma_start3A_87 = tpu.memref_slice %dma_start3A_85[%dma_start3A_86] : memref<100000xf32, #tpu.memory_space<hbm>> -> memref<100000xf32, #tpu.memory_space<hbm>>
    tpu.enqueue_indirect_dma source(%dma_start3A_87 : memref<100000xf32, #tpu.memory_space<hbm>>) target(%dma_start3A_80 : memref<128xf32, #tpu.memory_space<vmem>>) offsets(%dma_start3A_82 : memref<128xi32, #tpu.memory_space<vmem>>) semaphore(%arg10 : memref<!tpu.dma_semaphore, #tpu.memory_space<semaphore_mem>>)
    %dma_start3A_88 = arith.constant 1152 : i32
    %dma_start3A_89 = tpu.memref_slice %arg6[%dma_start3A_88] : memref<2048xf32, #tpu.memory_space<vmem>> -> memref<128xf32, #tpu.memory_space<vmem>>
    %dma_start3A_90 = arith.constant 1152 : i32
    %dma_start3A_91 = tpu.memref_slice %arg8[%dma_start3A_90] : memref<2048xi32, #tpu.memory_space<vmem>> -> memref<128xi32, #tpu.memory_space<vmem>>
    %dma_start3A_92 = arith.constant 0 : i32
    %dma_start3A_93 = tpu.memref_slice %arg2[%add3A_7, %dma_start3A_92] : memref<128x100000xf32, #tpu.memory_space<hbm>> -> memref<1x100000xf32, #tpu.memory_space<hbm>>
    %dma_start3A_94 = tpu.memref_squeeze %dma_start3A_93 : memref<1x100000xf32, #tpu.memory_space<hbm>> -> memref<100000xf32, #tpu.memory_space<hbm>>
    %dma_start3A_95 = arith.constant 0 : i32
    %dma_start3A_96 = tpu.memref_slice %dma_start3A_94[%dma_start3A_95] : memref<100000xf32, #tpu.memory_space<hbm>> -> memref<100000xf32, #tpu.memory_space<hbm>>
    tpu.enqueue_indirect_dma source(%dma_start3A_96 : memref<100000xf32, #tpu.memory_space<hbm>>) target(%dma_start3A_89 : memref<128xf32, #tpu.memory_space<vmem>>) offsets(%dma_start3A_91 : memref<128xi32, #tpu.memory_space<vmem>>) semaphore(%arg10 : memref<!tpu.dma_semaphore, #tpu.memory_space<semaphore_mem>>)
    %dma_start3A_97 = arith.constant 1280 : i32
    %dma_start3A_98 = tpu.memref_slice %arg6[%dma_start3A_97] : memref<2048xf32, #tpu.memory_space<vmem>> -> memref<128xf32, #tpu.memory_space<vmem>>
    %dma_start3A_99 = arith.constant 1280 : i32
    %dma_start3A_100 = tpu.memref_slice %arg8[%dma_start3A_99] : memref<2048xi32, #tpu.memory_space<vmem>> -> memref<128xi32, #tpu.memory_space<vmem>>
    %dma_start3A_101 = arith.constant 0 : i32
    %dma_start3A_102 = tpu.memref_slice %arg2[%add3A_7, %dma_start3A_101] : memref<128x100000xf32, #tpu.memory_space<hbm>> -> memref<1x100000xf32, #tpu.memory_space<hbm>>
    %dma_start3A_103 = tpu.memref_squeeze %dma_start3A_102 : memref<1x100000xf32, #tpu.memory_space<hbm>> -> memref<100000xf32, #tpu.memory_space<hbm>>
    %dma_start3A_104 = arith.constant 0 : i32
    %dma_start3A_105 = tpu.memref_slice %dma_start3A_103[%dma_start3A_104] : memref<100000xf32, #tpu.memory_space<hbm>> -> memref<100000xf32, #tpu.memory_space<hbm>>
    tpu.enqueue_indirect_dma source(%dma_start3A_105 : memref<100000xf32, #tpu.memory_space<hbm>>) target(%dma_start3A_98 : memref<128xf32, #tpu.memory_space<vmem>>) offsets(%dma_start3A_100 : memref<128xi32, #tpu.memory_space<vmem>>) semaphore(%arg10 : memref<!tpu.dma_semaphore, #tpu.memory_space<semaphore_mem>>)
    %dma_start3A_106 = arith.constant 1408 : i32
    %dma_start3A_107 = tpu.memref_slice %arg6[%dma_start3A_106] : memref<2048xf32, #tpu.memory_space<vmem>> -> memref<128xf32, #tpu.memory_space<vmem>>
    %dma_start3A_108 = arith.constant 1408 : i32
    %dma_start3A_109 = tpu.memref_slice %arg8[%dma_start3A_108] : memref<2048xi32, #tpu.memory_space<vmem>> -> memref<128xi32, #tpu.memory_space<vmem>>
    %dma_start3A_110 = arith.constant 0 : i32
    %dma_start3A_111 = tpu.memref_slice %arg2[%add3A_7, %dma_start3A_110] : memref<128x100000xf32, #tpu.memory_space<hbm>> -> memref<1x100000xf32, #tpu.memory_space<hbm>>
    %dma_start3A_112 = tpu.memref_squeeze %dma_start3A_111 : memref<1x100000xf32, #tpu.memory_space<hbm>> -> memref<100000xf32, #tpu.memory_space<hbm>>
    %dma_start3A_113 = arith.constant 0 : i32
    %dma_start3A_114 = tpu.memref_slice %dma_start3A_112[%dma_start3A_113] : memref<100000xf32, #tpu.memory_space<hbm>> -> memref<100000xf32, #tpu.memory_space<hbm>>
    tpu.enqueue_indirect_dma source(%dma_start3A_114 : memref<100000xf32, #tpu.memory_space<hbm>>) target(%dma_start3A_107 : memref<128xf32, #tpu.memory_space<vmem>>) offsets(%dma_start3A_109 : memref<128xi32, #tpu.memory_space<vmem>>) semaphore(%arg10 : memref<!tpu.dma_semaphore, #tpu.memory_space<semaphore_mem>>)
    %dma_start3A_115 = arith.constant 1536 : i32
    %dma_start3A_116 = tpu.memref_slice %arg6[%dma_start3A_115] : memref<2048xf32, #tpu.memory_space<vmem>> -> memref<128xf32, #tpu.memory_space<vmem>>
    %dma_start3A_117 = arith.constant 1536 : i32
    %dma_start3A_118 = tpu.memref_slice %arg8[%dma_start3A_117] : memref<2048xi32, #tpu.memory_space<vmem>> -> memref<128xi32, #tpu.memory_space<vmem>>
    %dma_start3A_119 = arith.constant 0 : i32
    %dma_start3A_120 = tpu.memref_slice %arg2[%add3A_7, %dma_start3A_119] : memref<128x100000xf32, #tpu.memory_space<hbm>> -> memref<1x100000xf32, #tpu.memory_space<hbm>>
    %dma_start3A_121 = tpu.memref_squeeze %dma_start3A_120 : memref<1x100000xf32, #tpu.memory_space<hbm>> -> memref<100000xf32, #tpu.memory_space<hbm>>
    %dma_start3A_122 = arith.constant 0 : i32
    %dma_start3A_123 = tpu.memref_slice %dma_start3A_121[%dma_start3A_122] : memref<100000xf32, #tpu.memory_space<hbm>> -> memref<100000xf32, #tpu.memory_space<hbm>>
    tpu.enqueue_indirect_dma source(%dma_start3A_123 : memref<100000xf32, #tpu.memory_space<hbm>>) target(%dma_start3A_116 : memref<128xf32, #tpu.memory_space<vmem>>) offsets(%dma_start3A_118 : memref<128xi32, #tpu.memory_space<vmem>>) semaphore(%arg10 : memref<!tpu.dma_semaphore, #tpu.memory_space<semaphore_mem>>)
    %dma_start3A_124 = arith.constant 1664 : i32
    %dma_start3A_125 = tpu.memref_slice %arg6[%dma_start3A_124] : memref<2048xf32, #tpu.memory_space<vmem>> -> memref<128xf32, #tpu.memory_space<vmem>>
    %dma_start3A_126 = arith.constant 1664 : i32
    %dma_start3A_127 = tpu.memref_slice %arg8[%dma_start3A_126] : memref<2048xi32, #tpu.memory_space<vmem>> -> memref<128xi32, #tpu.memory_space<vmem>>
    %dma_start3A_128 = arith.constant 0 : i32
    %dma_start3A_129 = tpu.memref_slice %arg2[%add3A_7, %dma_start3A_128] : memref<128x100000xf32, #tpu.memory_space<hbm>> -> memref<1x100000xf32, #tpu.memory_space<hbm>>
    %dma_start3A_130 = tpu.memref_squeeze %dma_start3A_129 : memref<1x100000xf32, #tpu.memory_space<hbm>> -> memref<100000xf32, #tpu.memory_space<hbm>>
    %dma_start3A_131 = arith.constant 0 : i32
    %dma_start3A_132 = tpu.memref_slice %dma_start3A_130[%dma_start3A_131] : memref<100000xf32, #tpu.memory_space<hbm>> -> memref<100000xf32, #tpu.memory_space<hbm>>
    tpu.enqueue_indirect_dma source(%dma_start3A_132 : memref<100000xf32, #tpu.memory_space<hbm>>) target(%dma_start3A_125 : memref<128xf32, #tpu.memory_space<vmem>>) offsets(%dma_start3A_127 : memref<128xi32, #tpu.memory_space<vmem>>) semaphore(%arg10 : memref<!tpu.dma_semaphore, #tpu.memory_space<semaphore_mem>>)
    %dma_start3A_133 = arith.constant 1792 : i32
    %dma_start3A_134 = tpu.memref_slice %arg6[%dma_start3A_133] : memref<2048xf32, #tpu.memory_space<vmem>> -> memref<128xf32, #tpu.memory_space<vmem>>
    %dma_start3A_135 = arith.constant 1792 : i32
    %dma_start3A_136 = tpu.memref_slice %arg8[%dma_start3A_135] : memref<2048xi32, #tpu.memory_space<vmem>> -> memref<128xi32, #tpu.memory_space<vmem>>
    %dma_start3A_137 = arith.constant 0 : i32
    %dma_start3A_138 = tpu.memref_slice %arg2[%add3A_7, %dma_start3A_137] : memref<128x100000xf32, #tpu.memory_space<hbm>> -> memref<1x100000xf32, #tpu.memory_space<hbm>>
    %dma_start3A_139 = tpu.memref_squeeze %dma_start3A_138 : memref<1x100000xf32, #tpu.memory_space<hbm>> -> memref<100000xf32, #tpu.memory_space<hbm>>
    %dma_start3A_140 = arith.constant 0 : i32
    %dma_start3A_141 = tpu.memref_slice %dma_start3A_139[%dma_start3A_140] : memref<100000xf32, #tpu.memory_space<hbm>> -> memref<100000xf32, #tpu.memory_space<hbm>>
    tpu.enqueue_indirect_dma source(%dma_start3A_141 : memref<100000xf32, #tpu.memory_space<hbm>>) target(%dma_start3A_134 : memref<128xf32, #tpu.memory_space<vmem>>) offsets(%dma_start3A_136 : memref<128xi32, #tpu.memory_space<vmem>>) semaphore(%arg10 : memref<!tpu.dma_semaphore, #tpu.memory_space<semaphore_mem>>)
    %dma_start3A_142 = arith.constant 1920 : i32
    %dma_start3A_143 = tpu.memref_slice %arg6[%dma_start3A_142] : memref<2048xf32, #tpu.memory_space<vmem>> -> memref<128xf32, #tpu.memory_space<vmem>>
    %dma_start3A_144 = arith.constant 1920 : i32
    %dma_start3A_145 = tpu.memref_slice %arg8[%dma_start3A_144] : memref<2048xi32, #tpu.memory_space<vmem>> -> memref<128xi32, #tpu.memory_space<vmem>>
    %dma_start3A_146 = arith.constant 0 : i32
    %dma_start3A_147 = tpu.memref_slice %arg2[%add3A_7, %dma_start3A_146] : memref<128x100000xf32, #tpu.memory_space<hbm>> -> memref<1x100000xf32, #tpu.memory_space<hbm>>
    %dma_start3A_148 = tpu.memref_squeeze %dma_start3A_147 : memref<1x100000xf32, #tpu.memory_space<hbm>> -> memref<100000xf32, #tpu.memory_space<hbm>>
    %dma_start3A_149 = arith.constant 0 : i32
    %dma_start3A_150 = tpu.memref_slice %dma_start3A_148[%dma_start3A_149] : memref<100000xf32, #tpu.memory_space<hbm>> -> memref<100000xf32, #tpu.memory_space<hbm>>
    tpu.enqueue_indirect_dma source(%dma_start3A_150 : memref<100000xf32, #tpu.memory_space<hbm>>) target(%dma_start3A_143 : memref<128xf32, #tpu.memory_space<vmem>>) offsets(%dma_start3A_145 : memref<128xi32, #tpu.memory_space<vmem>>) semaphore(%arg10 : memref<!tpu.dma_semaphore, #tpu.memory_space<semaphore_mem>>)
    %dma_wait3A = arith.constant 0 : i32
    %dma_wait3A_151 = tpu.memref_slice %arg6[%dma_wait3A] : memref<2048xf32, #tpu.memory_space<vmem>> -> memref<128xf32, #tpu.memory_space<vmem>>
    %dma_wait3A_152 = arith.constant 0 : i32
    %dma_wait3A_153 = tpu.memref_slice %arg8[%dma_wait3A_152] : memref<2048xi32, #tpu.memory_space<vmem>> -> memref<128xi32, #tpu.memory_space<vmem>>
    %dma_wait3A_154 = arith.constant 0 : i32
    %dma_wait3A_155 = tpu.memref_slice %arg2[%add3A_7, %dma_wait3A_154] : memref<128x100000xf32, #tpu.memory_space<hbm>> -> memref<1x100000xf32, #tpu.memory_space<hbm>>
    %dma_wait3A_156 = tpu.memref_squeeze %dma_wait3A_155 : memref<1x100000xf32, #tpu.memory_space<hbm>> -> memref<100000xf32, #tpu.memory_space<hbm>>
    %dma_wait3A_157 = arith.constant 0 : i32
    %dma_wait3A_158 = tpu.memref_slice %dma_wait3A_156[%dma_wait3A_157] : memref<100000xf32, #tpu.memory_space<hbm>> -> memref<100000xf32, #tpu.memory_space<hbm>>
    tpu.wait_indirect_dma semaphore(%arg10 : memref<!tpu.dma_semaphore, #tpu.memory_space<semaphore_mem>>) src(%dma_wait3A_158 : memref<100000xf32, #tpu.memory_space<hbm>>) dst(%dma_wait3A_151 : memref<128xf32, #tpu.memory_space<vmem>>)
    %dma_wait3A_159 = arith.constant 128 : i32
    %dma_wait3A_160 = tpu.memref_slice %arg6[%dma_wait3A_159] : memref<2048xf32, #tpu.memory_space<vmem>> -> memref<128xf32, #tpu.memory_space<vmem>>
    %dma_wait3A_161 = arith.constant 128 : i32
    %dma_wait3A_162 = tpu.memref_slice %arg8[%dma_wait3A_161] : memref<2048xi32, #tpu.memory_space<vmem>> -> memref<128xi32, #tpu.memory_space<vmem>>
    %dma_wait3A_163 = arith.constant 0 : i32
    %dma_wait3A_164 = tpu.memref_slice %arg2[%add3A_7, %dma_wait3A_163] : memref<128x100000xf32, #tpu.memory_space<hbm>> -> memref<1x100000xf32, #tpu.memory_space<hbm>>
    %dma_wait3A_165 = tpu.memref_squeeze %dma_wait3A_164 : memref<1x100000xf32, #tpu.memory_space<hbm>> -> memref<100000xf32, #tpu.memory_space<hbm>>
    %dma_wait3A_166 = arith.constant 0 : i32
    %dma_wait3A_167 = tpu.memref_slice %dma_wait3A_165[%dma_wait3A_166] : memref<100000xf32, #tpu.memory_space<hbm>> -> memref<100000xf32, #tpu.memory_space<hbm>>
    tpu.wait_indirect_dma semaphore(%arg10 : memref<!tpu.dma_semaphore, #tpu.memory_space<semaphore_mem>>) src(%dma_wait3A_167 : memref<100000xf32, #tpu.memory_space<hbm>>) dst(%dma_wait3A_160 : memref<128xf32, #tpu.memory_space<vmem>>)
    %dma_wait3A_168 = arith.constant 256 : i32
    %dma_wait3A_169 = tpu.memref_slice %arg6[%dma_wait3A_168] : memref<2048xf32, #tpu.memory_space<vmem>> -> memref<128xf32, #tpu.memory_space<vmem>>
    %dma_wait3A_170 = arith.constant 256 : i32
    %dma_wait3A_171 = tpu.memref_slice %arg8[%dma_wait3A_170] : memref<2048xi32, #tpu.memory_space<vmem>> -> memref<128xi32, #tpu.memory_space<vmem>>
    %dma_wait3A_172 = arith.constant 0 : i32
    %dma_wait3A_173 = tpu.memref_slice %arg2[%add3A_7, %dma_wait3A_172] : memref<128x100000xf32, #tpu.memory_space<hbm>> -> memref<1x100000xf32, #tpu.memory_space<hbm>>
    %dma_wait3A_174 = tpu.memref_squeeze %dma_wait3A_173 : memref<1x100000xf32, #tpu.memory_space<hbm>> -> memref<100000xf32, #tpu.memory_space<hbm>>
    %dma_wait3A_175 = arith.constant 0 : i32
    %dma_wait3A_176 = tpu.memref_slice %dma_wait3A_174[%dma_wait3A_175] : memref<100000xf32, #tpu.memory_space<hbm>> -> memref<100000xf32, #tpu.memory_space<hbm>>
    tpu.wait_indirect_dma semaphore(%arg10 : memref<!tpu.dma_semaphore, #tpu.memory_space<semaphore_mem>>) src(%dma_wait3A_176 : memref<100000xf32, #tpu.memory_space<hbm>>) dst(%dma_wait3A_169 : memref<128xf32, #tpu.memory_space<vmem>>)
    %dma_wait3A_177 = arith.constant 384 : i32
    %dma_wait3A_178 = tpu.memref_slice %arg6[%dma_wait3A_177] : memref<2048xf32, #tpu.memory_space<vmem>> -> memref<128xf32, #tpu.memory_space<vmem>>
    %dma_wait3A_179 = arith.constant 384 : i32
    %dma_wait3A_180 = tpu.memref_slice %arg8[%dma_wait3A_179] : memref<2048xi32, #tpu.memory_space<vmem>> -> memref<128xi32, #tpu.memory_space<vmem>>
    %dma_wait3A_181 = arith.constant 0 : i32
    %dma_wait3A_182 = tpu.memref_slice %arg2[%add3A_7, %dma_wait3A_181] : memref<128x100000xf32, #tpu.memory_space<hbm>> -> memref<1x100000xf32, #tpu.memory_space<hbm>>
    %dma_wait3A_183 = tpu.memref_squeeze %dma_wait3A_182 : memref<1x100000xf32, #tpu.memory_space<hbm>> -> memref<100000xf32, #tpu.memory_space<hbm>>
    %dma_wait3A_184 = arith.constant 0 : i32
    %dma_wait3A_185 = tpu.memref_slice %dma_wait3A_183[%dma_wait3A_184] : memref<100000xf32, #tpu.memory_space<hbm>> -> memref<100000xf32, #tpu.memory_space<hbm>>
    tpu.wait_indirect_dma semaphore(%arg10 : memref<!tpu.dma_semaphore, #tpu.memory_space<semaphore_mem>>) src(%dma_wait3A_185 : memref<100000xf32, #tpu.memory_space<hbm>>) dst(%dma_wait3A_178 : memref<128xf32, #tpu.memory_space<vmem>>)
    %dma_wait3A_186 = arith.constant 512 : i32
    %dma_wait3A_187 = tpu.memref_slice %arg6[%dma_wait3A_186] : memref<2048xf32, #tpu.memory_space<vmem>> -> memref<128xf32, #tpu.memory_space<vmem>>
    %dma_wait3A_188 = arith.constant 512 : i32
    %dma_wait3A_189 = tpu.memref_slice %arg8[%dma_wait3A_188] : memref<2048xi32, #tpu.memory_space<vmem>> -> memref<128xi32, #tpu.memory_space<vmem>>
    %dma_wait3A_190 = arith.constant 0 : i32
    %dma_wait3A_191 = tpu.memref_slice %arg2[%add3A_7, %dma_wait3A_190] : memref<128x100000xf32, #tpu.memory_space<hbm>> -> memref<1x100000xf32, #tpu.memory_space<hbm>>
    %dma_wait3A_192 = tpu.memref_squeeze %dma_wait3A_191 : memref<1x100000xf32, #tpu.memory_space<hbm>> -> memref<100000xf32, #tpu.memory_space<hbm>>
    %dma_wait3A_193 = arith.constant 0 : i32
    %dma_wait3A_194 = tpu.memref_slice %dma_wait3A_192[%dma_wait3A_193] : memref<100000xf32, #tpu.memory_space<hbm>> -> memref<100000xf32, #tpu.memory_space<hbm>>
    tpu.wait_indirect_dma semaphore(%arg10 : memref<!tpu.dma_semaphore, #tpu.memory_space<semaphore_mem>>) src(%dma_wait3A_194 : memref<100000xf32, #tpu.memory_space<hbm>>) dst(%dma_wait3A_187 : memref<128xf32, #tpu.memory_space<vmem>>)
    %dma_wait3A_195 = arith.constant 640 : i32
    %dma_wait3A_196 = tpu.memref_slice %arg6[%dma_wait3A_195] : memref<2048xf32, #tpu.memory_space<vmem>> -> memref<128xf32, #tpu.memory_space<vmem>>
    %dma_wait3A_197 = arith.constant 640 : i32
    %dma_wait3A_198 = tpu.memref_slice %arg8[%dma_wait3A_197] : memref<2048xi32, #tpu.memory_space<vmem>> -> memref<128xi32, #tpu.memory_space<vmem>>
    %dma_wait3A_199 = arith.constant 0 : i32
    %dma_wait3A_200 = tpu.memref_slice %arg2[%add3A_7, %dma_wait3A_199] : memref<128x100000xf32, #tpu.memory_space<hbm>> -> memref<1x100000xf32, #tpu.memory_space<hbm>>
    %dma_wait3A_201 = tpu.memref_squeeze %dma_wait3A_200 : memref<1x100000xf32, #tpu.memory_space<hbm>> -> memref<100000xf32, #tpu.memory_space<hbm>>
    %dma_wait3A_202 = arith.constant 0 : i32
    %dma_wait3A_203 = tpu.memref_slice %dma_wait3A_201[%dma_wait3A_202] : memref<100000xf32, #tpu.memory_space<hbm>> -> memref<100000xf32, #tpu.memory_space<hbm>>
    tpu.wait_indirect_dma semaphore(%arg10 : memref<!tpu.dma_semaphore, #tpu.memory_space<semaphore_mem>>) src(%dma_wait3A_203 : memref<100000xf32, #tpu.memory_space<hbm>>) dst(%dma_wait3A_196 : memref<128xf32, #tpu.memory_space<vmem>>)
    %dma_wait3A_204 = arith.constant 768 : i32
    %dma_wait3A_205 = tpu.memref_slice %arg6[%dma_wait3A_204] : memref<2048xf32, #tpu.memory_space<vmem>> -> memref<128xf32, #tpu.memory_space<vmem>>
    %dma_wait3A_206 = arith.constant 768 : i32
    %dma_wait3A_207 = tpu.memref_slice %arg8[%dma_wait3A_206] : memref<2048xi32, #tpu.memory_space<vmem>> -> memref<128xi32, #tpu.memory_space<vmem>>
    %dma_wait3A_208 = arith.constant 0 : i32
    %dma_wait3A_209 = tpu.memref_slice %arg2[%add3A_7, %dma_wait3A_208] : memref<128x100000xf32, #tpu.memory_space<hbm>> -> memref<1x100000xf32, #tpu.memory_space<hbm>>
    %dma_wait3A_210 = tpu.memref_squeeze %dma_wait3A_209 : memref<1x100000xf32, #tpu.memory_space<hbm>> -> memref<100000xf32, #tpu.memory_space<hbm>>
    %dma_wait3A_211 = arith.constant 0 : i32
    %dma_wait3A_212 = tpu.memref_slice %dma_wait3A_210[%dma_wait3A_211] : memref<100000xf32, #tpu.memory_space<hbm>> -> memref<100000xf32, #tpu.memory_space<hbm>>
    tpu.wait_indirect_dma semaphore(%arg10 : memref<!tpu.dma_semaphore, #tpu.memory_space<semaphore_mem>>) src(%dma_wait3A_212 : memref<100000xf32, #tpu.memory_space<hbm>>) dst(%dma_wait3A_205 : memref<128xf32, #tpu.memory_space<vmem>>)
    %dma_wait3A_213 = arith.constant 896 : i32
    %dma_wait3A_214 = tpu.memref_slice %arg6[%dma_wait3A_213] : memref<2048xf32, #tpu.memory_space<vmem>> -> memref<128xf32, #tpu.memory_space<vmem>>
    %dma_wait3A_215 = arith.constant 896 : i32
    %dma_wait3A_216 = tpu.memref_slice %arg8[%dma_wait3A_215] : memref<2048xi32, #tpu.memory_space<vmem>> -> memref<128xi32, #tpu.memory_space<vmem>>
    %dma_wait3A_217 = arith.constant 0 : i32
    %dma_wait3A_218 = tpu.memref_slice %arg2[%add3A_7, %dma_wait3A_217] : memref<128x100000xf32, #tpu.memory_space<hbm>> -> memref<1x100000xf32, #tpu.memory_space<hbm>>
    %dma_wait3A_219 = tpu.memref_squeeze %dma_wait3A_218 : memref<1x100000xf32, #tpu.memory_space<hbm>> -> memref<100000xf32, #tpu.memory_space<hbm>>
    %dma_wait3A_220 = arith.constant 0 : i32
    %dma_wait3A_221 = tpu.memref_slice %dma_wait3A_219[%dma_wait3A_220] : memref<100000xf32, #tpu.memory_space<hbm>> -> memref<100000xf32, #tpu.memory_space<hbm>>
    tpu.wait_indirect_dma semaphore(%arg10 : memref<!tpu.dma_semaphore, #tpu.memory_space<semaphore_mem>>) src(%dma_wait3A_221 : memref<100000xf32, #tpu.memory_space<hbm>>) dst(%dma_wait3A_214 : memref<128xf32, #tpu.memory_space<vmem>>)
    %dma_wait3A_222 = arith.constant 1024 : i32
    %dma_wait3A_223 = tpu.memref_slice %arg6[%dma_wait3A_222] : memref<2048xf32, #tpu.memory_space<vmem>> -> memref<128xf32, #tpu.memory_space<vmem>>
    %dma_wait3A_224 = arith.constant 1024 : i32
    %dma_wait3A_225 = tpu.memref_slice %arg8[%dma_wait3A_224] : memref<2048xi32, #tpu.memory_space<vmem>> -> memref<128xi32, #tpu.memory_space<vmem>>
    %dma_wait3A_226 = arith.constant 0 : i32
    %dma_wait3A_227 = tpu.memref_slice %arg2[%add3A_7, %dma_wait3A_226] : memref<128x100000xf32, #tpu.memory_space<hbm>> -> memref<1x100000xf32, #tpu.memory_space<hbm>>
    %dma_wait3A_228 = tpu.memref_squeeze %dma_wait3A_227 : memref<1x100000xf32, #tpu.memory_space<hbm>> -> memref<100000xf32, #tpu.memory_space<hbm>>
    %dma_wait3A_229 = arith.constant 0 : i32
    %dma_wait3A_230 = tpu.memref_slice %dma_wait3A_228[%dma_wait3A_229] : memref<100000xf32, #tpu.memory_space<hbm>> -> memref<100000xf32, #tpu.memory_space<hbm>>
    tpu.wait_indirect_dma semaphore(%arg10 : memref<!tpu.dma_semaphore, #tpu.memory_space<semaphore_mem>>) src(%dma_wait3A_230 : memref<100000xf32, #tpu.memory_space<hbm>>) dst(%dma_wait3A_223 : memref<128xf32, #tpu.memory_space<vmem>>)
    %dma_wait3A_231 = arith.constant 1152 : i32
    %dma_wait3A_232 = tpu.memref_slice %arg6[%dma_wait3A_231] : memref<2048xf32, #tpu.memory_space<vmem>> -> memref<128xf32, #tpu.memory_space<vmem>>
    %dma_wait3A_233 = arith.constant 1152 : i32
    %dma_wait3A_234 = tpu.memref_slice %arg8[%dma_wait3A_233] : memref<2048xi32, #tpu.memory_space<vmem>> -> memref<128xi32, #tpu.memory_space<vmem>>
    %dma_wait3A_235 = arith.constant 0 : i32
    %dma_wait3A_236 = tpu.memref_slice %arg2[%add3A_7, %dma_wait3A_235] : memref<128x100000xf32, #tpu.memory_space<hbm>> -> memref<1x100000xf32, #tpu.memory_space<hbm>>
    %dma_wait3A_237 = tpu.memref_squeeze %dma_wait3A_236 : memref<1x100000xf32, #tpu.memory_space<hbm>> -> memref<100000xf32, #tpu.memory_space<hbm>>
    %dma_wait3A_238 = arith.constant 0 : i32
    %dma_wait3A_239 = tpu.memref_slice %dma_wait3A_237[%dma_wait3A_238] : memref<100000xf32, #tpu.memory_space<hbm>> -> memref<100000xf32, #tpu.memory_space<hbm>>
    tpu.wait_indirect_dma semaphore(%arg10 : memref<!tpu.dma_semaphore, #tpu.memory_space<semaphore_mem>>) src(%dma_wait3A_239 : memref<100000xf32, #tpu.memory_space<hbm>>) dst(%dma_wait3A_232 : memref<128xf32, #tpu.memory_space<vmem>>)
    %dma_wait3A_240 = arith.constant 1280 : i32
    %dma_wait3A_241 = tpu.memref_slice %arg6[%dma_wait3A_240] : memref<2048xf32, #tpu.memory_space<vmem>> -> memref<128xf32, #tpu.memory_space<vmem>>
    %dma_wait3A_242 = arith.constant 1280 : i32
    %dma_wait3A_243 = tpu.memref_slice %arg8[%dma_wait3A_242] : memref<2048xi32, #tpu.memory_space<vmem>> -> memref<128xi32, #tpu.memory_space<vmem>>
    %dma_wait3A_244 = arith.constant 0 : i32
    %dma_wait3A_245 = tpu.memref_slice %arg2[%add3A_7, %dma_wait3A_244] : memref<128x100000xf32, #tpu.memory_space<hbm>> -> memref<1x100000xf32, #tpu.memory_space<hbm>>
    %dma_wait3A_246 = tpu.memref_squeeze %dma_wait3A_245 : memref<1x100000xf32, #tpu.memory_space<hbm>> -> memref<100000xf32, #tpu.memory_space<hbm>>
    %dma_wait3A_247 = arith.constant 0 : i32
    %dma_wait3A_248 = tpu.memref_slice %dma_wait3A_246[%dma_wait3A_247] : memref<100000xf32, #tpu.memory_space<hbm>> -> memref<100000xf32, #tpu.memory_space<hbm>>
    tpu.wait_indirect_dma semaphore(%arg10 : memref<!tpu.dma_semaphore, #tpu.memory_space<semaphore_mem>>) src(%dma_wait3A_248 : memref<100000xf32, #tpu.memory_space<hbm>>) dst(%dma_wait3A_241 : memref<128xf32, #tpu.memory_space<vmem>>)
    %dma_wait3A_249 = arith.constant 1408 : i32
    %dma_wait3A_250 = tpu.memref_slice %arg6[%dma_wait3A_249] : memref<2048xf32, #tpu.memory_space<vmem>> -> memref<128xf32, #tpu.memory_space<vmem>>
    %dma_wait3A_251 = arith.constant 1408 : i32
    %dma_wait3A_252 = tpu.memref_slice %arg8[%dma_wait3A_251] : memref<2048xi32, #tpu.memory_space<vmem>> -> memref<128xi32, #tpu.memory_space<vmem>>
    %dma_wait3A_253 = arith.constant 0 : i32
    %dma_wait3A_254 = tpu.memref_slice %arg2[%add3A_7, %dma_wait3A_253] : memref<128x100000xf32, #tpu.memory_space<hbm>> -> memref<1x100000xf32, #tpu.memory_space<hbm>>
    %dma_wait3A_255 = tpu.memref_squeeze %dma_wait3A_254 : memref<1x100000xf32, #tpu.memory_space<hbm>> -> memref<100000xf32, #tpu.memory_space<hbm>>
    %dma_wait3A_256 = arith.constant 0 : i32
    %dma_wait3A_257 = tpu.memref_slice %dma_wait3A_255[%dma_wait3A_256] : memref<100000xf32, #tpu.memory_space<hbm>> -> memref<100000xf32, #tpu.memory_space<hbm>>
    tpu.wait_indirect_dma semaphore(%arg10 : memref<!tpu.dma_semaphore, #tpu.memory_space<semaphore_mem>>) src(%dma_wait3A_257 : memref<100000xf32, #tpu.memory_space<hbm>>) dst(%dma_wait3A_250 : memref<128xf32, #tpu.memory_space<vmem>>)
    %dma_wait3A_258 = arith.constant 1536 : i32
    %dma_wait3A_259 = tpu.memref_slice %arg6[%dma_wait3A_258] : memref<2048xf32, #tpu.memory_space<vmem>> -> memref<128xf32, #tpu.memory_space<vmem>>
    %dma_wait3A_260 = arith.constant 1536 : i32
    %dma_wait3A_261 = tpu.memref_slice %arg8[%dma_wait3A_260] : memref<2048xi32, #tpu.memory_space<vmem>> -> memref<128xi32, #tpu.memory_space<vmem>>
    %dma_wait3A_262 = arith.constant 0 : i32
    %dma_wait3A_263 = tpu.memref_slice %arg2[%add3A_7, %dma_wait3A_262] : memref<128x100000xf32, #tpu.memory_space<hbm>> -> memref<1x100000xf32, #tpu.memory_space<hbm>>
    %dma_wait3A_264 = tpu.memref_squeeze %dma_wait3A_263 : memref<1x100000xf32, #tpu.memory_space<hbm>> -> memref<100000xf32, #tpu.memory_space<hbm>>
    %dma_wait3A_265 = arith.constant 0 : i32
    %dma_wait3A_266 = tpu.memref_slice %dma_wait3A_264[%dma_wait3A_265] : memref<100000xf32, #tpu.memory_space<hbm>> -> memref<100000xf32, #tpu.memory_space<hbm>>
    tpu.wait_indirect_dma semaphore(%arg10 : memref<!tpu.dma_semaphore, #tpu.memory_space<semaphore_mem>>) src(%dma_wait3A_266 : memref<100000xf32, #tpu.memory_space<hbm>>) dst(%dma_wait3A_259 : memref<128xf32, #tpu.memory_space<vmem>>)
    %dma_wait3A_267 = arith.constant 1664 : i32
    %dma_wait3A_268 = tpu.memref_slice %arg6[%dma_wait3A_267] : memref<2048xf32, #tpu.memory_space<vmem>> -> memref<128xf32, #tpu.memory_space<vmem>>
    %dma_wait3A_269 = arith.constant 1664 : i32
    %dma_wait3A_270 = tpu.memref_slice %arg8[%dma_wait3A_269] : memref<2048xi32, #tpu.memory_space<vmem>> -> memref<128xi32, #tpu.memory_space<vmem>>
    %dma_wait3A_271 = arith.constant 0 : i32
    %dma_wait3A_272 = tpu.memref_slice %arg2[%add3A_7, %dma_wait3A_271] : memref<128x100000xf32, #tpu.memory_space<hbm>> -> memref<1x100000xf32, #tpu.memory_space<hbm>>
    %dma_wait3A_273 = tpu.memref_squeeze %dma_wait3A_272 : memref<1x100000xf32, #tpu.memory_space<hbm>> -> memref<100000xf32, #tpu.memory_space<hbm>>
    %dma_wait3A_274 = arith.constant 0 : i32
    %dma_wait3A_275 = tpu.memref_slice %dma_wait3A_273[%dma_wait3A_274] : memref<100000xf32, #tpu.memory_space<hbm>> -> memref<100000xf32, #tpu.memory_space<hbm>>
    tpu.wait_indirect_dma semaphore(%arg10 : memref<!tpu.dma_semaphore, #tpu.memory_space<semaphore_mem>>) src(%dma_wait3A_275 : memref<100000xf32, #tpu.memory_space<hbm>>) dst(%dma_wait3A_268 : memref<128xf32, #tpu.memory_space<vmem>>)
    %dma_wait3A_276 = arith.constant 1792 : i32
    %dma_wait3A_277 = tpu.memref_slice %arg6[%dma_wait3A_276] : memref<2048xf32, #tpu.memory_space<vmem>> -> memref<128xf32, #tpu.memory_space<vmem>>
    %dma_wait3A_278 = arith.constant 1792 : i32
    %dma_wait3A_279 = tpu.memref_slice %arg8[%dma_wait3A_278] : memref<2048xi32, #tpu.memory_space<vmem>> -> memref<128xi32, #tpu.memory_space<vmem>>
    %dma_wait3A_280 = arith.constant 0 : i32
    %dma_wait3A_281 = tpu.memref_slice %arg2[%add3A_7, %dma_wait3A_280] : memref<128x100000xf32, #tpu.memory_space<hbm>> -> memref<1x100000xf32, #tpu.memory_space<hbm>>
    %dma_wait3A_282 = tpu.memref_squeeze %dma_wait3A_281 : memref<1x100000xf32, #tpu.memory_space<hbm>> -> memref<100000xf32, #tpu.memory_space<hbm>>
    %dma_wait3A_283 = arith.constant 0 : i32
    %dma_wait3A_284 = tpu.memref_slice %dma_wait3A_282[%dma_wait3A_283] : memref<100000xf32, #tpu.memory_space<hbm>> -> memref<100000xf32, #tpu.memory_space<hbm>>
    tpu.wait_indirect_dma semaphore(%arg10 : memref<!tpu.dma_semaphore, #tpu.memory_space<semaphore_mem>>) src(%dma_wait3A_284 : memref<100000xf32, #tpu.memory_space<hbm>>) dst(%dma_wait3A_277 : memref<128xf32, #tpu.memory_space<vmem>>)
    %dma_wait3A_285 = arith.constant 1920 : i32
    %dma_wait3A_286 = tpu.memref_slice %arg6[%dma_wait3A_285] : memref<2048xf32, #tpu.memory_space<vmem>> -> memref<128xf32, #tpu.memory_space<vmem>>
    %dma_wait3A_287 = arith.constant 1920 : i32
    %dma_wait3A_288 = tpu.memref_slice %arg8[%dma_wait3A_287] : memref<2048xi32, #tpu.memory_space<vmem>> -> memref<128xi32, #tpu.memory_space<vmem>>
    %dma_wait3A_289 = arith.constant 0 : i32
    %dma_wait3A_290 = tpu.memref_slice %arg2[%add3A_7, %dma_wait3A_289] : memref<128x100000xf32, #tpu.memory_space<hbm>> -> memref<1x100000xf32, #tpu.memory_space<hbm>>
    %dma_wait3A_291 = tpu.memref_squeeze %dma_wait3A_290 : memref<1x100000xf32, #tpu.memory_space<hbm>> -> memref<100000xf32, #tpu.memory_space<hbm>>
    %dma_wait3A_292 = arith.constant 0 : i32
    %dma_wait3A_293 = tpu.memref_slice %dma_wait3A_291[%dma_wait3A_292] : memref<100000xf32, #tpu.memory_space<hbm>> -> memref<100000xf32, #tpu.memory_space<hbm>>
    tpu.wait_indirect_dma semaphore(%arg10 : memref<!tpu.dma_semaphore, #tpu.memory_space<semaphore_mem>>) src(%dma_wait3A_293 : memref<100000xf32, #tpu.memory_space<hbm>>) dst(%dma_wait3A_286 : memref<128xf32, #tpu.memory_space<vmem>>)
    %scan3A = arith.constant 0 : i32
    %scan3A_294 = arith.constant 128 : i32
    %scan3A_295 = arith.addi %scan3A, %scan3A_294 : i32
    %scan3A_296 = arith.constant 1 : i32
    %scan3A_297:2 = scf.for %scan3A_1454 = %scan3A to %scan3A_295 step %scan3A_296 iter_args(%scan3A_1455 = %broadcast_in_dim3A_3, %scan3A_1456 = %broadcast_in_dim3A_5) -> (vector<16xf32>, vector<16xi32>)  : i32 {
      %mul3A_1457 = arith.constant 16 : i32
      %mul3A_1458 = arith.muli %scan3A_1454, %mul3A_1457 : i32
      %get3A = arith.index_cast %mul3A_1458 : i32 to index
      %get3A_1459 = tpu.vector_load %arg6[%get3A] {strides = array<i32>} : memref<2048xf32, #tpu.memory_space<vmem>>, vector<16xf32>,
      %get3A_1460 = vector.shape_cast %get3A_1459 : vector<16xf32> to vector<16xf32>
      %mul3A_1461 = arith.constant 16 : i32
      %mul3A_1462 = arith.muli %scan3A_1454, %mul3A_1461 : i32
      %get3A_1463 = arith.index_cast %mul3A_1462 : i32 to index
      %get3A_1464 = tpu.vector_load %arg7[%get3A_1463] {strides = array<i32>} : memref<2048xf32, #tpu.memory_space<vmem>>, vector<16xf32>,
      %get3A_1465 = vector.shape_cast %get3A_1464 : vector<16xf32> to vector<16xf32>
      %add3A_1466 = arith.addf %get3A_1460, %get3A_1465 : vector<16xf32>
      %mul3A_1467 = arith.constant 16 : i32
      %mul3A_1468 = arith.muli %scan3A_1454, %mul3A_1467 : i32
      %get3A_1469 = arith.index_cast %mul3A_1468 : i32 to index
      %get3A_1470 = tpu.vector_load %arg8[%get3A_1469] {strides = array<i32>} : memref<2048xi32, #tpu.memory_space<vmem>>, vector<16xi32>,
      %get3A_1471 = vector.shape_cast %get3A_1470 : vector<16xi32> to vector<16xi32>
      %gt3A_1472 = arith.cmpf ogt, %add3A_1466, %scan3A_1455 : vector<16xf32>
      %eq3A_1473 = arith.cmpf oeq, %add3A_1466, %scan3A_1455 : vector<16xf32>
      %lt3A_1474 = arith.cmpi slt, %get3A_1471, %scan3A_1456 : vector<16xi32>
      %and3A_1475 = arith.andi %eq3A_1473, %lt3A_1474 : vector<16xi1>
      %or3A_1476 = arith.ori %gt3A_1472, %and3A_1475 : vector<16xi1>
      %select_n3A_1477 = arith.select %or3A_1476, %add3A_1466, %scan3A_1455 : vector<16xi1>, vector<16xf32>
      %select_n3A_1478 = arith.select %or3A_1476, %get3A_1471, %scan3A_1456 : vector<16xi1>, vector<16xi32>
      scf.yield %select_n3A_1477, %select_n3A_1478 : vector<16xf32>, vector<16xi32>
    }
    %scan3A_298 = arith.constant 128 : i32
    %xor3A = arith.constant 1 : i32
    %xor3A_299 = vector.broadcast %xor3A : i32 to vector<16xi32>
    %xor3A_300 = arith.xori %iota3A, %xor3A_299 : vector<16xi32>
    %broadcast_in_dim3A_301 = vector.shape_cast %xor3A_300 : vector<16xi32> to vector<16x1xi32>
    %gather3A = vector.shape_cast %broadcast_in_dim3A_301 : vector<16x1xi32> to vector<16xi32>
    %gather3A_302 = tpu.dynamic_gather %scan3A_297#0[%gather3A] in [0] : vector<16xf32>, vector<16xi32> -> vector<16xf32>
    %broadcast_in_dim3A_303 = vector.shape_cast %xor3A_300 : vector<16xi32> to vector<16x1xi32>
    %gather3A_304 = vector.shape_cast %broadcast_in_dim3A_303 : vector<16x1xi32> to vector<16xi32>
    %gather3A_305 = tpu.dynamic_gather %scan3A_297#1[%gather3A_304] in [0] : vector<16xi32>, vector<16xi32> -> vector<16xi32>
    %gt3A = arith.cmpf ogt, %gather3A_302, %scan3A_297#0 : vector<16xf32>
    %eq3A = arith.cmpf oeq, %gather3A_302, %scan3A_297#0 : vector<16xf32>
    %lt3A = arith.cmpi slt, %gather3A_305, %scan3A_297#1 : vector<16xi32>
    %and3A = arith.andi %eq3A, %lt3A : vector<16xi1>
    %or3A = arith.ori %gt3A, %and3A : vector<16xi1>
    %select_n3A = arith.select %or3A, %gather3A_302, %scan3A_297#0 : vector<16xi1>, vector<16xf32>
    %select_n3A_306 = arith.select %or3A, %gather3A_305, %scan3A_297#1 : vector<16xi1>, vector<16xi32>
    %xor3A_307 = arith.constant 2 : i32
    %xor3A_308 = vector.broadcast %xor3A_307 : i32 to vector<16xi32>
    %xor3A_309 = arith.xori %iota3A, %xor3A_308 : vector<16xi32>
    %broadcast_in_dim3A_310 = vector.shape_cast %xor3A_309 : vector<16xi32> to vector<16x1xi32>
    %gather3A_311 = vector.shape_cast %broadcast_in_dim3A_310 : vector<16x1xi32> to vector<16xi32>
    %gather3A_312 = tpu.dynamic_gather %select_n3A[%gather3A_311] in [0] : vector<16xf32>, vector<16xi32> -> vector<16xf32>
    %broadcast_in_dim3A_313 = vector.shape_cast %xor3A_309 : vector<16xi32> to vector<16x1xi32>
    %gather3A_314 = vector.shape_cast %broadcast_in_dim3A_313 : vector<16x1xi32> to vector<16xi32>
    %gather3A_315 = tpu.dynamic_gather %select_n3A_306[%gather3A_314] in [0] : vector<16xi32>, vector<16xi32> -> vector<16xi32>
    %gt3A_316 = arith.cmpf ogt, %gather3A_312, %select_n3A : vector<16xf32>
    %eq3A_317 = arith.cmpf oeq, %gather3A_312, %select_n3A : vector<16xf32>
    %lt3A_318 = arith.cmpi slt, %gather3A_315, %select_n3A_306 : vector<16xi32>
    %and3A_319 = arith.andi %eq3A_317, %lt3A_318 : vector<16xi1>
    %or3A_320 = arith.ori %gt3A_316, %and3A_319 : vector<16xi1>
    %select_n3A_321 = arith.select %or3A_320, %gather3A_312, %select_n3A : vector<16xi1>, vector<16xf32>
    %select_n3A_322 = arith.select %or3A_320, %gather3A_315, %select_n3A_306 : vector<16xi1>, vector<16xi32>
    %xor3A_323 = arith.constant 4 : i32
    %xor3A_324 = vector.broadcast %xor3A_323 : i32 to vector<16xi32>
    %xor3A_325 = arith.xori %iota3A, %xor3A_324 : vector<16xi32>
    %broadcast_in_dim3A_326 = vector.shape_cast %xor3A_325 : vector<16xi32> to vector<16x1xi32>
    %gather3A_327 = vector.shape_cast %broadcast_in_dim3A_326 : vector<16x1xi32> to vector<16xi32>
    %gather3A_328 = tpu.dynamic_gather %select_n3A_321[%gather3A_327] in [0] : vector<16xf32>, vector<16xi32> -> vector<16xf32>
    %broadcast_in_dim3A_329 = vector.shape_cast %xor3A_325 : vector<16xi32> to vector<16x1xi32>
    %gather3A_330 = vector.shape_cast %broadcast_in_dim3A_329 : vector<16x1xi32> to vector<16xi32>
    %gather3A_331 = tpu.dynamic_gather %select_n3A_322[%gather3A_330] in [0] : vector<16xi32>, vector<16xi32> -> vector<16xi32>
    %gt3A_332 = arith.cmpf ogt, %gather3A_328, %select_n3A_321 : vector<16xf32>
    %eq3A_333 = arith.cmpf oeq, %gather3A_328, %select_n3A_321 : vector<16xf32>
    %lt3A_334 = arith.cmpi slt, %gather3A_331, %select_n3A_322 : vector<16xi32>
    %and3A_335 = arith.andi %eq3A_333, %lt3A_334 : vector<16xi1>
    %or3A_336 = arith.ori %gt3A_332, %and3A_335 : vector<16xi1>
    %select_n3A_337 = arith.select %or3A_336, %gather3A_328, %select_n3A_321 : vector<16xi1>, vector<16xf32>
    %select_n3A_338 = arith.select %or3A_336, %gather3A_331, %select_n3A_322 : vector<16xi1>, vector<16xi32>
    %xor3A_339 = arith.constant 8 : i32
    %xor3A_340 = vector.broadcast %xor3A_339 : i32 to vector<16xi32>
    %xor3A_341 = arith.xori %iota3A, %xor3A_340 : vector<16xi32>
    %broadcast_in_dim3A_342 = vector.shape_cast %xor3A_341 : vector<16xi32> to vector<16x1xi32>
    %gather3A_343 = vector.shape_cast %broadcast_in_dim3A_342 : vector<16x1xi32> to vector<16xi32>
    %gather3A_344 = tpu.dynamic_gather %select_n3A_337[%gather3A_343] in [0] : vector<16xf32>, vector<16xi32> -> vector<16xf32>
    %broadcast_in_dim3A_345 = vector.shape_cast %xor3A_341 : vector<16xi32> to vector<16x1xi32>
    %gather3A_346 = vector.shape_cast %broadcast_in_dim3A_345 : vector<16x1xi32> to vector<16xi32>
    %gather3A_347 = tpu.dynamic_gather %select_n3A_338[%gather3A_346] in [0] : vector<16xi32>, vector<16xi32> -> vector<16xi32>
    %gt3A_348 = arith.cmpf ogt, %gather3A_344, %select_n3A_337 : vector<16xf32>
    %eq3A_349 = arith.cmpf oeq, %gather3A_344, %select_n3A_337 : vector<16xf32>
    %lt3A_350 = arith.cmpi slt, %gather3A_347, %select_n3A_338 : vector<16xi32>
    %and3A_351 = arith.andi %eq3A_349, %lt3A_350 : vector<16xi1>
    %or3A_352 = arith.ori %gt3A_348, %and3A_351 : vector<16xi1>
    %select_n3A_353 = arith.select %or3A_352, %gather3A_344, %select_n3A_337 : vector<16xi1>, vector<16xf32>
    %select_n3A_354 = arith.select %or3A_352, %gather3A_347, %select_n3A_338 : vector<16xi1>, vector<16xi32>
    %eq3A_355 = arith.constant 0 : i32
    %eq3A_356 = vector.broadcast %eq3A_355 : i32 to vector<16xi32>
    %eq3A_357 = arith.cmpi eq, %iota3A, %eq3A_356 : vector<16xi32>
    %select_n3A_358 = arith.select %eq3A_357, %select_n3A_354, %broadcast_in_dim3A_5 : vector<16xi1>, vector<16xi32>
    %add3A_359 = arith.constant 1 : i32
    %add3A_360 = arith.addi %mul3A_2, %add3A_359 : i32
    "tpu.region"() ({
      %run_scoped3A = tpu.sem_alloc : memref<!tpu.dma_semaphore, #tpu.memory_space<semaphore_mem>>
      %dma_start3A_1454 = arith.constant 0 : i32
      %dma_start3A_1455 = tpu.memref_slice %arg3[%add3A_360, %dma_start3A_1454] : memref<128x2048xf32, #tpu.memory_space<hbm>> -> memref<1x2048xf32, #tpu.memory_space<hbm>>
      %dma_start3A_1456 = tpu.memref_squeeze %dma_start3A_1455 : memref<1x2048xf32, #tpu.memory_space<hbm>> -> memref<2048xf32, #tpu.memory_space<hbm>>
      %dma_start3A_1457 = arith.constant 0 : i32
      %dma_start3A_1458 = tpu.memref_slice %arg3[%add3A_360, %dma_start3A_1457] : memref<128x2048xf32, #tpu.memory_space<hbm>> -> memref<1x2048xf32, #tpu.memory_space<hbm>>
      %dma_start3A_1459 = tpu.memref_squeeze %dma_start3A_1458 : memref<1x2048xf32, #tpu.memory_space<hbm>> -> memref<2048xf32, #tpu.memory_space<hbm>>
      tpu.enqueue_dma source(%dma_start3A_1459 : memref<2048xf32, #tpu.memory_space<hbm>>) target(%arg7 : memref<2048xf32, #tpu.memory_space<vmem>>) target_semaphore(%run_scoped3A : memref<!tpu.dma_semaphore, #tpu.memory_space<semaphore_mem>>)
      %dma_wait3A_1460 = arith.constant 0 : i32
      %dma_wait3A_1461 = tpu.memref_slice %arg3[%add3A_360, %dma_wait3A_1460] : memref<128x2048xf32, #tpu.memory_space<hbm>> -> memref<1x2048xf32, #tpu.memory_space<hbm>>
      %dma_wait3A_1462 = tpu.memref_squeeze %dma_wait3A_1461 : memref<1x2048xf32, #tpu.memory_space<hbm>> -> memref<2048xf32, #tpu.memory_space<hbm>>
      %dma_wait3A_1463 = arith.constant 0 : i32
      %dma_wait3A_1464 = tpu.memref_slice %arg3[%add3A_360, %dma_wait3A_1463] : memref<128x2048xf32, #tpu.memory_space<hbm>> -> memref<1x2048xf32, #tpu.memory_space<hbm>>
      %dma_wait3A_1465 = tpu.memref_squeeze %dma_wait3A_1464 : memref<1x2048xf32, #tpu.memory_space<hbm>> -> memref<2048xf32, #tpu.memory_space<hbm>>
      tpu.wait_dma2 semaphore(%run_scoped3A : memref<!tpu.dma_semaphore, #tpu.memory_space<semaphore_mem>>) src(%dma_wait3A_1465 : memref<2048xf32, #tpu.memory_space<hbm>>) dst(%arg7 : memref<2048xf32, #tpu.memory_space<vmem>>)
      tpu.yield
    }) : () -> ()
    "tpu.region"() ({
      %run_scoped3A = tpu.sem_alloc : memref<!tpu.dma_semaphore, #tpu.memory_space<semaphore_mem>>
      %dma_start3A_1454 = arith.constant 0 : i32
      %dma_start3A_1455 = tpu.memref_slice %arg4[%add3A_360, %dma_start3A_1454] : memref<128x2048xi32, #tpu.memory_space<hbm>> -> memref<1x2048xi32, #tpu.memory_space<hbm>>
      %dma_start3A_1456 = tpu.memref_squeeze %dma_start3A_1455 : memref<1x2048xi32, #tpu.memory_space<hbm>> -> memref<2048xi32, #tpu.memory_space<hbm>>
      %dma_start3A_1457 = arith.constant 0 : i32
      %dma_start3A_1458 = tpu.memref_slice %arg4[%add3A_360, %dma_start3A_1457] : memref<128x2048xi32, #tpu.memory_space<hbm>> -> memref<1x2048xi32, #tpu.memory_space<hbm>>
      %dma_start3A_1459 = tpu.memref_squeeze %dma_start3A_1458 : memref<1x2048xi32, #tpu.memory_space<hbm>> -> memref<2048xi32, #tpu.memory_space<hbm>>
      tpu.enqueue_dma source(%dma_start3A_1459 : memref<2048xi32, #tpu.memory_space<hbm>>) target(%arg8 : memref<2048xi32, #tpu.memory_space<vmem>>) target_semaphore(%run_scoped3A : memref<!tpu.dma_semaphore, #tpu.memory_space<semaphore_mem>>)
      %dma_wait3A_1460 = arith.constant 0 : i32
      %dma_wait3A_1461 = tpu.memref_slice %arg4[%add3A_360, %dma_wait3A_1460] : memref<128x2048xi32, #tpu.memory_space<hbm>> -> memref<1x2048xi32, #tpu.memory_space<hbm>>
      %dma_wait3A_1462 = tpu.memref_squeeze %dma_wait3A_1461 : memref<1x2048xi32, #tpu.memory_space<hbm>> -> memref<2048xi32, #tpu.memory_space<hbm>>
      %dma_wait3A_1463 = arith.constant 0 : i32
      %dma_wait3A_1464 = tpu.memref_slice %arg4[%add3A_360, %dma_wait3A_1463] : memref<128x2048xi32, #tpu.memory_space<hbm>> -> memref<1x2048xi32, #tpu.memory_space<hbm>>
      %dma_wait3A_1465 = tpu.memref_squeeze %dma_wait3A_1464 : memref<1x2048xi32, #tpu.memory_space<hbm>> -> memref<2048xi32, #tpu.memory_space<hbm>>
      tpu.wait_dma2 semaphore(%run_scoped3A : memref<!tpu.dma_semaphore, #tpu.memory_space<semaphore_mem>>) src(%dma_wait3A_1465 : memref<2048xi32, #tpu.memory_space<hbm>>) dst(%arg8 : memref<2048xi32, #tpu.memory_space<vmem>>)
      tpu.yield
    }) : () -> ()
    %dma_start3A_361 = arith.constant 0 : i32
    %dma_start3A_362 = tpu.memref_slice %arg6[%dma_start3A_361] : memref<2048xf32, #tpu.memory_space<vmem>> -> memref<128xf32, #tpu.memory_space<vmem>>
    %dma_start3A_363 = arith.constant 0 : i32
    %dma_start3A_364 = tpu.memref_slice %arg8[%dma_start3A_363] : memref<2048xi32, #tpu.memory_space<vmem>> -> memref<128xi32, #tpu.memory_space<vmem>>
    %dma_start3A_365 = arith.constant 0 : i32
    %dma_start3A_366 = tpu.memref_slice %arg2[%add3A_360, %dma_start3A_365] : memref<128x100000xf32, #tpu.memory_space<hbm>> -> memref<1x100000xf32, #tpu.memory_space<hbm>>
    %dma_start3A_367 = tpu.memref_squeeze %dma_start3A_366 : memref<1x100000xf32, #tpu.memory_space<hbm>> -> memref<100000xf32, #tpu.memory_space<hbm>>
    %dma_start3A_368 = arith.constant 0 : i32
    %dma_start3A_369 = tpu.memref_slice %dma_start3A_367[%dma_start3A_368] : memref<100000xf32, #tpu.memory_space<hbm>> -> memref<100000xf32, #tpu.memory_space<hbm>>
    tpu.enqueue_indirect_dma source(%dma_start3A_369 : memref<100000xf32, #tpu.memory_space<hbm>>) target(%dma_start3A_362 : memref<128xf32, #tpu.memory_space<vmem>>) offsets(%dma_start3A_364 : memref<128xi32, #tpu.memory_space<vmem>>) semaphore(%arg10 : memref<!tpu.dma_semaphore, #tpu.memory_space<semaphore_mem>>)
    %dma_start3A_370 = arith.constant 128 : i32
    %dma_start3A_371 = tpu.memref_slice %arg6[%dma_start3A_370] : memref<2048xf32, #tpu.memory_space<vmem>> -> memref<128xf32, #tpu.memory_space<vmem>>
    %dma_start3A_372 = arith.constant 128 : i32
    %dma_start3A_373 = tpu.memref_slice %arg8[%dma_start3A_372] : memref<2048xi32, #tpu.memory_space<vmem>> -> memref<128xi32, #tpu.memory_space<vmem>>
    %dma_start3A_374 = arith.constant 0 : i32
    %dma_start3A_375 = tpu.memref_slice %arg2[%add3A_360, %dma_start3A_374] : memref<128x100000xf32, #tpu.memory_space<hbm>> -> memref<1x100000xf32, #tpu.memory_space<hbm>>
    %dma_start3A_376 = tpu.memref_squeeze %dma_start3A_375 : memref<1x100000xf32, #tpu.memory_space<hbm>> -> memref<100000xf32, #tpu.memory_space<hbm>>
    %dma_start3A_377 = arith.constant 0 : i32
    %dma_start3A_378 = tpu.memref_slice %dma_start3A_376[%dma_start3A_377] : memref<100000xf32, #tpu.memory_space<hbm>> -> memref<100000xf32, #tpu.memory_space<hbm>>
    tpu.enqueue_indirect_dma source(%dma_start3A_378 : memref<100000xf32, #tpu.memory_space<hbm>>) target(%dma_start3A_371 : memref<128xf32, #tpu.memory_space<vmem>>) offsets(%dma_start3A_373 : memref<128xi32, #tpu.memory_space<vmem>>) semaphore(%arg10 : memref<!tpu.dma_semaphore, #tpu.memory_space<semaphore_mem>>)
    %dma_start3A_379 = arith.constant 256 : i32
    %dma_start3A_380 = tpu.memref_slice %arg6[%dma_start3A_379] : memref<2048xf32, #tpu.memory_space<vmem>> -> memref<128xf32, #tpu.memory_space<vmem>>
    %dma_start3A_381 = arith.constant 256 : i32
    %dma_start3A_382 = tpu.memref_slice %arg8[%dma_start3A_381] : memref<2048xi32, #tpu.memory_space<vmem>> -> memref<128xi32, #tpu.memory_space<vmem>>
    %dma_start3A_383 = arith.constant 0 : i32
    %dma_start3A_384 = tpu.memref_slice %arg2[%add3A_360, %dma_start3A_383] : memref<128x100000xf32, #tpu.memory_space<hbm>> -> memref<1x100000xf32, #tpu.memory_space<hbm>>
    %dma_start3A_385 = tpu.memref_squeeze %dma_start3A_384 : memref<1x100000xf32, #tpu.memory_space<hbm>> -> memref<100000xf32, #tpu.memory_space<hbm>>
    %dma_start3A_386 = arith.constant 0 : i32
    %dma_start3A_387 = tpu.memref_slice %dma_start3A_385[%dma_start3A_386] : memref<100000xf32, #tpu.memory_space<hbm>> -> memref<100000xf32, #tpu.memory_space<hbm>>
    tpu.enqueue_indirect_dma source(%dma_start3A_387 : memref<100000xf32, #tpu.memory_space<hbm>>) target(%dma_start3A_380 : memref<128xf32, #tpu.memory_space<vmem>>) offsets(%dma_start3A_382 : memref<128xi32, #tpu.memory_space<vmem>>) semaphore(%arg10 : memref<!tpu.dma_semaphore, #tpu.memory_space<semaphore_mem>>)
    %dma_start3A_388 = arith.constant 384 : i32
    %dma_start3A_389 = tpu.memref_slice %arg6[%dma_start3A_388] : memref<2048xf32, #tpu.memory_space<vmem>> -> memref<128xf32, #tpu.memory_space<vmem>>
    %dma_start3A_390 = arith.constant 384 : i32
    %dma_start3A_391 = tpu.memref_slice %arg8[%dma_start3A_390] : memref<2048xi32, #tpu.memory_space<vmem>> -> memref<128xi32, #tpu.memory_space<vmem>>
    %dma_start3A_392 = arith.constant 0 : i32
    %dma_start3A_393 = tpu.memref_slice %arg2[%add3A_360, %dma_start3A_392] : memref<128x100000xf32, #tpu.memory_space<hbm>> -> memref<1x100000xf32, #tpu.memory_space<hbm>>
    %dma_start3A_394 = tpu.memref_squeeze %dma_start3A_393 : memref<1x100000xf32, #tpu.memory_space<hbm>> -> memref<100000xf32, #tpu.memory_space<hbm>>
    %dma_start3A_395 = arith.constant 0 : i32
    %dma_start3A_396 = tpu.memref_slice %dma_start3A_394[%dma_start3A_395] : memref<100000xf32, #tpu.memory_space<hbm>> -> memref<100000xf32, #tpu.memory_space<hbm>>
    tpu.enqueue_indirect_dma source(%dma_start3A_396 : memref<100000xf32, #tpu.memory_space<hbm>>) target(%dma_start3A_389 : memref<128xf32, #tpu.memory_space<vmem>>) offsets(%dma_start3A_391 : memref<128xi32, #tpu.memory_space<vmem>>) semaphore(%arg10 : memref<!tpu.dma_semaphore, #tpu.memory_space<semaphore_mem>>)
    %dma_start3A_397 = arith.constant 512 : i32
    %dma_start3A_398 = tpu.memref_slice %arg6[%dma_start3A_397] : memref<2048xf32, #tpu.memory_space<vmem>> -> memref<128xf32, #tpu.memory_space<vmem>>
    %dma_start3A_399 = arith.constant 512 : i32
    %dma_start3A_400 = tpu.memref_slice %arg8[%dma_start3A_399] : memref<2048xi32, #tpu.memory_space<vmem>> -> memref<128xi32, #tpu.memory_space<vmem>>
    %dma_start3A_401 = arith.constant 0 : i32
    %dma_start3A_402 = tpu.memref_slice %arg2[%add3A_360, %dma_start3A_401] : memref<128x100000xf32, #tpu.memory_space<hbm>> -> memref<1x100000xf32, #tpu.memory_space<hbm>>
    %dma_start3A_403 = tpu.memref_squeeze %dma_start3A_402 : memref<1x100000xf32, #tpu.memory_space<hbm>> -> memref<100000xf32, #tpu.memory_space<hbm>>
    %dma_start3A_404 = arith.constant 0 : i32
    %dma_start3A_405 = tpu.memref_slice %dma_start3A_403[%dma_start3A_404] : memref<100000xf32, #tpu.memory_space<hbm>> -> memref<100000xf32, #tpu.memory_space<hbm>>
    tpu.enqueue_indirect_dma source(%dma_start3A_405 : memref<100000xf32, #tpu.memory_space<hbm>>) target(%dma_start3A_398 : memref<128xf32, #tpu.memory_space<vmem>>) offsets(%dma_start3A_400 : memref<128xi32, #tpu.memory_space<vmem>>) semaphore(%arg10 : memref<!tpu.dma_semaphore, #tpu.memory_space<semaphore_mem>>)
    %dma_start3A_406 = arith.constant 640 : i32
    %dma_start3A_407 = tpu.memref_slice %arg6[%dma_start3A_406] : memref<2048xf32, #tpu.memory_space<vmem>> -> memref<128xf32, #tpu.memory_space<vmem>>
    %dma_start3A_408 = arith.constant 640 : i32
    %dma_start3A_409 = tpu.memref_slice %arg8[%dma_start3A_408] : memref<2048xi32, #tpu.memory_space<vmem>> -> memref<128xi32, #tpu.memory_space<vmem>>
    %dma_start3A_410 = arith.constant 0 : i32
    %dma_start3A_411 = tpu.memref_slice %arg2[%add3A_360, %dma_start3A_410] : memref<128x100000xf32, #tpu.memory_space<hbm>> -> memref<1x100000xf32, #tpu.memory_space<hbm>>
    %dma_start3A_412 = tpu.memref_squeeze %dma_start3A_411 : memref<1x100000xf32, #tpu.memory_space<hbm>> -> memref<100000xf32, #tpu.memory_space<hbm>>
    %dma_start3A_413 = arith.constant 0 : i32
    %dma_start3A_414 = tpu.memref_slice %dma_start3A_412[%dma_start3A_413] : memref<100000xf32, #tpu.memory_space<hbm>> -> memref<100000xf32, #tpu.memory_space<hbm>>
    tpu.enqueue_indirect_dma source(%dma_start3A_414 : memref<100000xf32, #tpu.memory_space<hbm>>) target(%dma_start3A_407 : memref<128xf32, #tpu.memory_space<vmem>>) offsets(%dma_start3A_409 : memref<128xi32, #tpu.memory_space<vmem>>) semaphore(%arg10 : memref<!tpu.dma_semaphore, #tpu.memory_space<semaphore_mem>>)
    %dma_start3A_415 = arith.constant 768 : i32
    %dma_start3A_416 = tpu.memref_slice %arg6[%dma_start3A_415] : memref<2048xf32, #tpu.memory_space<vmem>> -> memref<128xf32, #tpu.memory_space<vmem>>
    %dma_start3A_417 = arith.constant 768 : i32
    %dma_start3A_418 = tpu.memref_slice %arg8[%dma_start3A_417] : memref<2048xi32, #tpu.memory_space<vmem>> -> memref<128xi32, #tpu.memory_space<vmem>>
    %dma_start3A_419 = arith.constant 0 : i32
    %dma_start3A_420 = tpu.memref_slice %arg2[%add3A_360, %dma_start3A_419] : memref<128x100000xf32, #tpu.memory_space<hbm>> -> memref<1x100000xf32, #tpu.memory_space<hbm>>
    %dma_start3A_421 = tpu.memref_squeeze %dma_start3A_420 : memref<1x100000xf32, #tpu.memory_space<hbm>> -> memref<100000xf32, #tpu.memory_space<hbm>>
    %dma_start3A_422 = arith.constant 0 : i32
    %dma_start3A_423 = tpu.memref_slice %dma_start3A_421[%dma_start3A_422] : memref<100000xf32, #tpu.memory_space<hbm>> -> memref<100000xf32, #tpu.memory_space<hbm>>
    tpu.enqueue_indirect_dma source(%dma_start3A_423 : memref<100000xf32, #tpu.memory_space<hbm>>) target(%dma_start3A_416 : memref<128xf32, #tpu.memory_space<vmem>>) offsets(%dma_start3A_418 : memref<128xi32, #tpu.memory_space<vmem>>) semaphore(%arg10 : memref<!tpu.dma_semaphore, #tpu.memory_space<semaphore_mem>>)
    %dma_start3A_424 = arith.constant 896 : i32
    %dma_start3A_425 = tpu.memref_slice %arg6[%dma_start3A_424] : memref<2048xf32, #tpu.memory_space<vmem>> -> memref<128xf32, #tpu.memory_space<vmem>>
    %dma_start3A_426 = arith.constant 896 : i32
    %dma_start3A_427 = tpu.memref_slice %arg8[%dma_start3A_426] : memref<2048xi32, #tpu.memory_space<vmem>> -> memref<128xi32, #tpu.memory_space<vmem>>
    %dma_start3A_428 = arith.constant 0 : i32
    %dma_start3A_429 = tpu.memref_slice %arg2[%add3A_360, %dma_start3A_428] : memref<128x100000xf32, #tpu.memory_space<hbm>> -> memref<1x100000xf32, #tpu.memory_space<hbm>>
    %dma_start3A_430 = tpu.memref_squeeze %dma_start3A_429 : memref<1x100000xf32, #tpu.memory_space<hbm>> -> memref<100000xf32, #tpu.memory_space<hbm>>
    %dma_start3A_431 = arith.constant 0 : i32
    %dma_start3A_432 = tpu.memref_slice %dma_start3A_430[%dma_start3A_431] : memref<100000xf32, #tpu.memory_space<hbm>> -> memref<100000xf32, #tpu.memory_space<hbm>>
    tpu.enqueue_indirect_dma source(%dma_start3A_432 : memref<100000xf32, #tpu.memory_space<hbm>>) target(%dma_start3A_425 : memref<128xf32, #tpu.memory_space<vmem>>) offsets(%dma_start3A_427 : memref<128xi32, #tpu.memory_space<vmem>>) semaphore(%arg10 : memref<!tpu.dma_semaphore, #tpu.memory_space<semaphore_mem>>)
    %dma_start3A_433 = arith.constant 1024 : i32
    %dma_start3A_434 = tpu.memref_slice %arg6[%dma_start3A_433] : memref<2048xf32, #tpu.memory_space<vmem>> -> memref<128xf32, #tpu.memory_space<vmem>>
    %dma_start3A_435 = arith.constant 1024 : i32
    %dma_start3A_436 = tpu.memref_slice %arg8[%dma_start3A_435] : memref<2048xi32, #tpu.memory_space<vmem>> -> memref<128xi32, #tpu.memory_space<vmem>>
    %dma_start3A_437 = arith.constant 0 : i32
    %dma_start3A_438 = tpu.memref_slice %arg2[%add3A_360, %dma_start3A_437] : memref<128x100000xf32, #tpu.memory_space<hbm>> -> memref<1x100000xf32, #tpu.memory_space<hbm>>
    %dma_start3A_439 = tpu.memref_squeeze %dma_start3A_438 : memref<1x100000xf32, #tpu.memory_space<hbm>> -> memref<100000xf32, #tpu.memory_space<hbm>>
    %dma_start3A_440 = arith.constant 0 : i32
    %dma_start3A_441 = tpu.memref_slice %dma_start3A_439[%dma_start3A_440] : memref<100000xf32, #tpu.memory_space<hbm>> -> memref<100000xf32, #tpu.memory_space<hbm>>
    tpu.enqueue_indirect_dma source(%dma_start3A_441 : memref<100000xf32, #tpu.memory_space<hbm>>) target(%dma_start3A_434 : memref<128xf32, #tpu.memory_space<vmem>>) offsets(%dma_start3A_436 : memref<128xi32, #tpu.memory_space<vmem>>) semaphore(%arg10 : memref<!tpu.dma_semaphore, #tpu.memory_space<semaphore_mem>>)
    %dma_start3A_442 = arith.constant 1152 : i32
    %dma_start3A_443 = tpu.memref_slice %arg6[%dma_start3A_442] : memref<2048xf32, #tpu.memory_space<vmem>> -> memref<128xf32, #tpu.memory_space<vmem>>
    %dma_start3A_444 = arith.constant 1152 : i32
    %dma_start3A_445 = tpu.memref_slice %arg8[%dma_start3A_444] : memref<2048xi32, #tpu.memory_space<vmem>> -> memref<128xi32, #tpu.memory_space<vmem>>
    %dma_start3A_446 = arith.constant 0 : i32
    %dma_start3A_447 = tpu.memref_slice %arg2[%add3A_360, %dma_start3A_446] : memref<128x100000xf32, #tpu.memory_space<hbm>> -> memref<1x100000xf32, #tpu.memory_space<hbm>>
    %dma_start3A_448 = tpu.memref_squeeze %dma_start3A_447 : memref<1x100000xf32, #tpu.memory_space<hbm>> -> memref<100000xf32, #tpu.memory_space<hbm>>
    %dma_start3A_449 = arith.constant 0 : i32
    %dma_start3A_450 = tpu.memref_slice %dma_start3A_448[%dma_start3A_449] : memref<100000xf32, #tpu.memory_space<hbm>> -> memref<100000xf32, #tpu.memory_space<hbm>>
    tpu.enqueue_indirect_dma source(%dma_start3A_450 : memref<100000xf32, #tpu.memory_space<hbm>>) target(%dma_start3A_443 : memref<128xf32, #tpu.memory_space<vmem>>) offsets(%dma_start3A_445 : memref<128xi32, #tpu.memory_space<vmem>>) semaphore(%arg10 : memref<!tpu.dma_semaphore, #tpu.memory_space<semaphore_mem>>)
    %dma_start3A_451 = arith.constant 1280 : i32
    %dma_start3A_452 = tpu.memref_slice %arg6[%dma_start3A_451] : memref<2048xf32, #tpu.memory_space<vmem>> -> memref<128xf32, #tpu.memory_space<vmem>>
    %dma_start3A_453 = arith.constant 1280 : i32
    %dma_start3A_454 = tpu.memref_slice %arg8[%dma_start3A_453] : memref<2048xi32, #tpu.memory_space<vmem>> -> memref<128xi32, #tpu.memory_space<vmem>>
    %dma_start3A_455 = arith.constant 0 : i32
    %dma_start3A_456 = tpu.memref_slice %arg2[%add3A_360, %dma_start3A_455] : memref<128x100000xf32, #tpu.memory_space<hbm>> -> memref<1x100000xf32, #tpu.memory_space<hbm>>
    %dma_start3A_457 = tpu.memref_squeeze %dma_start3A_456 : memref<1x100000xf32, #tpu.memory_space<hbm>> -> memref<100000xf32, #tpu.memory_space<hbm>>
    %dma_start3A_458 = arith.constant 0 : i32
    %dma_start3A_459 = tpu.memref_slice %dma_start3A_457[%dma_start3A_458] : memref<100000xf32, #tpu.memory_space<hbm>> -> memref<100000xf32, #tpu.memory_space<hbm>>
    tpu.enqueue_indirect_dma source(%dma_start3A_459 : memref<100000xf32, #tpu.memory_space<hbm>>) target(%dma_start3A_452 : memref<128xf32, #tpu.memory_space<vmem>>) offsets(%dma_start3A_454 : memref<128xi32, #tpu.memory_space<vmem>>) semaphore(%arg10 : memref<!tpu.dma_semaphore, #tpu.memory_space<semaphore_mem>>)
    %dma_start3A_460 = arith.constant 1408 : i32
    %dma_start3A_461 = tpu.memref_slice %arg6[%dma_start3A_460] : memref<2048xf32, #tpu.memory_space<vmem>> -> memref<128xf32, #tpu.memory_space<vmem>>
    %dma_start3A_462 = arith.constant 1408 : i32
    %dma_start3A_463 = tpu.memref_slice %arg8[%dma_start3A_462] : memref<2048xi32, #tpu.memory_space<vmem>> -> memref<128xi32, #tpu.memory_space<vmem>>
    %dma_start3A_464 = arith.constant 0 : i32
    %dma_start3A_465 = tpu.memref_slice %arg2[%add3A_360, %dma_start3A_464] : memref<128x100000xf32, #tpu.memory_space<hbm>> -> memref<1x100000xf32, #tpu.memory_space<hbm>>
    %dma_start3A_466 = tpu.memref_squeeze %dma_start3A_465 : memref<1x100000xf32, #tpu.memory_space<hbm>> -> memref<100000xf32, #tpu.memory_space<hbm>>
    %dma_start3A_467 = arith.constant 0 : i32
    %dma_start3A_468 = tpu.memref_slice %dma_start3A_466[%dma_start3A_467] : memref<100000xf32, #tpu.memory_space<hbm>> -> memref<100000xf32, #tpu.memory_space<hbm>>
    tpu.enqueue_indirect_dma source(%dma_start3A_468 : memref<100000xf32, #tpu.memory_space<hbm>>) target(%dma_start3A_461 : memref<128xf32, #tpu.memory_space<vmem>>) offsets(%dma_start3A_463 : memref<128xi32, #tpu.memory_space<vmem>>) semaphore(%arg10 : memref<!tpu.dma_semaphore, #tpu.memory_space<semaphore_mem>>)
    %dma_start3A_469 = arith.constant 1536 : i32
    %dma_start3A_470 = tpu.memref_slice %arg6[%dma_start3A_469] : memref<2048xf32, #tpu.memory_space<vmem>> -> memref<128xf32, #tpu.memory_space<vmem>>
    %dma_start3A_471 = arith.constant 1536 : i32
    %dma_start3A_472 = tpu.memref_slice %arg8[%dma_start3A_471] : memref<2048xi32, #tpu.memory_space<vmem>> -> memref<128xi32, #tpu.memory_space<vmem>>
    %dma_start3A_473 = arith.constant 0 : i32
    %dma_start3A_474 = tpu.memref_slice %arg2[%add3A_360, %dma_start3A_473] : memref<128x100000xf32, #tpu.memory_space<hbm>> -> memref<1x100000xf32, #tpu.memory_space<hbm>>
    %dma_start3A_475 = tpu.memref_squeeze %dma_start3A_474 : memref<1x100000xf32, #tpu.memory_space<hbm>> -> memref<100000xf32, #tpu.memory_space<hbm>>
    %dma_start3A_476 = arith.constant 0 : i32
    %dma_start3A_477 = tpu.memref_slice %dma_start3A_475[%dma_start3A_476] : memref<100000xf32, #tpu.memory_space<hbm>> -> memref<100000xf32, #tpu.memory_space<hbm>>
    tpu.enqueue_indirect_dma source(%dma_start3A_477 : memref<100000xf32, #tpu.memory_space<hbm>>) target(%dma_start3A_470 : memref<128xf32, #tpu.memory_space<vmem>>) offsets(%dma_start3A_472 : memref<128xi32, #tpu.memory_space<vmem>>) semaphore(%arg10 : memref<!tpu.dma_semaphore, #tpu.memory_space<semaphore_mem>>)
    %dma_start3A_478 = arith.constant 1664 : i32
    %dma_start3A_479 = tpu.memref_slice %arg6[%dma_start3A_478] : memref<2048xf32, #tpu.memory_space<vmem>> -> memref<128xf32, #tpu.memory_space<vmem>>
    %dma_start3A_480 = arith.constant 1664 : i32
    %dma_start3A_481 = tpu.memref_slice %arg8[%dma_start3A_480] : memref<2048xi32, #tpu.memory_space<vmem>> -> memref<128xi32, #tpu.memory_space<vmem>>
    %dma_start3A_482 = arith.constant 0 : i32
    %dma_start3A_483 = tpu.memref_slice %arg2[%add3A_360, %dma_start3A_482] : memref<128x100000xf32, #tpu.memory_space<hbm>> -> memref<1x100000xf32, #tpu.memory_space<hbm>>
    %dma_start3A_484 = tpu.memref_squeeze %dma_start3A_483 : memref<1x100000xf32, #tpu.memory_space<hbm>> -> memref<100000xf32, #tpu.memory_space<hbm>>
    %dma_start3A_485 = arith.constant 0 : i32
    %dma_start3A_486 = tpu.memref_slice %dma_start3A_484[%dma_start3A_485] : memref<100000xf32, #tpu.memory_space<hbm>> -> memref<100000xf32, #tpu.memory_space<hbm>>
    tpu.enqueue_indirect_dma source(%dma_start3A_486 : memref<100000xf32, #tpu.memory_space<hbm>>) target(%dma_start3A_479 : memref<128xf32, #tpu.memory_space<vmem>>) offsets(%dma_start3A_481 : memref<128xi32, #tpu.memory_space<vmem>>) semaphore(%arg10 : memref<!tpu.dma_semaphore, #tpu.memory_space<semaphore_mem>>)
    %dma_start3A_487 = arith.constant 1792 : i32
    %dma_start3A_488 = tpu.memref_slice %arg6[%dma_start3A_487] : memref<2048xf32, #tpu.memory_space<vmem>> -> memref<128xf32, #tpu.memory_space<vmem>>
    %dma_start3A_489 = arith.constant 1792 : i32
    %dma_start3A_490 = tpu.memref_slice %arg8[%dma_start3A_489] : memref<2048xi32, #tpu.memory_space<vmem>> -> memref<128xi32, #tpu.memory_space<vmem>>
    %dma_start3A_491 = arith.constant 0 : i32
    %dma_start3A_492 = tpu.memref_slice %arg2[%add3A_360, %dma_start3A_491] : memref<128x100000xf32, #tpu.memory_space<hbm>> -> memref<1x100000xf32, #tpu.memory_space<hbm>>
    %dma_start3A_493 = tpu.memref_squeeze %dma_start3A_492 : memref<1x100000xf32, #tpu.memory_space<hbm>> -> memref<100000xf32, #tpu.memory_space<hbm>>
    %dma_start3A_494 = arith.constant 0 : i32
    %dma_start3A_495 = tpu.memref_slice %dma_start3A_493[%dma_start3A_494] : memref<100000xf32, #tpu.memory_space<hbm>> -> memref<100000xf32, #tpu.memory_space<hbm>>
    tpu.enqueue_indirect_dma source(%dma_start3A_495 : memref<100000xf32, #tpu.memory_space<hbm>>) target(%dma_start3A_488 : memref<128xf32, #tpu.memory_space<vmem>>) offsets(%dma_start3A_490 : memref<128xi32, #tpu.memory_space<vmem>>) semaphore(%arg10 : memref<!tpu.dma_semaphore, #tpu.memory_space<semaphore_mem>>)
    %dma_start3A_496 = arith.constant 1920 : i32
    %dma_start3A_497 = tpu.memref_slice %arg6[%dma_start3A_496] : memref<2048xf32, #tpu.memory_space<vmem>> -> memref<128xf32, #tpu.memory_space<vmem>>
    %dma_start3A_498 = arith.constant 1920 : i32
    %dma_start3A_499 = tpu.memref_slice %arg8[%dma_start3A_498] : memref<2048xi32, #tpu.memory_space<vmem>> -> memref<128xi32, #tpu.memory_space<vmem>>
    %dma_start3A_500 = arith.constant 0 : i32
    %dma_start3A_501 = tpu.memref_slice %arg2[%add3A_360, %dma_start3A_500] : memref<128x100000xf32, #tpu.memory_space<hbm>> -> memref<1x100000xf32, #tpu.memory_space<hbm>>
    %dma_start3A_502 = tpu.memref_squeeze %dma_start3A_501 : memref<1x100000xf32, #tpu.memory_space<hbm>> -> memref<100000xf32, #tpu.memory_space<hbm>>
    %dma_start3A_503 = arith.constant 0 : i32
    %dma_start3A_504 = tpu.memref_slice %dma_start3A_502[%dma_start3A_503] : memref<100000xf32, #tpu.memory_space<hbm>> -> memref<100000xf32, #tpu.memory_space<hbm>>
    tpu.enqueue_indirect_dma source(%dma_start3A_504 : memref<100000xf32, #tpu.memory_space<hbm>>) target(%dma_start3A_497 : memref<128xf32, #tpu.memory_space<vmem>>) offsets(%dma_start3A_499 : memref<128xi32, #tpu.memory_space<vmem>>) semaphore(%arg10 : memref<!tpu.dma_semaphore, #tpu.memory_space<semaphore_mem>>)
    %dma_wait3A_505 = arith.constant 0 : i32
    %dma_wait3A_506 = tpu.memref_slice %arg6[%dma_wait3A_505] : memref<2048xf32, #tpu.memory_space<vmem>> -> memref<128xf32, #tpu.memory_space<vmem>>
    %dma_wait3A_507 = arith.constant 0 : i32
    %dma_wait3A_508 = tpu.memref_slice %arg8[%dma_wait3A_507] : memref<2048xi32, #tpu.memory_space<vmem>> -> memref<128xi32, #tpu.memory_space<vmem>>
    %dma_wait3A_509 = arith.constant 0 : i32
    %dma_wait3A_510 = tpu.memref_slice %arg2[%add3A_360, %dma_wait3A_509] : memref<128x100000xf32, #tpu.memory_space<hbm>> -> memref<1x100000xf32, #tpu.memory_space<hbm>>
    %dma_wait3A_511 = tpu.memref_squeeze %dma_wait3A_510 : memref<1x100000xf32, #tpu.memory_space<hbm>> -> memref<100000xf32, #tpu.memory_space<hbm>>
    %dma_wait3A_512 = arith.constant 0 : i32
    %dma_wait3A_513 = tpu.memref_slice %dma_wait3A_511[%dma_wait3A_512] : memref<100000xf32, #tpu.memory_space<hbm>> -> memref<100000xf32, #tpu.memory_space<hbm>>
    tpu.wait_indirect_dma semaphore(%arg10 : memref<!tpu.dma_semaphore, #tpu.memory_space<semaphore_mem>>) src(%dma_wait3A_513 : memref<100000xf32, #tpu.memory_space<hbm>>) dst(%dma_wait3A_506 : memref<128xf32, #tpu.memory_space<vmem>>)
    %dma_wait3A_514 = arith.constant 128 : i32
    %dma_wait3A_515 = tpu.memref_slice %arg6[%dma_wait3A_514] : memref<2048xf32, #tpu.memory_space<vmem>> -> memref<128xf32, #tpu.memory_space<vmem>>
    %dma_wait3A_516 = arith.constant 128 : i32
    %dma_wait3A_517 = tpu.memref_slice %arg8[%dma_wait3A_516] : memref<2048xi32, #tpu.memory_space<vmem>> -> memref<128xi32, #tpu.memory_space<vmem>>
    %dma_wait3A_518 = arith.constant 0 : i32
    %dma_wait3A_519 = tpu.memref_slice %arg2[%add3A_360, %dma_wait3A_518] : memref<128x100000xf32, #tpu.memory_space<hbm>> -> memref<1x100000xf32, #tpu.memory_space<hbm>>
    %dma_wait3A_520 = tpu.memref_squeeze %dma_wait3A_519 : memref<1x100000xf32, #tpu.memory_space<hbm>> -> memref<100000xf32, #tpu.memory_space<hbm>>
    %dma_wait3A_521 = arith.constant 0 : i32
    %dma_wait3A_522 = tpu.memref_slice %dma_wait3A_520[%dma_wait3A_521] : memref<100000xf32, #tpu.memory_space<hbm>> -> memref<100000xf32, #tpu.memory_space<hbm>>
    tpu.wait_indirect_dma semaphore(%arg10 : memref<!tpu.dma_semaphore, #tpu.memory_space<semaphore_mem>>) src(%dma_wait3A_522 : memref<100000xf32, #tpu.memory_space<hbm>>) dst(%dma_wait3A_515 : memref<128xf32, #tpu.memory_space<vmem>>)
    %dma_wait3A_523 = arith.constant 256 : i32
    %dma_wait3A_524 = tpu.memref_slice %arg6[%dma_wait3A_523] : memref<2048xf32, #tpu.memory_space<vmem>> -> memref<128xf32, #tpu.memory_space<vmem>>
    %dma_wait3A_525 = arith.constant 256 : i32
    %dma_wait3A_526 = tpu.memref_slice %arg8[%dma_wait3A_525] : memref<2048xi32, #tpu.memory_space<vmem>> -> memref<128xi32, #tpu.memory_space<vmem>>
    %dma_wait3A_527 = arith.constant 0 : i32
    %dma_wait3A_528 = tpu.memref_slice %arg2[%add3A_360, %dma_wait3A_527] : memref<128x100000xf32, #tpu.memory_space<hbm>> -> memref<1x100000xf32, #tpu.memory_space<hbm>>
    %dma_wait3A_529 = tpu.memref_squeeze %dma_wait3A_528 : memref<1x100000xf32, #tpu.memory_space<hbm>> -> memref<100000xf32, #tpu.memory_space<hbm>>
    %dma_wait3A_530 = arith.constant 0 : i32
    %dma_wait3A_531 = tpu.memref_slice %dma_wait3A_529[%dma_wait3A_530] : memref<100000xf32, #tpu.memory_space<hbm>> -> memref<100000xf32, #tpu.memory_space<hbm>>
    tpu.wait_indirect_dma semaphore(%arg10 : memref<!tpu.dma_semaphore, #tpu.memory_space<semaphore_mem>>) src(%dma_wait3A_531 : memref<100000xf32, #tpu.memory_space<hbm>>) dst(%dma_wait3A_524 : memref<128xf32, #tpu.memory_space<vmem>>)
    %dma_wait3A_532 = arith.constant 384 : i32
    %dma_wait3A_533 = tpu.memref_slice %arg6[%dma_wait3A_532] : memref<2048xf32, #tpu.memory_space<vmem>> -> memref<128xf32, #tpu.memory_space<vmem>>
    %dma_wait3A_534 = arith.constant 384 : i32
    %dma_wait3A_535 = tpu.memref_slice %arg8[%dma_wait3A_534] : memref<2048xi32, #tpu.memory_space<vmem>> -> memref<128xi32, #tpu.memory_space<vmem>>
    %dma_wait3A_536 = arith.constant 0 : i32
    %dma_wait3A_537 = tpu.memref_slice %arg2[%add3A_360, %dma_wait3A_536] : memref<128x100000xf32, #tpu.memory_space<hbm>> -> memref<1x100000xf32, #tpu.memory_space<hbm>>
    %dma_wait3A_538 = tpu.memref_squeeze %dma_wait3A_537 : memref<1x100000xf32, #tpu.memory_space<hbm>> -> memref<100000xf32, #tpu.memory_space<hbm>>
    %dma_wait3A_539 = arith.constant 0 : i32
    %dma_wait3A_540 = tpu.memref_slice %dma_wait3A_538[%dma_wait3A_539] : memref<100000xf32, #tpu.memory_space<hbm>> -> memref<100000xf32, #tpu.memory_space<hbm>>
    tpu.wait_indirect_dma semaphore(%arg10 : memref<!tpu.dma_semaphore, #tpu.memory_space<semaphore_mem>>) src(%dma_wait3A_540 : memref<100000xf32, #tpu.memory_space<hbm>>) dst(%dma_wait3A_533 : memref<128xf32, #tpu.memory_space<vmem>>)
    %dma_wait3A_541 = arith.constant 512 : i32
    %dma_wait3A_542 = tpu.memref_slice %arg6[%dma_wait3A_541] : memref<2048xf32, #tpu.memory_space<vmem>> -> memref<128xf32, #tpu.memory_space<vmem>>
    %dma_wait3A_543 = arith.constant 512 : i32
    %dma_wait3A_544 = tpu.memref_slice %arg8[%dma_wait3A_543] : memref<2048xi32, #tpu.memory_space<vmem>> -> memref<128xi32, #tpu.memory_space<vmem>>
    %dma_wait3A_545 = arith.constant 0 : i32
    %dma_wait3A_546 = tpu.memref_slice %arg2[%add3A_360, %dma_wait3A_545] : memref<128x100000xf32, #tpu.memory_space<hbm>> -> memref<1x100000xf32, #tpu.memory_space<hbm>>
    %dma_wait3A_547 = tpu.memref_squeeze %dma_wait3A_546 : memref<1x100000xf32, #tpu.memory_space<hbm>> -> memref<100000xf32, #tpu.memory_space<hbm>>
    %dma_wait3A_548 = arith.constant 0 : i32
    %dma_wait3A_549 = tpu.memref_slice %dma_wait3A_547[%dma_wait3A_548] : memref<100000xf32, #tpu.memory_space<hbm>> -> memref<100000xf32, #tpu.memory_space<hbm>>
    tpu.wait_indirect_dma semaphore(%arg10 : memref<!tpu.dma_semaphore, #tpu.memory_space<semaphore_mem>>) src(%dma_wait3A_549 : memref<100000xf32, #tpu.memory_space<hbm>>) dst(%dma_wait3A_542 : memref<128xf32, #tpu.memory_space<vmem>>)
    %dma_wait3A_550 = arith.constant 640 : i32
    %dma_wait3A_551 = tpu.memref_slice %arg6[%dma_wait3A_550] : memref<2048xf32, #tpu.memory_space<vmem>> -> memref<128xf32, #tpu.memory_space<vmem>>
    %dma_wait3A_552 = arith.constant 640 : i32
    %dma_wait3A_553 = tpu.memref_slice %arg8[%dma_wait3A_552] : memref<2048xi32, #tpu.memory_space<vmem>> -> memref<128xi32, #tpu.memory_space<vmem>>
    %dma_wait3A_554 = arith.constant 0 : i32
    %dma_wait3A_555 = tpu.memref_slice %arg2[%add3A_360, %dma_wait3A_554] : memref<128x100000xf32, #tpu.memory_space<hbm>> -> memref<1x100000xf32, #tpu.memory_space<hbm>>
    %dma_wait3A_556 = tpu.memref_squeeze %dma_wait3A_555 : memref<1x100000xf32, #tpu.memory_space<hbm>> -> memref<100000xf32, #tpu.memory_space<hbm>>
    %dma_wait3A_557 = arith.constant 0 : i32
    %dma_wait3A_558 = tpu.memref_slice %dma_wait3A_556[%dma_wait3A_557] : memref<100000xf32, #tpu.memory_space<hbm>> -> memref<100000xf32, #tpu.memory_space<hbm>>
    tpu.wait_indirect_dma semaphore(%arg10 : memref<!tpu.dma_semaphore, #tpu.memory_space<semaphore_mem>>) src(%dma_wait3A_558 : memref<100000xf32, #tpu.memory_space<hbm>>) dst(%dma_wait3A_551 : memref<128xf32, #tpu.memory_space<vmem>>)
    %dma_wait3A_559 = arith.constant 768 : i32
    %dma_wait3A_560 = tpu.memref_slice %arg6[%dma_wait3A_559] : memref<2048xf32, #tpu.memory_space<vmem>> -> memref<128xf32, #tpu.memory_space<vmem>>
    %dma_wait3A_561 = arith.constant 768 : i32
    %dma_wait3A_562 = tpu.memref_slice %arg8[%dma_wait3A_561] : memref<2048xi32, #tpu.memory_space<vmem>> -> memref<128xi32, #tpu.memory_space<vmem>>
    %dma_wait3A_563 = arith.constant 0 : i32
    %dma_wait3A_564 = tpu.memref_slice %arg2[%add3A_360, %dma_wait3A_563] : memref<128x100000xf32, #tpu.memory_space<hbm>> -> memref<1x100000xf32, #tpu.memory_space<hbm>>
    %dma_wait3A_565 = tpu.memref_squeeze %dma_wait3A_564 : memref<1x100000xf32, #tpu.memory_space<hbm>> -> memref<100000xf32, #tpu.memory_space<hbm>>
    %dma_wait3A_566 = arith.constant 0 : i32
    %dma_wait3A_567 = tpu.memref_slice %dma_wait3A_565[%dma_wait3A_566] : memref<100000xf32, #tpu.memory_space<hbm>> -> memref<100000xf32, #tpu.memory_space<hbm>>
    tpu.wait_indirect_dma semaphore(%arg10 : memref<!tpu.dma_semaphore, #tpu.memory_space<semaphore_mem>>) src(%dma_wait3A_567 : memref<100000xf32, #tpu.memory_space<hbm>>) dst(%dma_wait3A_560 : memref<128xf32, #tpu.memory_space<vmem>>)
    %dma_wait3A_568 = arith.constant 896 : i32
    %dma_wait3A_569 = tpu.memref_slice %arg6[%dma_wait3A_568] : memref<2048xf32, #tpu.memory_space<vmem>> -> memref<128xf32, #tpu.memory_space<vmem>>
    %dma_wait3A_570 = arith.constant 896 : i32
    %dma_wait3A_571 = tpu.memref_slice %arg8[%dma_wait3A_570] : memref<2048xi32, #tpu.memory_space<vmem>> -> memref<128xi32, #tpu.memory_space<vmem>>
    %dma_wait3A_572 = arith.constant 0 : i32
    %dma_wait3A_573 = tpu.memref_slice %arg2[%add3A_360, %dma_wait3A_572] : memref<128x100000xf32, #tpu.memory_space<hbm>> -> memref<1x100000xf32, #tpu.memory_space<hbm>>
    %dma_wait3A_574 = tpu.memref_squeeze %dma_wait3A_573 : memref<1x100000xf32, #tpu.memory_space<hbm>> -> memref<100000xf32, #tpu.memory_space<hbm>>
    %dma_wait3A_575 = arith.constant 0 : i32
    %dma_wait3A_576 = tpu.memref_slice %dma_wait3A_574[%dma_wait3A_575] : memref<100000xf32, #tpu.memory_space<hbm>> -> memref<100000xf32, #tpu.memory_space<hbm>>
    tpu.wait_indirect_dma semaphore(%arg10 : memref<!tpu.dma_semaphore, #tpu.memory_space<semaphore_mem>>) src(%dma_wait3A_576 : memref<100000xf32, #tpu.memory_space<hbm>>) dst(%dma_wait3A_569 : memref<128xf32, #tpu.memory_space<vmem>>)
    %dma_wait3A_577 = arith.constant 1024 : i32
    %dma_wait3A_578 = tpu.memref_slice %arg6[%dma_wait3A_577] : memref<2048xf32, #tpu.memory_space<vmem>> -> memref<128xf32, #tpu.memory_space<vmem>>
    %dma_wait3A_579 = arith.constant 1024 : i32
    %dma_wait3A_580 = tpu.memref_slice %arg8[%dma_wait3A_579] : memref<2048xi32, #tpu.memory_space<vmem>> -> memref<128xi32, #tpu.memory_space<vmem>>
    %dma_wait3A_581 = arith.constant 0 : i32
    %dma_wait3A_582 = tpu.memref_slice %arg2[%add3A_360, %dma_wait3A_581] : memref<128x100000xf32, #tpu.memory_space<hbm>> -> memref<1x100000xf32, #tpu.memory_space<hbm>>
    %dma_wait3A_583 = tpu.memref_squeeze %dma_wait3A_582 : memref<1x100000xf32, #tpu.memory_space<hbm>> -> memref<100000xf32, #tpu.memory_space<hbm>>
    %dma_wait3A_584 = arith.constant 0 : i32
    %dma_wait3A_585 = tpu.memref_slice %dma_wait3A_583[%dma_wait3A_584] : memref<100000xf32, #tpu.memory_space<hbm>> -> memref<100000xf32, #tpu.memory_space<hbm>>
    tpu.wait_indirect_dma semaphore(%arg10 : memref<!tpu.dma_semaphore, #tpu.memory_space<semaphore_mem>>) src(%dma_wait3A_585 : memref<100000xf32, #tpu.memory_space<hbm>>) dst(%dma_wait3A_578 : memref<128xf32, #tpu.memory_space<vmem>>)
    %dma_wait3A_586 = arith.constant 1152 : i32
    %dma_wait3A_587 = tpu.memref_slice %arg6[%dma_wait3A_586] : memref<2048xf32, #tpu.memory_space<vmem>> -> memref<128xf32, #tpu.memory_space<vmem>>
    %dma_wait3A_588 = arith.constant 1152 : i32
    %dma_wait3A_589 = tpu.memref_slice %arg8[%dma_wait3A_588] : memref<2048xi32, #tpu.memory_space<vmem>> -> memref<128xi32, #tpu.memory_space<vmem>>
    %dma_wait3A_590 = arith.constant 0 : i32
    %dma_wait3A_591 = tpu.memref_slice %arg2[%add3A_360, %dma_wait3A_590] : memref<128x100000xf32, #tpu.memory_space<hbm>> -> memref<1x100000xf32, #tpu.memory_space<hbm>>
    %dma_wait3A_592 = tpu.memref_squeeze %dma_wait3A_591 : memref<1x100000xf32, #tpu.memory_space<hbm>> -> memref<100000xf32, #tpu.memory_space<hbm>>
    %dma_wait3A_593 = arith.constant 0 : i32
    %dma_wait3A_594 = tpu.memref_slice %dma_wait3A_592[%dma_wait3A_593] : memref<100000xf32, #tpu.memory_space<hbm>> -> memref<100000xf32, #tpu.memory_space<hbm>>
    tpu.wait_indirect_dma semaphore(%arg10 : memref<!tpu.dma_semaphore, #tpu.memory_space<semaphore_mem>>) src(%dma_wait3A_594 : memref<100000xf32, #tpu.memory_space<hbm>>) dst(%dma_wait3A_587 : memref<128xf32, #tpu.memory_space<vmem>>)
    %dma_wait3A_595 = arith.constant 1280 : i32
    %dma_wait3A_596 = tpu.memref_slice %arg6[%dma_wait3A_595] : memref<2048xf32, #tpu.memory_space<vmem>> -> memref<128xf32, #tpu.memory_space<vmem>>
    %dma_wait3A_597 = arith.constant 1280 : i32
    %dma_wait3A_598 = tpu.memref_slice %arg8[%dma_wait3A_597] : memref<2048xi32, #tpu.memory_space<vmem>> -> memref<128xi32, #tpu.memory_space<vmem>>
    %dma_wait3A_599 = arith.constant 0 : i32
    %dma_wait3A_600 = tpu.memref_slice %arg2[%add3A_360, %dma_wait3A_599] : memref<128x100000xf32, #tpu.memory_space<hbm>> -> memref<1x100000xf32, #tpu.memory_space<hbm>>
    %dma_wait3A_601 = tpu.memref_squeeze %dma_wait3A_600 : memref<1x100000xf32, #tpu.memory_space<hbm>> -> memref<100000xf32, #tpu.memory_space<hbm>>
    %dma_wait3A_602 = arith.constant 0 : i32
    %dma_wait3A_603 = tpu.memref_slice %dma_wait3A_601[%dma_wait3A_602] : memref<100000xf32, #tpu.memory_space<hbm>> -> memref<100000xf32, #tpu.memory_space<hbm>>
    tpu.wait_indirect_dma semaphore(%arg10 : memref<!tpu.dma_semaphore, #tpu.memory_space<semaphore_mem>>) src(%dma_wait3A_603 : memref<100000xf32, #tpu.memory_space<hbm>>) dst(%dma_wait3A_596 : memref<128xf32, #tpu.memory_space<vmem>>)
    %dma_wait3A_604 = arith.constant 1408 : i32
    %dma_wait3A_605 = tpu.memref_slice %arg6[%dma_wait3A_604] : memref<2048xf32, #tpu.memory_space<vmem>> -> memref<128xf32, #tpu.memory_space<vmem>>
    %dma_wait3A_606 = arith.constant 1408 : i32
    %dma_wait3A_607 = tpu.memref_slice %arg8[%dma_wait3A_606] : memref<2048xi32, #tpu.memory_space<vmem>> -> memref<128xi32, #tpu.memory_space<vmem>>
    %dma_wait3A_608 = arith.constant 0 : i32
    %dma_wait3A_609 = tpu.memref_slice %arg2[%add3A_360, %dma_wait3A_608] : memref<128x100000xf32, #tpu.memory_space<hbm>> -> memref<1x100000xf32, #tpu.memory_space<hbm>>
    %dma_wait3A_610 = tpu.memref_squeeze %dma_wait3A_609 : memref<1x100000xf32, #tpu.memory_space<hbm>> -> memref<100000xf32, #tpu.memory_space<hbm>>
    %dma_wait3A_611 = arith.constant 0 : i32
    %dma_wait3A_612 = tpu.memref_slice %dma_wait3A_610[%dma_wait3A_611] : memref<100000xf32, #tpu.memory_space<hbm>> -> memref<100000xf32, #tpu.memory_space<hbm>>
    tpu.wait_indirect_dma semaphore(%arg10 : memref<!tpu.dma_semaphore, #tpu.memory_space<semaphore_mem>>) src(%dma_wait3A_612 : memref<100000xf32, #tpu.memory_space<hbm>>) dst(%dma_wait3A_605 : memref<128xf32, #tpu.memory_space<vmem>>)
    %dma_wait3A_613 = arith.constant 1536 : i32
    %dma_wait3A_614 = tpu.memref_slice %arg6[%dma_wait3A_613] : memref<2048xf32, #tpu.memory_space<vmem>> -> memref<128xf32, #tpu.memory_space<vmem>>
    %dma_wait3A_615 = arith.constant 1536 : i32
    %dma_wait3A_616 = tpu.memref_slice %arg8[%dma_wait3A_615] : memref<2048xi32, #tpu.memory_space<vmem>> -> memref<128xi32, #tpu.memory_space<vmem>>
    %dma_wait3A_617 = arith.constant 0 : i32
    %dma_wait3A_618 = tpu.memref_slice %arg2[%add3A_360, %dma_wait3A_617] : memref<128x100000xf32, #tpu.memory_space<hbm>> -> memref<1x100000xf32, #tpu.memory_space<hbm>>
    %dma_wait3A_619 = tpu.memref_squeeze %dma_wait3A_618 : memref<1x100000xf32, #tpu.memory_space<hbm>> -> memref<100000xf32, #tpu.memory_space<hbm>>
    %dma_wait3A_620 = arith.constant 0 : i32
    %dma_wait3A_621 = tpu.memref_slice %dma_wait3A_619[%dma_wait3A_620] : memref<100000xf32, #tpu.memory_space<hbm>> -> memref<100000xf32, #tpu.memory_space<hbm>>
    tpu.wait_indirect_dma semaphore(%arg10 : memref<!tpu.dma_semaphore, #tpu.memory_space<semaphore_mem>>) src(%dma_wait3A_621 : memref<100000xf32, #tpu.memory_space<hbm>>) dst(%dma_wait3A_614 : memref<128xf32, #tpu.memory_space<vmem>>)
    %dma_wait3A_622 = arith.constant 1664 : i32
    %dma_wait3A_623 = tpu.memref_slice %arg6[%dma_wait3A_622] : memref<2048xf32, #tpu.memory_space<vmem>> -> memref<128xf32, #tpu.memory_space<vmem>>
    %dma_wait3A_624 = arith.constant 1664 : i32
    %dma_wait3A_625 = tpu.memref_slice %arg8[%dma_wait3A_624] : memref<2048xi32, #tpu.memory_space<vmem>> -> memref<128xi32, #tpu.memory_space<vmem>>
    %dma_wait3A_626 = arith.constant 0 : i32
    %dma_wait3A_627 = tpu.memref_slice %arg2[%add3A_360, %dma_wait3A_626] : memref<128x100000xf32, #tpu.memory_space<hbm>> -> memref<1x100000xf32, #tpu.memory_space<hbm>>
    %dma_wait3A_628 = tpu.memref_squeeze %dma_wait3A_627 : memref<1x100000xf32, #tpu.memory_space<hbm>> -> memref<100000xf32, #tpu.memory_space<hbm>>
    %dma_wait3A_629 = arith.constant 0 : i32
    %dma_wait3A_630 = tpu.memref_slice %dma_wait3A_628[%dma_wait3A_629] : memref<100000xf32, #tpu.memory_space<hbm>> -> memref<100000xf32, #tpu.memory_space<hbm>>
    tpu.wait_indirect_dma semaphore(%arg10 : memref<!tpu.dma_semaphore, #tpu.memory_space<semaphore_mem>>) src(%dma_wait3A_630 : memref<100000xf32, #tpu.memory_space<hbm>>) dst(%dma_wait3A_623 : memref<128xf32, #tpu.memory_space<vmem>>)
    %dma_wait3A_631 = arith.constant 1792 : i32
    %dma_wait3A_632 = tpu.memref_slice %arg6[%dma_wait3A_631] : memref<2048xf32, #tpu.memory_space<vmem>> -> memref<128xf32, #tpu.memory_space<vmem>>
    %dma_wait3A_633 = arith.constant 1792 : i32
    %dma_wait3A_634 = tpu.memref_slice %arg8[%dma_wait3A_633] : memref<2048xi32, #tpu.memory_space<vmem>> -> memref<128xi32, #tpu.memory_space<vmem>>
    %dma_wait3A_635 = arith.constant 0 : i32
    %dma_wait3A_636 = tpu.memref_slice %arg2[%add3A_360, %dma_wait3A_635] : memref<128x100000xf32, #tpu.memory_space<hbm>> -> memref<1x100000xf32, #tpu.memory_space<hbm>>
    %dma_wait3A_637 = tpu.memref_squeeze %dma_wait3A_636 : memref<1x100000xf32, #tpu.memory_space<hbm>> -> memref<100000xf32, #tpu.memory_space<hbm>>
    %dma_wait3A_638 = arith.constant 0 : i32
    %dma_wait3A_639 = tpu.memref_slice %dma_wait3A_637[%dma_wait3A_638] : memref<100000xf32, #tpu.memory_space<hbm>> -> memref<100000xf32, #tpu.memory_space<hbm>>
    tpu.wait_indirect_dma semaphore(%arg10 : memref<!tpu.dma_semaphore, #tpu.memory_space<semaphore_mem>>) src(%dma_wait3A_639 : memref<100000xf32, #tpu.memory_space<hbm>>) dst(%dma_wait3A_632 : memref<128xf32, #tpu.memory_space<vmem>>)
    %dma_wait3A_640 = arith.constant 1920 : i32
    %dma_wait3A_641 = tpu.memref_slice %arg6[%dma_wait3A_640] : memref<2048xf32, #tpu.memory_space<vmem>> -> memref<128xf32, #tpu.memory_space<vmem>>
    %dma_wait3A_642 = arith.constant 1920 : i32
    %dma_wait3A_643 = tpu.memref_slice %arg8[%dma_wait3A_642] : memref<2048xi32, #tpu.memory_space<vmem>> -> memref<128xi32, #tpu.memory_space<vmem>>
    %dma_wait3A_644 = arith.constant 0 : i32
    %dma_wait3A_645 = tpu.memref_slice %arg2[%add3A_360, %dma_wait3A_644] : memref<128x100000xf32, #tpu.memory_space<hbm>> -> memref<1x100000xf32, #tpu.memory_space<hbm>>
    %dma_wait3A_646 = tpu.memref_squeeze %dma_wait3A_645 : memref<1x100000xf32, #tpu.memory_space<hbm>> -> memref<100000xf32, #tpu.memory_space<hbm>>
    %dma_wait3A_647 = arith.constant 0 : i32
    %dma_wait3A_648 = tpu.memref_slice %dma_wait3A_646[%dma_wait3A_647] : memref<100000xf32, #tpu.memory_space<hbm>> -> memref<100000xf32, #tpu.memory_space<hbm>>
    tpu.wait_indirect_dma semaphore(%arg10 : memref<!tpu.dma_semaphore, #tpu.memory_space<semaphore_mem>>) src(%dma_wait3A_648 : memref<100000xf32, #tpu.memory_space<hbm>>) dst(%dma_wait3A_641 : memref<128xf32, #tpu.memory_space<vmem>>)
    %scan3A_649 = arith.constant 0 : i32
    %scan3A_650 = arith.constant 128 : i32
    %scan3A_651 = arith.addi %scan3A_649, %scan3A_650 : i32
    %scan3A_652 = arith.constant 1 : i32
    %scan3A_653:2 = scf.for %scan3A_1454 = %scan3A_649 to %scan3A_651 step %scan3A_652 iter_args(%scan3A_1455 = %broadcast_in_dim3A_3, %scan3A_1456 = %broadcast_in_dim3A_5) -> (vector<16xf32>, vector<16xi32>)  : i32 {
      %mul3A_1457 = arith.constant 16 : i32
      %mul3A_1458 = arith.muli %scan3A_1454, %mul3A_1457 : i32
      %get3A = arith.index_cast %mul3A_1458 : i32 to index
      %get3A_1459 = tpu.vector_load %arg6[%get3A] {strides = array<i32>} : memref<2048xf32, #tpu.memory_space<vmem>>, vector<16xf32>,
      %get3A_1460 = vector.shape_cast %get3A_1459 : vector<16xf32> to vector<16xf32>
      %mul3A_1461 = arith.constant 16 : i32
      %mul3A_1462 = arith.muli %scan3A_1454, %mul3A_1461 : i32
      %get3A_1463 = arith.index_cast %mul3A_1462 : i32 to index
      %get3A_1464 = tpu.vector_load %arg7[%get3A_1463] {strides = array<i32>} : memref<2048xf32, #tpu.memory_space<vmem>>, vector<16xf32>,
      %get3A_1465 = vector.shape_cast %get3A_1464 : vector<16xf32> to vector<16xf32>
      %add3A_1466 = arith.addf %get3A_1460, %get3A_1465 : vector<16xf32>
      %mul3A_1467 = arith.constant 16 : i32
      %mul3A_1468 = arith.muli %scan3A_1454, %mul3A_1467 : i32
      %get3A_1469 = arith.index_cast %mul3A_1468 : i32 to index
      %get3A_1470 = tpu.vector_load %arg8[%get3A_1469] {strides = array<i32>} : memref<2048xi32, #tpu.memory_space<vmem>>, vector<16xi32>,
      %get3A_1471 = vector.shape_cast %get3A_1470 : vector<16xi32> to vector<16xi32>
      %gt3A_1472 = arith.cmpf ogt, %add3A_1466, %scan3A_1455 : vector<16xf32>
      %eq3A_1473 = arith.cmpf oeq, %add3A_1466, %scan3A_1455 : vector<16xf32>
      %lt3A_1474 = arith.cmpi slt, %get3A_1471, %scan3A_1456 : vector<16xi32>
      %and3A_1475 = arith.andi %eq3A_1473, %lt3A_1474 : vector<16xi1>
      %or3A_1476 = arith.ori %gt3A_1472, %and3A_1475 : vector<16xi1>
      %select_n3A_1477 = arith.select %or3A_1476, %add3A_1466, %scan3A_1455 : vector<16xi1>, vector<16xf32>
      %select_n3A_1478 = arith.select %or3A_1476, %get3A_1471, %scan3A_1456 : vector<16xi1>, vector<16xi32>
      scf.yield %select_n3A_1477, %select_n3A_1478 : vector<16xf32>, vector<16xi32>
    }
    %scan3A_654 = arith.constant 128 : i32
    %xor3A_655 = arith.constant 1 : i32
    %xor3A_656 = vector.broadcast %xor3A_655 : i32 to vector<16xi32>
    %xor3A_657 = arith.xori %iota3A, %xor3A_656 : vector<16xi32>
    %broadcast_in_dim3A_658 = vector.shape_cast %xor3A_657 : vector<16xi32> to vector<16x1xi32>
    %gather3A_659 = vector.shape_cast %broadcast_in_dim3A_658 : vector<16x1xi32> to vector<16xi32>
    %gather3A_660 = tpu.dynamic_gather %scan3A_653#0[%gather3A_659] in [0] : vector<16xf32>, vector<16xi32> -> vector<16xf32>
    %broadcast_in_dim3A_661 = vector.shape_cast %xor3A_657 : vector<16xi32> to vector<16x1xi32>
    %gather3A_662 = vector.shape_cast %broadcast_in_dim3A_661 : vector<16x1xi32> to vector<16xi32>
    %gather3A_663 = tpu.dynamic_gather %scan3A_653#1[%gather3A_662] in [0] : vector<16xi32>, vector<16xi32> -> vector<16xi32>
    %gt3A_664 = arith.cmpf ogt, %gather3A_660, %scan3A_653#0 : vector<16xf32>
    %eq3A_665 = arith.cmpf oeq, %gather3A_660, %scan3A_653#0 : vector<16xf32>
    %lt3A_666 = arith.cmpi slt, %gather3A_663, %scan3A_653#1 : vector<16xi32>
    %and3A_667 = arith.andi %eq3A_665, %lt3A_666 : vector<16xi1>
    %or3A_668 = arith.ori %gt3A_664, %and3A_667 : vector<16xi1>
    %select_n3A_669 = arith.select %or3A_668, %gather3A_660, %scan3A_653#0 : vector<16xi1>, vector<16xf32>
    %select_n3A_670 = arith.select %or3A_668, %gather3A_663, %scan3A_653#1 : vector<16xi1>, vector<16xi32>
    %xor3A_671 = arith.constant 2 : i32
    %xor3A_672 = vector.broadcast %xor3A_671 : i32 to vector<16xi32>
    %xor3A_673 = arith.xori %iota3A, %xor3A_672 : vector<16xi32>
    %broadcast_in_dim3A_674 = vector.shape_cast %xor3A_673 : vector<16xi32> to vector<16x1xi32>
    %gather3A_675 = vector.shape_cast %broadcast_in_dim3A_674 : vector<16x1xi32> to vector<16xi32>
    %gather3A_676 = tpu.dynamic_gather %select_n3A_669[%gather3A_675] in [0] : vector<16xf32>, vector<16xi32> -> vector<16xf32>
    %broadcast_in_dim3A_677 = vector.shape_cast %xor3A_673 : vector<16xi32> to vector<16x1xi32>
    %gather3A_678 = vector.shape_cast %broadcast_in_dim3A_677 : vector<16x1xi32> to vector<16xi32>
    %gather3A_679 = tpu.dynamic_gather %select_n3A_670[%gather3A_678] in [0] : vector<16xi32>, vector<16xi32> -> vector<16xi32>
    %gt3A_680 = arith.cmpf ogt, %gather3A_676, %select_n3A_669 : vector<16xf32>
    %eq3A_681 = arith.cmpf oeq, %gather3A_676, %select_n3A_669 : vector<16xf32>
    %lt3A_682 = arith.cmpi slt, %gather3A_679, %select_n3A_670 : vector<16xi32>
    %and3A_683 = arith.andi %eq3A_681, %lt3A_682 : vector<16xi1>
    %or3A_684 = arith.ori %gt3A_680, %and3A_683 : vector<16xi1>
    %select_n3A_685 = arith.select %or3A_684, %gather3A_676, %select_n3A_669 : vector<16xi1>, vector<16xf32>
    %select_n3A_686 = arith.select %or3A_684, %gather3A_679, %select_n3A_670 : vector<16xi1>, vector<16xi32>
    %xor3A_687 = arith.constant 4 : i32
    %xor3A_688 = vector.broadcast %xor3A_687 : i32 to vector<16xi32>
    %xor3A_689 = arith.xori %iota3A, %xor3A_688 : vector<16xi32>
    %broadcast_in_dim3A_690 = vector.shape_cast %xor3A_689 : vector<16xi32> to vector<16x1xi32>
    %gather3A_691 = vector.shape_cast %broadcast_in_dim3A_690 : vector<16x1xi32> to vector<16xi32>
    %gather3A_692 = tpu.dynamic_gather %select_n3A_685[%gather3A_691] in [0] : vector<16xf32>, vector<16xi32> -> vector<16xf32>
    %broadcast_in_dim3A_693 = vector.shape_cast %xor3A_689 : vector<16xi32> to vector<16x1xi32>
    %gather3A_694 = vector.shape_cast %broadcast_in_dim3A_693 : vector<16x1xi32> to vector<16xi32>
    %gather3A_695 = tpu.dynamic_gather %select_n3A_686[%gather3A_694] in [0] : vector<16xi32>, vector<16xi32> -> vector<16xi32>
    %gt3A_696 = arith.cmpf ogt, %gather3A_692, %select_n3A_685 : vector<16xf32>
    %eq3A_697 = arith.cmpf oeq, %gather3A_692, %select_n3A_685 : vector<16xf32>
    %lt3A_698 = arith.cmpi slt, %gather3A_695, %select_n3A_686 : vector<16xi32>
    %and3A_699 = arith.andi %eq3A_697, %lt3A_698 : vector<16xi1>
    %or3A_700 = arith.ori %gt3A_696, %and3A_699 : vector<16xi1>
    %select_n3A_701 = arith.select %or3A_700, %gather3A_692, %select_n3A_685 : vector<16xi1>, vector<16xf32>
    %select_n3A_702 = arith.select %or3A_700, %gather3A_695, %select_n3A_686 : vector<16xi1>, vector<16xi32>
    %xor3A_703 = arith.constant 8 : i32
    %xor3A_704 = vector.broadcast %xor3A_703 : i32 to vector<16xi32>
    %xor3A_705 = arith.xori %iota3A, %xor3A_704 : vector<16xi32>
    %broadcast_in_dim3A_706 = vector.shape_cast %xor3A_705 : vector<16xi32> to vector<16x1xi32>
    %gather3A_707 = vector.shape_cast %broadcast_in_dim3A_706 : vector<16x1xi32> to vector<16xi32>
    %gather3A_708 = tpu.dynamic_gather %select_n3A_701[%gather3A_707] in [0] : vector<16xf32>, vector<16xi32> -> vector<16xf32>
    %broadcast_in_dim3A_709 = vector.shape_cast %xor3A_705 : vector<16xi32> to vector<16x1xi32>
    %gather3A_710 = vector.shape_cast %broadcast_in_dim3A_709 : vector<16x1xi32> to vector<16xi32>
    %gather3A_711 = tpu.dynamic_gather %select_n3A_702[%gather3A_710] in [0] : vector<16xi32>, vector<16xi32> -> vector<16xi32>
    %gt3A_712 = arith.cmpf ogt, %gather3A_708, %select_n3A_701 : vector<16xf32>
    %eq3A_713 = arith.cmpf oeq, %gather3A_708, %select_n3A_701 : vector<16xf32>
    %lt3A_714 = arith.cmpi slt, %gather3A_711, %select_n3A_702 : vector<16xi32>
    %and3A_715 = arith.andi %eq3A_713, %lt3A_714 : vector<16xi1>
    %or3A_716 = arith.ori %gt3A_712, %and3A_715 : vector<16xi1>
    %select_n3A_717 = arith.select %or3A_716, %gather3A_708, %select_n3A_701 : vector<16xi1>, vector<16xf32>
    %select_n3A_718 = arith.select %or3A_716, %gather3A_711, %select_n3A_702 : vector<16xi1>, vector<16xi32>
    %eq3A_719 = arith.constant 1 : i32
    %eq3A_720 = vector.broadcast %eq3A_719 : i32 to vector<16xi32>
    %eq3A_721 = arith.cmpi eq, %iota3A, %eq3A_720 : vector<16xi32>
    %select_n3A_722 = arith.select %eq3A_721, %select_n3A_718, %select_n3A_358 : vector<16xi1>, vector<16xi32>
    %add3A_723 = arith.constant 2 : i32
    %add3A_724 = arith.addi %mul3A_2, %add3A_723 : i32
    "tpu.region"() ({
      %run_scoped3A = tpu.sem_alloc : memref<!tpu.dma_semaphore, #tpu.memory_space<semaphore_mem>>
      %dma_start3A_1454 = arith.constant 0 : i32
      %dma_start3A_1455 = tpu.memref_slice %arg3[%add3A_724, %dma_start3A_1454] : memref<128x2048xf32, #tpu.memory_space<hbm>> -> memref<1x2048xf32, #tpu.memory_space<hbm>>
      %dma_start3A_1456 = tpu.memref_squeeze %dma_start3A_1455 : memref<1x2048xf32, #tpu.memory_space<hbm>> -> memref<2048xf32, #tpu.memory_space<hbm>>
      %dma_start3A_1457 = arith.constant 0 : i32
      %dma_start3A_1458 = tpu.memref_slice %arg3[%add3A_724, %dma_start3A_1457] : memref<128x2048xf32, #tpu.memory_space<hbm>> -> memref<1x2048xf32, #tpu.memory_space<hbm>>
      %dma_start3A_1459 = tpu.memref_squeeze %dma_start3A_1458 : memref<1x2048xf32, #tpu.memory_space<hbm>> -> memref<2048xf32, #tpu.memory_space<hbm>>
      tpu.enqueue_dma source(%dma_start3A_1459 : memref<2048xf32, #tpu.memory_space<hbm>>) target(%arg7 : memref<2048xf32, #tpu.memory_space<vmem>>) target_semaphore(%run_scoped3A : memref<!tpu.dma_semaphore, #tpu.memory_space<semaphore_mem>>)
      %dma_wait3A_1460 = arith.constant 0 : i32
      %dma_wait3A_1461 = tpu.memref_slice %arg3[%add3A_724, %dma_wait3A_1460] : memref<128x2048xf32, #tpu.memory_space<hbm>> -> memref<1x2048xf32, #tpu.memory_space<hbm>>
      %dma_wait3A_1462 = tpu.memref_squeeze %dma_wait3A_1461 : memref<1x2048xf32, #tpu.memory_space<hbm>> -> memref<2048xf32, #tpu.memory_space<hbm>>
      %dma_wait3A_1463 = arith.constant 0 : i32
      %dma_wait3A_1464 = tpu.memref_slice %arg3[%add3A_724, %dma_wait3A_1463] : memref<128x2048xf32, #tpu.memory_space<hbm>> -> memref<1x2048xf32, #tpu.memory_space<hbm>>
      %dma_wait3A_1465 = tpu.memref_squeeze %dma_wait3A_1464 : memref<1x2048xf32, #tpu.memory_space<hbm>> -> memref<2048xf32, #tpu.memory_space<hbm>>
      tpu.wait_dma2 semaphore(%run_scoped3A : memref<!tpu.dma_semaphore, #tpu.memory_space<semaphore_mem>>) src(%dma_wait3A_1465 : memref<2048xf32, #tpu.memory_space<hbm>>) dst(%arg7 : memref<2048xf32, #tpu.memory_space<vmem>>)
      tpu.yield
    }) : () -> ()
    "tpu.region"() ({
      %run_scoped3A = tpu.sem_alloc : memref<!tpu.dma_semaphore, #tpu.memory_space<semaphore_mem>>
      %dma_start3A_1454 = arith.constant 0 : i32
      %dma_start3A_1455 = tpu.memref_slice %arg4[%add3A_724, %dma_start3A_1454] : memref<128x2048xi32, #tpu.memory_space<hbm>> -> memref<1x2048xi32, #tpu.memory_space<hbm>>
      %dma_start3A_1456 = tpu.memref_squeeze %dma_start3A_1455 : memref<1x2048xi32, #tpu.memory_space<hbm>> -> memref<2048xi32, #tpu.memory_space<hbm>>
      %dma_start3A_1457 = arith.constant 0 : i32
      %dma_start3A_1458 = tpu.memref_slice %arg4[%add3A_724, %dma_start3A_1457] : memref<128x2048xi32, #tpu.memory_space<hbm>> -> memref<1x2048xi32, #tpu.memory_space<hbm>>
      %dma_start3A_1459 = tpu.memref_squeeze %dma_start3A_1458 : memref<1x2048xi32, #tpu.memory_space<hbm>> -> memref<2048xi32, #tpu.memory_space<hbm>>
      tpu.enqueue_dma source(%dma_start3A_1459 : memref<2048xi32, #tpu.memory_space<hbm>>) target(%arg8 : memref<2048xi32, #tpu.memory_space<vmem>>) target_semaphore(%run_scoped3A : memref<!tpu.dma_semaphore, #tpu.memory_space<semaphore_mem>>)
      %dma_wait3A_1460 = arith.constant 0 : i32
      %dma_wait3A_1461 = tpu.memref_slice %arg4[%add3A_724, %dma_wait3A_1460] : memref<128x2048xi32, #tpu.memory_space<hbm>> -> memref<1x2048xi32, #tpu.memory_space<hbm>>
      %dma_wait3A_1462 = tpu.memref_squeeze %dma_wait3A_1461 : memref<1x2048xi32, #tpu.memory_space<hbm>> -> memref<2048xi32, #tpu.memory_space<hbm>>
      %dma_wait3A_1463 = arith.constant 0 : i32
      %dma_wait3A_1464 = tpu.memref_slice %arg4[%add3A_724, %dma_wait3A_1463] : memref<128x2048xi32, #tpu.memory_space<hbm>> -> memref<1x2048xi32, #tpu.memory_space<hbm>>
      %dma_wait3A_1465 = tpu.memref_squeeze %dma_wait3A_1464 : memref<1x2048xi32, #tpu.memory_space<hbm>> -> memref<2048xi32, #tpu.memory_space<hbm>>
      tpu.wait_dma2 semaphore(%run_scoped3A : memref<!tpu.dma_semaphore, #tpu.memory_space<semaphore_mem>>) src(%dma_wait3A_1465 : memref<2048xi32, #tpu.memory_space<hbm>>) dst(%arg8 : memref<2048xi32, #tpu.memory_space<vmem>>)
      tpu.yield
    }) : () -> ()
    %dma_start3A_725 = arith.constant 0 : i32
    %dma_start3A_726 = tpu.memref_slice %arg6[%dma_start3A_725] : memref<2048xf32, #tpu.memory_space<vmem>> -> memref<128xf32, #tpu.memory_space<vmem>>
    %dma_start3A_727 = arith.constant 0 : i32
    %dma_start3A_728 = tpu.memref_slice %arg8[%dma_start3A_727] : memref<2048xi32, #tpu.memory_space<vmem>> -> memref<128xi32, #tpu.memory_space<vmem>>
    %dma_start3A_729 = arith.constant 0 : i32
    %dma_start3A_730 = tpu.memref_slice %arg2[%add3A_724, %dma_start3A_729] : memref<128x100000xf32, #tpu.memory_space<hbm>> -> memref<1x100000xf32, #tpu.memory_space<hbm>>
    %dma_start3A_731 = tpu.memref_squeeze %dma_start3A_730 : memref<1x100000xf32, #tpu.memory_space<hbm>> -> memref<100000xf32, #tpu.memory_space<hbm>>
    %dma_start3A_732 = arith.constant 0 : i32
    %dma_start3A_733 = tpu.memref_slice %dma_start3A_731[%dma_start3A_732] : memref<100000xf32, #tpu.memory_space<hbm>> -> memref<100000xf32, #tpu.memory_space<hbm>>
    tpu.enqueue_indirect_dma source(%dma_start3A_733 : memref<100000xf32, #tpu.memory_space<hbm>>) target(%dma_start3A_726 : memref<128xf32, #tpu.memory_space<vmem>>) offsets(%dma_start3A_728 : memref<128xi32, #tpu.memory_space<vmem>>) semaphore(%arg10 : memref<!tpu.dma_semaphore, #tpu.memory_space<semaphore_mem>>)
    %dma_start3A_734 = arith.constant 128 : i32
    %dma_start3A_735 = tpu.memref_slice %arg6[%dma_start3A_734] : memref<2048xf32, #tpu.memory_space<vmem>> -> memref<128xf32, #tpu.memory_space<vmem>>
    %dma_start3A_736 = arith.constant 128 : i32
    %dma_start3A_737 = tpu.memref_slice %arg8[%dma_start3A_736] : memref<2048xi32, #tpu.memory_space<vmem>> -> memref<128xi32, #tpu.memory_space<vmem>>
    %dma_start3A_738 = arith.constant 0 : i32
    %dma_start3A_739 = tpu.memref_slice %arg2[%add3A_724, %dma_start3A_738] : memref<128x100000xf32, #tpu.memory_space<hbm>> -> memref<1x100000xf32, #tpu.memory_space<hbm>>
    %dma_start3A_740 = tpu.memref_squeeze %dma_start3A_739 : memref<1x100000xf32, #tpu.memory_space<hbm>> -> memref<100000xf32, #tpu.memory_space<hbm>>
    %dma_start3A_741 = arith.constant 0 : i32
    %dma_start3A_742 = tpu.memref_slice %dma_start3A_740[%dma_start3A_741] : memref<100000xf32, #tpu.memory_space<hbm>> -> memref<100000xf32, #tpu.memory_space<hbm>>
    tpu.enqueue_indirect_dma source(%dma_start3A_742 : memref<100000xf32, #tpu.memory_space<hbm>>) target(%dma_start3A_735 : memref<128xf32, #tpu.memory_space<vmem>>) offsets(%dma_start3A_737 : memref<128xi32, #tpu.memory_space<vmem>>) semaphore(%arg10 : memref<!tpu.dma_semaphore, #tpu.memory_space<semaphore_mem>>)
    %dma_start3A_743 = arith.constant 256 : i32
    %dma_start3A_744 = tpu.memref_slice %arg6[%dma_start3A_743] : memref<2048xf32, #tpu.memory_space<vmem>> -> memref<128xf32, #tpu.memory_space<vmem>>
    %dma_start3A_745 = arith.constant 256 : i32
    %dma_start3A_746 = tpu.memref_slice %arg8[%dma_start3A_745] : memref<2048xi32, #tpu.memory_space<vmem>> -> memref<128xi32, #tpu.memory_space<vmem>>
    %dma_start3A_747 = arith.constant 0 : i32
    %dma_start3A_748 = tpu.memref_slice %arg2[%add3A_724, %dma_start3A_747] : memref<128x100000xf32, #tpu.memory_space<hbm>> -> memref<1x100000xf32, #tpu.memory_space<hbm>>
    %dma_start3A_749 = tpu.memref_squeeze %dma_start3A_748 : memref<1x100000xf32, #tpu.memory_space<hbm>> -> memref<100000xf32, #tpu.memory_space<hbm>>
    %dma_start3A_750 = arith.constant 0 : i32
    %dma_start3A_751 = tpu.memref_slice %dma_start3A_749[%dma_start3A_750] : memref<100000xf32, #tpu.memory_space<hbm>> -> memref<100000xf32, #tpu.memory_space<hbm>>
    tpu.enqueue_indirect_dma source(%dma_start3A_751 : memref<100000xf32, #tpu.memory_space<hbm>>) target(%dma_start3A_744 : memref<128xf32, #tpu.memory_space<vmem>>) offsets(%dma_start3A_746 : memref<128xi32, #tpu.memory_space<vmem>>) semaphore(%arg10 : memref<!tpu.dma_semaphore, #tpu.memory_space<semaphore_mem>>)
    %dma_start3A_752 = arith.constant 384 : i32
    %dma_start3A_753 = tpu.memref_slice %arg6[%dma_start3A_752] : memref<2048xf32, #tpu.memory_space<vmem>> -> memref<128xf32, #tpu.memory_space<vmem>>
    %dma_start3A_754 = arith.constant 384 : i32
    %dma_start3A_755 = tpu.memref_slice %arg8[%dma_start3A_754] : memref<2048xi32, #tpu.memory_space<vmem>> -> memref<128xi32, #tpu.memory_space<vmem>>
    %dma_start3A_756 = arith.constant 0 : i32
    %dma_start3A_757 = tpu.memref_slice %arg2[%add3A_724, %dma_start3A_756] : memref<128x100000xf32, #tpu.memory_space<hbm>> -> memref<1x100000xf32, #tpu.memory_space<hbm>>
    %dma_start3A_758 = tpu.memref_squeeze %dma_start3A_757 : memref<1x100000xf32, #tpu.memory_space<hbm>> -> memref<100000xf32, #tpu.memory_space<hbm>>
    %dma_start3A_759 = arith.constant 0 : i32
    %dma_start3A_760 = tpu.memref_slice %dma_start3A_758[%dma_start3A_759] : memref<100000xf32, #tpu.memory_space<hbm>> -> memref<100000xf32, #tpu.memory_space<hbm>>
    tpu.enqueue_indirect_dma source(%dma_start3A_760 : memref<100000xf32, #tpu.memory_space<hbm>>) target(%dma_start3A_753 : memref<128xf32, #tpu.memory_space<vmem>>) offsets(%dma_start3A_755 : memref<128xi32, #tpu.memory_space<vmem>>) semaphore(%arg10 : memref<!tpu.dma_semaphore, #tpu.memory_space<semaphore_mem>>)
    %dma_start3A_761 = arith.constant 512 : i32
    %dma_start3A_762 = tpu.memref_slice %arg6[%dma_start3A_761] : memref<2048xf32, #tpu.memory_space<vmem>> -> memref<128xf32, #tpu.memory_space<vmem>>
    %dma_start3A_763 = arith.constant 512 : i32
    %dma_start3A_764 = tpu.memref_slice %arg8[%dma_start3A_763] : memref<2048xi32, #tpu.memory_space<vmem>> -> memref<128xi32, #tpu.memory_space<vmem>>
    %dma_start3A_765 = arith.constant 0 : i32
    %dma_start3A_766 = tpu.memref_slice %arg2[%add3A_724, %dma_start3A_765] : memref<128x100000xf32, #tpu.memory_space<hbm>> -> memref<1x100000xf32, #tpu.memory_space<hbm>>
    %dma_start3A_767 = tpu.memref_squeeze %dma_start3A_766 : memref<1x100000xf32, #tpu.memory_space<hbm>> -> memref<100000xf32, #tpu.memory_space<hbm>>
    %dma_start3A_768 = arith.constant 0 : i32
    %dma_start3A_769 = tpu.memref_slice %dma_start3A_767[%dma_start3A_768] : memref<100000xf32, #tpu.memory_space<hbm>> -> memref<100000xf32, #tpu.memory_space<hbm>>
    tpu.enqueue_indirect_dma source(%dma_start3A_769 : memref<100000xf32, #tpu.memory_space<hbm>>) target(%dma_start3A_762 : memref<128xf32, #tpu.memory_space<vmem>>) offsets(%dma_start3A_764 : memref<128xi32, #tpu.memory_space<vmem>>) semaphore(%arg10 : memref<!tpu.dma_semaphore, #tpu.memory_space<semaphore_mem>>)
    %dma_start3A_770 = arith.constant 640 : i32
    %dma_start3A_771 = tpu.memref_slice %arg6[%dma_start3A_770] : memref<2048xf32, #tpu.memory_space<vmem>> -> memref<128xf32, #tpu.memory_space<vmem>>
    %dma_start3A_772 = arith.constant 640 : i32
    %dma_start3A_773 = tpu.memref_slice %arg8[%dma_start3A_772] : memref<2048xi32, #tpu.memory_space<vmem>> -> memref<128xi32, #tpu.memory_space<vmem>>
    %dma_start3A_774 = arith.constant 0 : i32
    %dma_start3A_775 = tpu.memref_slice %arg2[%add3A_724, %dma_start3A_774] : memref<128x100000xf32, #tpu.memory_space<hbm>> -> memref<1x100000xf32, #tpu.memory_space<hbm>>
    %dma_start3A_776 = tpu.memref_squeeze %dma_start3A_775 : memref<1x100000xf32, #tpu.memory_space<hbm>> -> memref<100000xf32, #tpu.memory_space<hbm>>
    %dma_start3A_777 = arith.constant 0 : i32
    %dma_start3A_778 = tpu.memref_slice %dma_start3A_776[%dma_start3A_777] : memref<100000xf32, #tpu.memory_space<hbm>> -> memref<100000xf32, #tpu.memory_space<hbm>>
    tpu.enqueue_indirect_dma source(%dma_start3A_778 : memref<100000xf32, #tpu.memory_space<hbm>>) target(%dma_start3A_771 : memref<128xf32, #tpu.memory_space<vmem>>) offsets(%dma_start3A_773 : memref<128xi32, #tpu.memory_space<vmem>>) semaphore(%arg10 : memref<!tpu.dma_semaphore, #tpu.memory_space<semaphore_mem>>)
    %dma_start3A_779 = arith.constant 768 : i32
    %dma_start3A_780 = tpu.memref_slice %arg6[%dma_start3A_779] : memref<2048xf32, #tpu.memory_space<vmem>> -> memref<128xf32, #tpu.memory_space<vmem>>
    %dma_start3A_781 = arith.constant 768 : i32
    %dma_start3A_782 = tpu.memref_slice %arg8[%dma_start3A_781] : memref<2048xi32, #tpu.memory_space<vmem>> -> memref<128xi32, #tpu.memory_space<vmem>>
    %dma_start3A_783 = arith.constant 0 : i32
    %dma_start3A_784 = tpu.memref_slice %arg2[%add3A_724, %dma_start3A_783] : memref<128x100000xf32, #tpu.memory_space<hbm>> -> memref<1x100000xf32, #tpu.memory_space<hbm>>
    %dma_start3A_785 = tpu.memref_squeeze %dma_start3A_784 : memref<1x100000xf32, #tpu.memory_space<hbm>> -> memref<100000xf32, #tpu.memory_space<hbm>>
    %dma_start3A_786 = arith.constant 0 : i32
    %dma_start3A_787 = tpu.memref_slice %dma_start3A_785[%dma_start3A_786] : memref<100000xf32, #tpu.memory_space<hbm>> -> memref<100000xf32, #tpu.memory_space<hbm>>
    tpu.enqueue_indirect_dma source(%dma_start3A_787 : memref<100000xf32, #tpu.memory_space<hbm>>) target(%dma_start3A_780 : memref<128xf32, #tpu.memory_space<vmem>>) offsets(%dma_start3A_782 : memref<128xi32, #tpu.memory_space<vmem>>) semaphore(%arg10 : memref<!tpu.dma_semaphore, #tpu.memory_space<semaphore_mem>>)
    %dma_start3A_788 = arith.constant 896 : i32
    %dma_start3A_789 = tpu.memref_slice %arg6[%dma_start3A_788] : memref<2048xf32, #tpu.memory_space<vmem>> -> memref<128xf32, #tpu.memory_space<vmem>>
    %dma_start3A_790 = arith.constant 896 : i32
    %dma_start3A_791 = tpu.memref_slice %arg8[%dma_start3A_790] : memref<2048xi32, #tpu.memory_space<vmem>> -> memref<128xi32, #tpu.memory_space<vmem>>
    %dma_start3A_792 = arith.constant 0 : i32
    %dma_start3A_793 = tpu.memref_slice %arg2[%add3A_724, %dma_start3A_792] : memref<128x100000xf32, #tpu.memory_space<hbm>> -> memref<1x100000xf32, #tpu.memory_space<hbm>>
    %dma_start3A_794 = tpu.memref_squeeze %dma_start3A_793 : memref<1x100000xf32, #tpu.memory_space<hbm>> -> memref<100000xf32, #tpu.memory_space<hbm>>
    %dma_start3A_795 = arith.constant 0 : i32
    %dma_start3A_796 = tpu.memref_slice %dma_start3A_794[%dma_start3A_795] : memref<100000xf32, #tpu.memory_space<hbm>> -> memref<100000xf32, #tpu.memory_space<hbm>>
    tpu.enqueue_indirect_dma source(%dma_start3A_796 : memref<100000xf32, #tpu.memory_space<hbm>>) target(%dma_start3A_789 : memref<128xf32, #tpu.memory_space<vmem>>) offsets(%dma_start3A_791 : memref<128xi32, #tpu.memory_space<vmem>>) semaphore(%arg10 : memref<!tpu.dma_semaphore, #tpu.memory_space<semaphore_mem>>)
    %dma_start3A_797 = arith.constant 1024 : i32
    %dma_start3A_798 = tpu.memref_slice %arg6[%dma_start3A_797] : memref<2048xf32, #tpu.memory_space<vmem>> -> memref<128xf32, #tpu.memory_space<vmem>>
    %dma_start3A_799 = arith.constant 1024 : i32
    %dma_start3A_800 = tpu.memref_slice %arg8[%dma_start3A_799] : memref<2048xi32, #tpu.memory_space<vmem>> -> memref<128xi32, #tpu.memory_space<vmem>>
    %dma_start3A_801 = arith.constant 0 : i32
    %dma_start3A_802 = tpu.memref_slice %arg2[%add3A_724, %dma_start3A_801] : memref<128x100000xf32, #tpu.memory_space<hbm>> -> memref<1x100000xf32, #tpu.memory_space<hbm>>
    %dma_start3A_803 = tpu.memref_squeeze %dma_start3A_802 : memref<1x100000xf32, #tpu.memory_space<hbm>> -> memref<100000xf32, #tpu.memory_space<hbm>>
    %dma_start3A_804 = arith.constant 0 : i32
    %dma_start3A_805 = tpu.memref_slice %dma_start3A_803[%dma_start3A_804] : memref<100000xf32, #tpu.memory_space<hbm>> -> memref<100000xf32, #tpu.memory_space<hbm>>
    tpu.enqueue_indirect_dma source(%dma_start3A_805 : memref<100000xf32, #tpu.memory_space<hbm>>) target(%dma_start3A_798 : memref<128xf32, #tpu.memory_space<vmem>>) offsets(%dma_start3A_800 : memref<128xi32, #tpu.memory_space<vmem>>) semaphore(%arg10 : memref<!tpu.dma_semaphore, #tpu.memory_space<semaphore_mem>>)
    %dma_start3A_806 = arith.constant 1152 : i32
    %dma_start3A_807 = tpu.memref_slice %arg6[%dma_start3A_806] : memref<2048xf32, #tpu.memory_space<vmem>> -> memref<128xf32, #tpu.memory_space<vmem>>
    %dma_start3A_808 = arith.constant 1152 : i32
    %dma_start3A_809 = tpu.memref_slice %arg8[%dma_start3A_808] : memref<2048xi32, #tpu.memory_space<vmem>> -> memref<128xi32, #tpu.memory_space<vmem>>
    %dma_start3A_810 = arith.constant 0 : i32
    %dma_start3A_811 = tpu.memref_slice %arg2[%add3A_724, %dma_start3A_810] : memref<128x100000xf32, #tpu.memory_space<hbm>> -> memref<1x100000xf32, #tpu.memory_space<hbm>>
    %dma_start3A_812 = tpu.memref_squeeze %dma_start3A_811 : memref<1x100000xf32, #tpu.memory_space<hbm>> -> memref<100000xf32, #tpu.memory_space<hbm>>
    %dma_start3A_813 = arith.constant 0 : i32
    %dma_start3A_814 = tpu.memref_slice %dma_start3A_812[%dma_start3A_813] : memref<100000xf32, #tpu.memory_space<hbm>> -> memref<100000xf32, #tpu.memory_space<hbm>>
    tpu.enqueue_indirect_dma source(%dma_start3A_814 : memref<100000xf32, #tpu.memory_space<hbm>>) target(%dma_start3A_807 : memref<128xf32, #tpu.memory_space<vmem>>) offsets(%dma_start3A_809 : memref<128xi32, #tpu.memory_space<vmem>>) semaphore(%arg10 : memref<!tpu.dma_semaphore, #tpu.memory_space<semaphore_mem>>)
    %dma_start3A_815 = arith.constant 1280 : i32
    %dma_start3A_816 = tpu.memref_slice %arg6[%dma_start3A_815] : memref<2048xf32, #tpu.memory_space<vmem>> -> memref<128xf32, #tpu.memory_space<vmem>>
    %dma_start3A_817 = arith.constant 1280 : i32
    %dma_start3A_818 = tpu.memref_slice %arg8[%dma_start3A_817] : memref<2048xi32, #tpu.memory_space<vmem>> -> memref<128xi32, #tpu.memory_space<vmem>>
    %dma_start3A_819 = arith.constant 0 : i32
    %dma_start3A_820 = tpu.memref_slice %arg2[%add3A_724, %dma_start3A_819] : memref<128x100000xf32, #tpu.memory_space<hbm>> -> memref<1x100000xf32, #tpu.memory_space<hbm>>
    %dma_start3A_821 = tpu.memref_squeeze %dma_start3A_820 : memref<1x100000xf32, #tpu.memory_space<hbm>> -> memref<100000xf32, #tpu.memory_space<hbm>>
    %dma_start3A_822 = arith.constant 0 : i32
    %dma_start3A_823 = tpu.memref_slice %dma_start3A_821[%dma_start3A_822] : memref<100000xf32, #tpu.memory_space<hbm>> -> memref<100000xf32, #tpu.memory_space<hbm>>
    tpu.enqueue_indirect_dma source(%dma_start3A_823 : memref<100000xf32, #tpu.memory_space<hbm>>) target(%dma_start3A_816 : memref<128xf32, #tpu.memory_space<vmem>>) offsets(%dma_start3A_818 : memref<128xi32, #tpu.memory_space<vmem>>) semaphore(%arg10 : memref<!tpu.dma_semaphore, #tpu.memory_space<semaphore_mem>>)
    %dma_start3A_824 = arith.constant 1408 : i32
    %dma_start3A_825 = tpu.memref_slice %arg6[%dma_start3A_824] : memref<2048xf32, #tpu.memory_space<vmem>> -> memref<128xf32, #tpu.memory_space<vmem>>
    %dma_start3A_826 = arith.constant 1408 : i32
    %dma_start3A_827 = tpu.memref_slice %arg8[%dma_start3A_826] : memref<2048xi32, #tpu.memory_space<vmem>> -> memref<128xi32, #tpu.memory_space<vmem>>
    %dma_start3A_828 = arith.constant 0 : i32
    %dma_start3A_829 = tpu.memref_slice %arg2[%add3A_724, %dma_start3A_828] : memref<128x100000xf32, #tpu.memory_space<hbm>> -> memref<1x100000xf32, #tpu.memory_space<hbm>>
    %dma_start3A_830 = tpu.memref_squeeze %dma_start3A_829 : memref<1x100000xf32, #tpu.memory_space<hbm>> -> memref<100000xf32, #tpu.memory_space<hbm>>
    %dma_start3A_831 = arith.constant 0 : i32
    %dma_start3A_832 = tpu.memref_slice %dma_start3A_830[%dma_start3A_831] : memref<100000xf32, #tpu.memory_space<hbm>> -> memref<100000xf32, #tpu.memory_space<hbm>>
    tpu.enqueue_indirect_dma source(%dma_start3A_832 : memref<100000xf32, #tpu.memory_space<hbm>>) target(%dma_start3A_825 : memref<128xf32, #tpu.memory_space<vmem>>) offsets(%dma_start3A_827 : memref<128xi32, #tpu.memory_space<vmem>>) semaphore(%arg10 : memref<!tpu.dma_semaphore, #tpu.memory_space<semaphore_mem>>)
    %dma_start3A_833 = arith.constant 1536 : i32
    %dma_start3A_834 = tpu.memref_slice %arg6[%dma_start3A_833] : memref<2048xf32, #tpu.memory_space<vmem>> -> memref<128xf32, #tpu.memory_space<vmem>>
    %dma_start3A_835 = arith.constant 1536 : i32
    %dma_start3A_836 = tpu.memref_slice %arg8[%dma_start3A_835] : memref<2048xi32, #tpu.memory_space<vmem>> -> memref<128xi32, #tpu.memory_space<vmem>>
    %dma_start3A_837 = arith.constant 0 : i32
    %dma_start3A_838 = tpu.memref_slice %arg2[%add3A_724, %dma_start3A_837] : memref<128x100000xf32, #tpu.memory_space<hbm>> -> memref<1x100000xf32, #tpu.memory_space<hbm>>
    %dma_start3A_839 = tpu.memref_squeeze %dma_start3A_838 : memref<1x100000xf32, #tpu.memory_space<hbm>> -> memref<100000xf32, #tpu.memory_space<hbm>>
    %dma_start3A_840 = arith.constant 0 : i32
    %dma_start3A_841 = tpu.memref_slice %dma_start3A_839[%dma_start3A_840] : memref<100000xf32, #tpu.memory_space<hbm>> -> memref<100000xf32, #tpu.memory_space<hbm>>
    tpu.enqueue_indirect_dma source(%dma_start3A_841 : memref<100000xf32, #tpu.memory_space<hbm>>) target(%dma_start3A_834 : memref<128xf32, #tpu.memory_space<vmem>>) offsets(%dma_start3A_836 : memref<128xi32, #tpu.memory_space<vmem>>) semaphore(%arg10 : memref<!tpu.dma_semaphore, #tpu.memory_space<semaphore_mem>>)
    %dma_start3A_842 = arith.constant 1664 : i32
    %dma_start3A_843 = tpu.memref_slice %arg6[%dma_start3A_842] : memref<2048xf32, #tpu.memory_space<vmem>> -> memref<128xf32, #tpu.memory_space<vmem>>
    %dma_start3A_844 = arith.constant 1664 : i32
    %dma_start3A_845 = tpu.memref_slice %arg8[%dma_start3A_844] : memref<2048xi32, #tpu.memory_space<vmem>> -> memref<128xi32, #tpu.memory_space<vmem>>
    %dma_start3A_846 = arith.constant 0 : i32
    %dma_start3A_847 = tpu.memref_slice %arg2[%add3A_724, %dma_start3A_846] : memref<128x100000xf32, #tpu.memory_space<hbm>> -> memref<1x100000xf32, #tpu.memory_space<hbm>>
    %dma_start3A_848 = tpu.memref_squeeze %dma_start3A_847 : memref<1x100000xf32, #tpu.memory_space<hbm>> -> memref<100000xf32, #tpu.memory_space<hbm>>
    %dma_start3A_849 = arith.constant 0 : i32
    %dma_start3A_850 = tpu.memref_slice %dma_start3A_848[%dma_start3A_849] : memref<100000xf32, #tpu.memory_space<hbm>> -> memref<100000xf32, #tpu.memory_space<hbm>>
    tpu.enqueue_indirect_dma source(%dma_start3A_850 : memref<100000xf32, #tpu.memory_space<hbm>>) target(%dma_start3A_843 : memref<128xf32, #tpu.memory_space<vmem>>) offsets(%dma_start3A_845 : memref<128xi32, #tpu.memory_space<vmem>>) semaphore(%arg10 : memref<!tpu.dma_semaphore, #tpu.memory_space<semaphore_mem>>)
    %dma_start3A_851 = arith.constant 1792 : i32
    %dma_start3A_852 = tpu.memref_slice %arg6[%dma_start3A_851] : memref<2048xf32, #tpu.memory_space<vmem>> -> memref<128xf32, #tpu.memory_space<vmem>>
    %dma_start3A_853 = arith.constant 1792 : i32
    %dma_start3A_854 = tpu.memref_slice %arg8[%dma_start3A_853] : memref<2048xi32, #tpu.memory_space<vmem>> -> memref<128xi32, #tpu.memory_space<vmem>>
    %dma_start3A_855 = arith.constant 0 : i32
    %dma_start3A_856 = tpu.memref_slice %arg2[%add3A_724, %dma_start3A_855] : memref<128x100000xf32, #tpu.memory_space<hbm>> -> memref<1x100000xf32, #tpu.memory_space<hbm>>
    %dma_start3A_857 = tpu.memref_squeeze %dma_start3A_856 : memref<1x100000xf32, #tpu.memory_space<hbm>> -> memref<100000xf32, #tpu.memory_space<hbm>>
    %dma_start3A_858 = arith.constant 0 : i32
    %dma_start3A_859 = tpu.memref_slice %dma_start3A_857[%dma_start3A_858] : memref<100000xf32, #tpu.memory_space<hbm>> -> memref<100000xf32, #tpu.memory_space<hbm>>
    tpu.enqueue_indirect_dma source(%dma_start3A_859 : memref<100000xf32, #tpu.memory_space<hbm>>) target(%dma_start3A_852 : memref<128xf32, #tpu.memory_space<vmem>>) offsets(%dma_start3A_854 : memref<128xi32, #tpu.memory_space<vmem>>) semaphore(%arg10 : memref<!tpu.dma_semaphore, #tpu.memory_space<semaphore_mem>>)
    %dma_start3A_860 = arith.constant 1920 : i32
    %dma_start3A_861 = tpu.memref_slice %arg6[%dma_start3A_860] : memref<2048xf32, #tpu.memory_space<vmem>> -> memref<128xf32, #tpu.memory_space<vmem>>
    %dma_start3A_862 = arith.constant 1920 : i32
    %dma_start3A_863 = tpu.memref_slice %arg8[%dma_start3A_862] : memref<2048xi32, #tpu.memory_space<vmem>> -> memref<128xi32, #tpu.memory_space<vmem>>
    %dma_start3A_864 = arith.constant 0 : i32
    %dma_start3A_865 = tpu.memref_slice %arg2[%add3A_724, %dma_start3A_864] : memref<128x100000xf32, #tpu.memory_space<hbm>> -> memref<1x100000xf32, #tpu.memory_space<hbm>>
    %dma_start3A_866 = tpu.memref_squeeze %dma_start3A_865 : memref<1x100000xf32, #tpu.memory_space<hbm>> -> memref<100000xf32, #tpu.memory_space<hbm>>
    %dma_start3A_867 = arith.constant 0 : i32
    %dma_start3A_868 = tpu.memref_slice %dma_start3A_866[%dma_start3A_867] : memref<100000xf32, #tpu.memory_space<hbm>> -> memref<100000xf32, #tpu.memory_space<hbm>>
    tpu.enqueue_indirect_dma source(%dma_start3A_868 : memref<100000xf32, #tpu.memory_space<hbm>>) target(%dma_start3A_861 : memref<128xf32, #tpu.memory_space<vmem>>) offsets(%dma_start3A_863 : memref<128xi32, #tpu.memory_space<vmem>>) semaphore(%arg10 : memref<!tpu.dma_semaphore, #tpu.memory_space<semaphore_mem>>)
    %dma_wait3A_869 = arith.constant 0 : i32
    %dma_wait3A_870 = tpu.memref_slice %arg6[%dma_wait3A_869] : memref<2048xf32, #tpu.memory_space<vmem>> -> memref<128xf32, #tpu.memory_space<vmem>>
    %dma_wait3A_871 = arith.constant 0 : i32
    %dma_wait3A_872 = tpu.memref_slice %arg8[%dma_wait3A_871] : memref<2048xi32, #tpu.memory_space<vmem>> -> memref<128xi32, #tpu.memory_space<vmem>>
    %dma_wait3A_873 = arith.constant 0 : i32
    %dma_wait3A_874 = tpu.memref_slice %arg2[%add3A_724, %dma_wait3A_873] : memref<128x100000xf32, #tpu.memory_space<hbm>> -> memref<1x100000xf32, #tpu.memory_space<hbm>>
    %dma_wait3A_875 = tpu.memref_squeeze %dma_wait3A_874 : memref<1x100000xf32, #tpu.memory_space<hbm>> -> memref<100000xf32, #tpu.memory_space<hbm>>
    %dma_wait3A_876 = arith.constant 0 : i32
    %dma_wait3A_877 = tpu.memref_slice %dma_wait3A_875[%dma_wait3A_876] : memref<100000xf32, #tpu.memory_space<hbm>> -> memref<100000xf32, #tpu.memory_space<hbm>>
    tpu.wait_indirect_dma semaphore(%arg10 : memref<!tpu.dma_semaphore, #tpu.memory_space<semaphore_mem>>) src(%dma_wait3A_877 : memref<100000xf32, #tpu.memory_space<hbm>>) dst(%dma_wait3A_870 : memref<128xf32, #tpu.memory_space<vmem>>)
    %dma_wait3A_878 = arith.constant 128 : i32
    %dma_wait3A_879 = tpu.memref_slice %arg6[%dma_wait3A_878] : memref<2048xf32, #tpu.memory_space<vmem>> -> memref<128xf32, #tpu.memory_space<vmem>>
    %dma_wait3A_880 = arith.constant 128 : i32
    %dma_wait3A_881 = tpu.memref_slice %arg8[%dma_wait3A_880] : memref<2048xi32, #tpu.memory_space<vmem>> -> memref<128xi32, #tpu.memory_space<vmem>>
    %dma_wait3A_882 = arith.constant 0 : i32
    %dma_wait3A_883 = tpu.memref_slice %arg2[%add3A_724, %dma_wait3A_882] : memref<128x100000xf32, #tpu.memory_space<hbm>> -> memref<1x100000xf32, #tpu.memory_space<hbm>>
    %dma_wait3A_884 = tpu.memref_squeeze %dma_wait3A_883 : memref<1x100000xf32, #tpu.memory_space<hbm>> -> memref<100000xf32, #tpu.memory_space<hbm>>
    %dma_wait3A_885 = arith.constant 0 : i32
    %dma_wait3A_886 = tpu.memref_slice %dma_wait3A_884[%dma_wait3A_885] : memref<100000xf32, #tpu.memory_space<hbm>> -> memref<100000xf32, #tpu.memory_space<hbm>>
    tpu.wait_indirect_dma semaphore(%arg10 : memref<!tpu.dma_semaphore, #tpu.memory_space<semaphore_mem>>) src(%dma_wait3A_886 : memref<100000xf32, #tpu.memory_space<hbm>>) dst(%dma_wait3A_879 : memref<128xf32, #tpu.memory_space<vmem>>)
    %dma_wait3A_887 = arith.constant 256 : i32
    %dma_wait3A_888 = tpu.memref_slice %arg6[%dma_wait3A_887] : memref<2048xf32, #tpu.memory_space<vmem>> -> memref<128xf32, #tpu.memory_space<vmem>>
    %dma_wait3A_889 = arith.constant 256 : i32
    %dma_wait3A_890 = tpu.memref_slice %arg8[%dma_wait3A_889] : memref<2048xi32, #tpu.memory_space<vmem>> -> memref<128xi32, #tpu.memory_space<vmem>>
    %dma_wait3A_891 = arith.constant 0 : i32
    %dma_wait3A_892 = tpu.memref_slice %arg2[%add3A_724, %dma_wait3A_891] : memref<128x100000xf32, #tpu.memory_space<hbm>> -> memref<1x100000xf32, #tpu.memory_space<hbm>>
    %dma_wait3A_893 = tpu.memref_squeeze %dma_wait3A_892 : memref<1x100000xf32, #tpu.memory_space<hbm>> -> memref<100000xf32, #tpu.memory_space<hbm>>
    %dma_wait3A_894 = arith.constant 0 : i32
    %dma_wait3A_895 = tpu.memref_slice %dma_wait3A_893[%dma_wait3A_894] : memref<100000xf32, #tpu.memory_space<hbm>> -> memref<100000xf32, #tpu.memory_space<hbm>>
    tpu.wait_indirect_dma semaphore(%arg10 : memref<!tpu.dma_semaphore, #tpu.memory_space<semaphore_mem>>) src(%dma_wait3A_895 : memref<100000xf32, #tpu.memory_space<hbm>>) dst(%dma_wait3A_888 : memref<128xf32, #tpu.memory_space<vmem>>)
    %dma_wait3A_896 = arith.constant 384 : i32
    %dma_wait3A_897 = tpu.memref_slice %arg6[%dma_wait3A_896] : memref<2048xf32, #tpu.memory_space<vmem>> -> memref<128xf32, #tpu.memory_space<vmem>>
    %dma_wait3A_898 = arith.constant 384 : i32
    %dma_wait3A_899 = tpu.memref_slice %arg8[%dma_wait3A_898] : memref<2048xi32, #tpu.memory_space<vmem>> -> memref<128xi32, #tpu.memory_space<vmem>>
    %dma_wait3A_900 = arith.constant 0 : i32
    %dma_wait3A_901 = tpu.memref_slice %arg2[%add3A_724, %dma_wait3A_900] : memref<128x100000xf32, #tpu.memory_space<hbm>> -> memref<1x100000xf32, #tpu.memory_space<hbm>>
    %dma_wait3A_902 = tpu.memref_squeeze %dma_wait3A_901 : memref<1x100000xf32, #tpu.memory_space<hbm>> -> memref<100000xf32, #tpu.memory_space<hbm>>
    %dma_wait3A_903 = arith.constant 0 : i32
    %dma_wait3A_904 = tpu.memref_slice %dma_wait3A_902[%dma_wait3A_903] : memref<100000xf32, #tpu.memory_space<hbm>> -> memref<100000xf32, #tpu.memory_space<hbm>>
    tpu.wait_indirect_dma semaphore(%arg10 : memref<!tpu.dma_semaphore, #tpu.memory_space<semaphore_mem>>) src(%dma_wait3A_904 : memref<100000xf32, #tpu.memory_space<hbm>>) dst(%dma_wait3A_897 : memref<128xf32, #tpu.memory_space<vmem>>)
    %dma_wait3A_905 = arith.constant 512 : i32
    %dma_wait3A_906 = tpu.memref_slice %arg6[%dma_wait3A_905] : memref<2048xf32, #tpu.memory_space<vmem>> -> memref<128xf32, #tpu.memory_space<vmem>>
    %dma_wait3A_907 = arith.constant 512 : i32
    %dma_wait3A_908 = tpu.memref_slice %arg8[%dma_wait3A_907] : memref<2048xi32, #tpu.memory_space<vmem>> -> memref<128xi32, #tpu.memory_space<vmem>>
    %dma_wait3A_909 = arith.constant 0 : i32
    %dma_wait3A_910 = tpu.memref_slice %arg2[%add3A_724, %dma_wait3A_909] : memref<128x100000xf32, #tpu.memory_space<hbm>> -> memref<1x100000xf32, #tpu.memory_space<hbm>>
    %dma_wait3A_911 = tpu.memref_squeeze %dma_wait3A_910 : memref<1x100000xf32, #tpu.memory_space<hbm>> -> memref<100000xf32, #tpu.memory_space<hbm>>
    %dma_wait3A_912 = arith.constant 0 : i32
    %dma_wait3A_913 = tpu.memref_slice %dma_wait3A_911[%dma_wait3A_912] : memref<100000xf32, #tpu.memory_space<hbm>> -> memref<100000xf32, #tpu.memory_space<hbm>>
    tpu.wait_indirect_dma semaphore(%arg10 : memref<!tpu.dma_semaphore, #tpu.memory_space<semaphore_mem>>) src(%dma_wait3A_913 : memref<100000xf32, #tpu.memory_space<hbm>>) dst(%dma_wait3A_906 : memref<128xf32, #tpu.memory_space<vmem>>)
    %dma_wait3A_914 = arith.constant 640 : i32
    %dma_wait3A_915 = tpu.memref_slice %arg6[%dma_wait3A_914] : memref<2048xf32, #tpu.memory_space<vmem>> -> memref<128xf32, #tpu.memory_space<vmem>>
    %dma_wait3A_916 = arith.constant 640 : i32
    %dma_wait3A_917 = tpu.memref_slice %arg8[%dma_wait3A_916] : memref<2048xi32, #tpu.memory_space<vmem>> -> memref<128xi32, #tpu.memory_space<vmem>>
    %dma_wait3A_918 = arith.constant 0 : i32
    %dma_wait3A_919 = tpu.memref_slice %arg2[%add3A_724, %dma_wait3A_918] : memref<128x100000xf32, #tpu.memory_space<hbm>> -> memref<1x100000xf32, #tpu.memory_space<hbm>>
    %dma_wait3A_920 = tpu.memref_squeeze %dma_wait3A_919 : memref<1x100000xf32, #tpu.memory_space<hbm>> -> memref<100000xf32, #tpu.memory_space<hbm>>
    %dma_wait3A_921 = arith.constant 0 : i32
    %dma_wait3A_922 = tpu.memref_slice %dma_wait3A_920[%dma_wait3A_921] : memref<100000xf32, #tpu.memory_space<hbm>> -> memref<100000xf32, #tpu.memory_space<hbm>>
    tpu.wait_indirect_dma semaphore(%arg10 : memref<!tpu.dma_semaphore, #tpu.memory_space<semaphore_mem>>) src(%dma_wait3A_922 : memref<100000xf32, #tpu.memory_space<hbm>>) dst(%dma_wait3A_915 : memref<128xf32, #tpu.memory_space<vmem>>)
    %dma_wait3A_923 = arith.constant 768 : i32
    %dma_wait3A_924 = tpu.memref_slice %arg6[%dma_wait3A_923] : memref<2048xf32, #tpu.memory_space<vmem>> -> memref<128xf32, #tpu.memory_space<vmem>>
    %dma_wait3A_925 = arith.constant 768 : i32
    %dma_wait3A_926 = tpu.memref_slice %arg8[%dma_wait3A_925] : memref<2048xi32, #tpu.memory_space<vmem>> -> memref<128xi32, #tpu.memory_space<vmem>>
    %dma_wait3A_927 = arith.constant 0 : i32
    %dma_wait3A_928 = tpu.memref_slice %arg2[%add3A_724, %dma_wait3A_927] : memref<128x100000xf32, #tpu.memory_space<hbm>> -> memref<1x100000xf32, #tpu.memory_space<hbm>>
    %dma_wait3A_929 = tpu.memref_squeeze %dma_wait3A_928 : memref<1x100000xf32, #tpu.memory_space<hbm>> -> memref<100000xf32, #tpu.memory_space<hbm>>
    %dma_wait3A_930 = arith.constant 0 : i32
    %dma_wait3A_931 = tpu.memref_slice %dma_wait3A_929[%dma_wait3A_930] : memref<100000xf32, #tpu.memory_space<hbm>> -> memref<100000xf32, #tpu.memory_space<hbm>>
    tpu.wait_indirect_dma semaphore(%arg10 : memref<!tpu.dma_semaphore, #tpu.memory_space<semaphore_mem>>) src(%dma_wait3A_931 : memref<100000xf32, #tpu.memory_space<hbm>>) dst(%dma_wait3A_924 : memref<128xf32, #tpu.memory_space<vmem>>)
    %dma_wait3A_932 = arith.constant 896 : i32
    %dma_wait3A_933 = tpu.memref_slice %arg6[%dma_wait3A_932] : memref<2048xf32, #tpu.memory_space<vmem>> -> memref<128xf32, #tpu.memory_space<vmem>>
    %dma_wait3A_934 = arith.constant 896 : i32
    %dma_wait3A_935 = tpu.memref_slice %arg8[%dma_wait3A_934] : memref<2048xi32, #tpu.memory_space<vmem>> -> memref<128xi32, #tpu.memory_space<vmem>>
    %dma_wait3A_936 = arith.constant 0 : i32
    %dma_wait3A_937 = tpu.memref_slice %arg2[%add3A_724, %dma_wait3A_936] : memref<128x100000xf32, #tpu.memory_space<hbm>> -> memref<1x100000xf32, #tpu.memory_space<hbm>>
    %dma_wait3A_938 = tpu.memref_squeeze %dma_wait3A_937 : memref<1x100000xf32, #tpu.memory_space<hbm>> -> memref<100000xf32, #tpu.memory_space<hbm>>
    %dma_wait3A_939 = arith.constant 0 : i32
    %dma_wait3A_940 = tpu.memref_slice %dma_wait3A_938[%dma_wait3A_939] : memref<100000xf32, #tpu.memory_space<hbm>> -> memref<100000xf32, #tpu.memory_space<hbm>>
    tpu.wait_indirect_dma semaphore(%arg10 : memref<!tpu.dma_semaphore, #tpu.memory_space<semaphore_mem>>) src(%dma_wait3A_940 : memref<100000xf32, #tpu.memory_space<hbm>>) dst(%dma_wait3A_933 : memref<128xf32, #tpu.memory_space<vmem>>)
    %dma_wait3A_941 = arith.constant 1024 : i32
    %dma_wait3A_942 = tpu.memref_slice %arg6[%dma_wait3A_941] : memref<2048xf32, #tpu.memory_space<vmem>> -> memref<128xf32, #tpu.memory_space<vmem>>
    %dma_wait3A_943 = arith.constant 1024 : i32
    %dma_wait3A_944 = tpu.memref_slice %arg8[%dma_wait3A_943] : memref<2048xi32, #tpu.memory_space<vmem>> -> memref<128xi32, #tpu.memory_space<vmem>>
    %dma_wait3A_945 = arith.constant 0 : i32
    %dma_wait3A_946 = tpu.memref_slice %arg2[%add3A_724, %dma_wait3A_945] : memref<128x100000xf32, #tpu.memory_space<hbm>> -> memref<1x100000xf32, #tpu.memory_space<hbm>>
    %dma_wait3A_947 = tpu.memref_squeeze %dma_wait3A_946 : memref<1x100000xf32, #tpu.memory_space<hbm>> -> memref<100000xf32, #tpu.memory_space<hbm>>
    %dma_wait3A_948 = arith.constant 0 : i32
    %dma_wait3A_949 = tpu.memref_slice %dma_wait3A_947[%dma_wait3A_948] : memref<100000xf32, #tpu.memory_space<hbm>> -> memref<100000xf32, #tpu.memory_space<hbm>>
    tpu.wait_indirect_dma semaphore(%arg10 : memref<!tpu.dma_semaphore, #tpu.memory_space<semaphore_mem>>) src(%dma_wait3A_949 : memref<100000xf32, #tpu.memory_space<hbm>>) dst(%dma_wait3A_942 : memref<128xf32, #tpu.memory_space<vmem>>)
    %dma_wait3A_950 = arith.constant 1152 : i32
    %dma_wait3A_951 = tpu.memref_slice %arg6[%dma_wait3A_950] : memref<2048xf32, #tpu.memory_space<vmem>> -> memref<128xf32, #tpu.memory_space<vmem>>
    %dma_wait3A_952 = arith.constant 1152 : i32
    %dma_wait3A_953 = tpu.memref_slice %arg8[%dma_wait3A_952] : memref<2048xi32, #tpu.memory_space<vmem>> -> memref<128xi32, #tpu.memory_space<vmem>>
    %dma_wait3A_954 = arith.constant 0 : i32
    %dma_wait3A_955 = tpu.memref_slice %arg2[%add3A_724, %dma_wait3A_954] : memref<128x100000xf32, #tpu.memory_space<hbm>> -> memref<1x100000xf32, #tpu.memory_space<hbm>>
    %dma_wait3A_956 = tpu.memref_squeeze %dma_wait3A_955 : memref<1x100000xf32, #tpu.memory_space<hbm>> -> memref<100000xf32, #tpu.memory_space<hbm>>
    %dma_wait3A_957 = arith.constant 0 : i32
    %dma_wait3A_958 = tpu.memref_slice %dma_wait3A_956[%dma_wait3A_957] : memref<100000xf32, #tpu.memory_space<hbm>> -> memref<100000xf32, #tpu.memory_space<hbm>>
    tpu.wait_indirect_dma semaphore(%arg10 : memref<!tpu.dma_semaphore, #tpu.memory_space<semaphore_mem>>) src(%dma_wait3A_958 : memref<100000xf32, #tpu.memory_space<hbm>>) dst(%dma_wait3A_951 : memref<128xf32, #tpu.memory_space<vmem>>)
    %dma_wait3A_959 = arith.constant 1280 : i32
    %dma_wait3A_960 = tpu.memref_slice %arg6[%dma_wait3A_959] : memref<2048xf32, #tpu.memory_space<vmem>> -> memref<128xf32, #tpu.memory_space<vmem>>
    %dma_wait3A_961 = arith.constant 1280 : i32
    %dma_wait3A_962 = tpu.memref_slice %arg8[%dma_wait3A_961] : memref<2048xi32, #tpu.memory_space<vmem>> -> memref<128xi32, #tpu.memory_space<vmem>>
    %dma_wait3A_963 = arith.constant 0 : i32
    %dma_wait3A_964 = tpu.memref_slice %arg2[%add3A_724, %dma_wait3A_963] : memref<128x100000xf32, #tpu.memory_space<hbm>> -> memref<1x100000xf32, #tpu.memory_space<hbm>>
    %dma_wait3A_965 = tpu.memref_squeeze %dma_wait3A_964 : memref<1x100000xf32, #tpu.memory_space<hbm>> -> memref<100000xf32, #tpu.memory_space<hbm>>
    %dma_wait3A_966 = arith.constant 0 : i32
    %dma_wait3A_967 = tpu.memref_slice %dma_wait3A_965[%dma_wait3A_966] : memref<100000xf32, #tpu.memory_space<hbm>> -> memref<100000xf32, #tpu.memory_space<hbm>>
    tpu.wait_indirect_dma semaphore(%arg10 : memref<!tpu.dma_semaphore, #tpu.memory_space<semaphore_mem>>) src(%dma_wait3A_967 : memref<100000xf32, #tpu.memory_space<hbm>>) dst(%dma_wait3A_960 : memref<128xf32, #tpu.memory_space<vmem>>)
    %dma_wait3A_968 = arith.constant 1408 : i32
    %dma_wait3A_969 = tpu.memref_slice %arg6[%dma_wait3A_968] : memref<2048xf32, #tpu.memory_space<vmem>> -> memref<128xf32, #tpu.memory_space<vmem>>
    %dma_wait3A_970 = arith.constant 1408 : i32
    %dma_wait3A_971 = tpu.memref_slice %arg8[%dma_wait3A_970] : memref<2048xi32, #tpu.memory_space<vmem>> -> memref<128xi32, #tpu.memory_space<vmem>>
    %dma_wait3A_972 = arith.constant 0 : i32
    %dma_wait3A_973 = tpu.memref_slice %arg2[%add3A_724, %dma_wait3A_972] : memref<128x100000xf32, #tpu.memory_space<hbm>> -> memref<1x100000xf32, #tpu.memory_space<hbm>>
    %dma_wait3A_974 = tpu.memref_squeeze %dma_wait3A_973 : memref<1x100000xf32, #tpu.memory_space<hbm>> -> memref<100000xf32, #tpu.memory_space<hbm>>
    %dma_wait3A_975 = arith.constant 0 : i32
    %dma_wait3A_976 = tpu.memref_slice %dma_wait3A_974[%dma_wait3A_975] : memref<100000xf32, #tpu.memory_space<hbm>> -> memref<100000xf32, #tpu.memory_space<hbm>>
    tpu.wait_indirect_dma semaphore(%arg10 : memref<!tpu.dma_semaphore, #tpu.memory_space<semaphore_mem>>) src(%dma_wait3A_976 : memref<100000xf32, #tpu.memory_space<hbm>>) dst(%dma_wait3A_969 : memref<128xf32, #tpu.memory_space<vmem>>)
    %dma_wait3A_977 = arith.constant 1536 : i32
    %dma_wait3A_978 = tpu.memref_slice %arg6[%dma_wait3A_977] : memref<2048xf32, #tpu.memory_space<vmem>> -> memref<128xf32, #tpu.memory_space<vmem>>
    %dma_wait3A_979 = arith.constant 1536 : i32
    %dma_wait3A_980 = tpu.memref_slice %arg8[%dma_wait3A_979] : memref<2048xi32, #tpu.memory_space<vmem>> -> memref<128xi32, #tpu.memory_space<vmem>>
    %dma_wait3A_981 = arith.constant 0 : i32
    %dma_wait3A_982 = tpu.memref_slice %arg2[%add3A_724, %dma_wait3A_981] : memref<128x100000xf32, #tpu.memory_space<hbm>> -> memref<1x100000xf32, #tpu.memory_space<hbm>>
    %dma_wait3A_983 = tpu.memref_squeeze %dma_wait3A_982 : memref<1x100000xf32, #tpu.memory_space<hbm>> -> memref<100000xf32, #tpu.memory_space<hbm>>
    %dma_wait3A_984 = arith.constant 0 : i32
    %dma_wait3A_985 = tpu.memref_slice %dma_wait3A_983[%dma_wait3A_984] : memref<100000xf32, #tpu.memory_space<hbm>> -> memref<100000xf32, #tpu.memory_space<hbm>>
    tpu.wait_indirect_dma semaphore(%arg10 : memref<!tpu.dma_semaphore, #tpu.memory_space<semaphore_mem>>) src(%dma_wait3A_985 : memref<100000xf32, #tpu.memory_space<hbm>>) dst(%dma_wait3A_978 : memref<128xf32, #tpu.memory_space<vmem>>)
    %dma_wait3A_986 = arith.constant 1664 : i32
    %dma_wait3A_987 = tpu.memref_slice %arg6[%dma_wait3A_986] : memref<2048xf32, #tpu.memory_space<vmem>> -> memref<128xf32, #tpu.memory_space<vmem>>
    %dma_wait3A_988 = arith.constant 1664 : i32
    %dma_wait3A_989 = tpu.memref_slice %arg8[%dma_wait3A_988] : memref<2048xi32, #tpu.memory_space<vmem>> -> memref<128xi32, #tpu.memory_space<vmem>>
    %dma_wait3A_990 = arith.constant 0 : i32
    %dma_wait3A_991 = tpu.memref_slice %arg2[%add3A_724, %dma_wait3A_990] : memref<128x100000xf32, #tpu.memory_space<hbm>> -> memref<1x100000xf32, #tpu.memory_space<hbm>>
    %dma_wait3A_992 = tpu.memref_squeeze %dma_wait3A_991 : memref<1x100000xf32, #tpu.memory_space<hbm>> -> memref<100000xf32, #tpu.memory_space<hbm>>
    %dma_wait3A_993 = arith.constant 0 : i32
    %dma_wait3A_994 = tpu.memref_slice %dma_wait3A_992[%dma_wait3A_993] : memref<100000xf32, #tpu.memory_space<hbm>> -> memref<100000xf32, #tpu.memory_space<hbm>>
    tpu.wait_indirect_dma semaphore(%arg10 : memref<!tpu.dma_semaphore, #tpu.memory_space<semaphore_mem>>) src(%dma_wait3A_994 : memref<100000xf32, #tpu.memory_space<hbm>>) dst(%dma_wait3A_987 : memref<128xf32, #tpu.memory_space<vmem>>)
    %dma_wait3A_995 = arith.constant 1792 : i32
    %dma_wait3A_996 = tpu.memref_slice %arg6[%dma_wait3A_995] : memref<2048xf32, #tpu.memory_space<vmem>> -> memref<128xf32, #tpu.memory_space<vmem>>
    %dma_wait3A_997 = arith.constant 1792 : i32
    %dma_wait3A_998 = tpu.memref_slice %arg8[%dma_wait3A_997] : memref<2048xi32, #tpu.memory_space<vmem>> -> memref<128xi32, #tpu.memory_space<vmem>>
    %dma_wait3A_999 = arith.constant 0 : i32
    %dma_wait3A_1000 = tpu.memref_slice %arg2[%add3A_724, %dma_wait3A_999] : memref<128x100000xf32, #tpu.memory_space<hbm>> -> memref<1x100000xf32, #tpu.memory_space<hbm>>
    %dma_wait3A_1001 = tpu.memref_squeeze %dma_wait3A_1000 : memref<1x100000xf32, #tpu.memory_space<hbm>> -> memref<100000xf32, #tpu.memory_space<hbm>>
    %dma_wait3A_1002 = arith.constant 0 : i32
    %dma_wait3A_1003 = tpu.memref_slice %dma_wait3A_1001[%dma_wait3A_1002] : memref<100000xf32, #tpu.memory_space<hbm>> -> memref<100000xf32, #tpu.memory_space<hbm>>
    tpu.wait_indirect_dma semaphore(%arg10 : memref<!tpu.dma_semaphore, #tpu.memory_space<semaphore_mem>>) src(%dma_wait3A_1003 : memref<100000xf32, #tpu.memory_space<hbm>>) dst(%dma_wait3A_996 : memref<128xf32, #tpu.memory_space<vmem>>)
    %dma_wait3A_1004 = arith.constant 1920 : i32
    %dma_wait3A_1005 = tpu.memref_slice %arg6[%dma_wait3A_1004] : memref<2048xf32, #tpu.memory_space<vmem>> -> memref<128xf32, #tpu.memory_space<vmem>>
    %dma_wait3A_1006 = arith.constant 1920 : i32
    %dma_wait3A_1007 = tpu.memref_slice %arg8[%dma_wait3A_1006] : memref<2048xi32, #tpu.memory_space<vmem>> -> memref<128xi32, #tpu.memory_space<vmem>>
    %dma_wait3A_1008 = arith.constant 0 : i32
    %dma_wait3A_1009 = tpu.memref_slice %arg2[%add3A_724, %dma_wait3A_1008] : memref<128x100000xf32, #tpu.memory_space<hbm>> -> memref<1x100000xf32, #tpu.memory_space<hbm>>
    %dma_wait3A_1010 = tpu.memref_squeeze %dma_wait3A_1009 : memref<1x100000xf32, #tpu.memory_space<hbm>> -> memref<100000xf32, #tpu.memory_space<hbm>>
    %dma_wait3A_1011 = arith.constant 0 : i32
    %dma_wait3A_1012 = tpu.memref_slice %dma_wait3A_1010[%dma_wait3A_1011] : memref<100000xf32, #tpu.memory_space<hbm>> -> memref<100000xf32, #tpu.memory_space<hbm>>
    tpu.wait_indirect_dma semaphore(%arg10 : memref<!tpu.dma_semaphore, #tpu.memory_space<semaphore_mem>>) src(%dma_wait3A_1012 : memref<100000xf32, #tpu.memory_space<hbm>>) dst(%dma_wait3A_1005 : memref<128xf32, #tpu.memory_space<vmem>>)
    %scan3A_1013 = arith.constant 0 : i32
    %scan3A_1014 = arith.constant 128 : i32
    %scan3A_1015 = arith.addi %scan3A_1013, %scan3A_1014 : i32
    %scan3A_1016 = arith.constant 1 : i32
    %scan3A_1017:2 = scf.for %scan3A_1454 = %scan3A_1013 to %scan3A_1015 step %scan3A_1016 iter_args(%scan3A_1455 = %broadcast_in_dim3A_3, %scan3A_1456 = %broadcast_in_dim3A_5) -> (vector<16xf32>, vector<16xi32>)  : i32 {
      %mul3A_1457 = arith.constant 16 : i32
      %mul3A_1458 = arith.muli %scan3A_1454, %mul3A_1457 : i32
      %get3A = arith.index_cast %mul3A_1458 : i32 to index
      %get3A_1459 = tpu.vector_load %arg6[%get3A] {strides = array<i32>} : memref<2048xf32, #tpu.memory_space<vmem>>, vector<16xf32>,
      %get3A_1460 = vector.shape_cast %get3A_1459 : vector<16xf32> to vector<16xf32>
      %mul3A_1461 = arith.constant 16 : i32
      %mul3A_1462 = arith.muli %scan3A_1454, %mul3A_1461 : i32
      %get3A_1463 = arith.index_cast %mul3A_1462 : i32 to index
      %get3A_1464 = tpu.vector_load %arg7[%get3A_1463] {strides = array<i32>} : memref<2048xf32, #tpu.memory_space<vmem>>, vector<16xf32>,
      %get3A_1465 = vector.shape_cast %get3A_1464 : vector<16xf32> to vector<16xf32>
      %add3A_1466 = arith.addf %get3A_1460, %get3A_1465 : vector<16xf32>
      %mul3A_1467 = arith.constant 16 : i32
      %mul3A_1468 = arith.muli %scan3A_1454, %mul3A_1467 : i32
      %get3A_1469 = arith.index_cast %mul3A_1468 : i32 to index
      %get3A_1470 = tpu.vector_load %arg8[%get3A_1469] {strides = array<i32>} : memref<2048xi32, #tpu.memory_space<vmem>>, vector<16xi32>,
      %get3A_1471 = vector.shape_cast %get3A_1470 : vector<16xi32> to vector<16xi32>
      %gt3A_1472 = arith.cmpf ogt, %add3A_1466, %scan3A_1455 : vector<16xf32>
      %eq3A_1473 = arith.cmpf oeq, %add3A_1466, %scan3A_1455 : vector<16xf32>
      %lt3A_1474 = arith.cmpi slt, %get3A_1471, %scan3A_1456 : vector<16xi32>
      %and3A_1475 = arith.andi %eq3A_1473, %lt3A_1474 : vector<16xi1>
      %or3A_1476 = arith.ori %gt3A_1472, %and3A_1475 : vector<16xi1>
      %select_n3A_1477 = arith.select %or3A_1476, %add3A_1466, %scan3A_1455 : vector<16xi1>, vector<16xf32>
      %select_n3A_1478 = arith.select %or3A_1476, %get3A_1471, %scan3A_1456 : vector<16xi1>, vector<16xi32>
      scf.yield %select_n3A_1477, %select_n3A_1478 : vector<16xf32>, vector<16xi32>
    }
    %scan3A_1018 = arith.constant 128 : i32
    %xor3A_1019 = arith.constant 1 : i32
    %xor3A_1020 = vector.broadcast %xor3A_1019 : i32 to vector<16xi32>
    %xor3A_1021 = arith.xori %iota3A, %xor3A_1020 : vector<16xi32>
    %broadcast_in_dim3A_1022 = vector.shape_cast %xor3A_1021 : vector<16xi32> to vector<16x1xi32>
    %gather3A_1023 = vector.shape_cast %broadcast_in_dim3A_1022 : vector<16x1xi32> to vector<16xi32>
    %gather3A_1024 = tpu.dynamic_gather %scan3A_1017#0[%gather3A_1023] in [0] : vector<16xf32>, vector<16xi32> -> vector<16xf32>
    %broadcast_in_dim3A_1025 = vector.shape_cast %xor3A_1021 : vector<16xi32> to vector<16x1xi32>
    %gather3A_1026 = vector.shape_cast %broadcast_in_dim3A_1025 : vector<16x1xi32> to vector<16xi32>
    %gather3A_1027 = tpu.dynamic_gather %scan3A_1017#1[%gather3A_1026] in [0] : vector<16xi32>, vector<16xi32> -> vector<16xi32>
    %gt3A_1028 = arith.cmpf ogt, %gather3A_1024, %scan3A_1017#0 : vector<16xf32>
    %eq3A_1029 = arith.cmpf oeq, %gather3A_1024, %scan3A_1017#0 : vector<16xf32>
    %lt3A_1030 = arith.cmpi slt, %gather3A_1027, %scan3A_1017#1 : vector<16xi32>
    %and3A_1031 = arith.andi %eq3A_1029, %lt3A_1030 : vector<16xi1>
    %or3A_1032 = arith.ori %gt3A_1028, %and3A_1031 : vector<16xi1>
    %select_n3A_1033 = arith.select %or3A_1032, %gather3A_1024, %scan3A_1017#0 : vector<16xi1>, vector<16xf32>
    %select_n3A_1034 = arith.select %or3A_1032, %gather3A_1027, %scan3A_1017#1 : vector<16xi1>, vector<16xi32>
    %xor3A_1035 = arith.constant 2 : i32
    %xor3A_1036 = vector.broadcast %xor3A_1035 : i32 to vector<16xi32>
    %xor3A_1037 = arith.xori %iota3A, %xor3A_1036 : vector<16xi32>
    %broadcast_in_dim3A_1038 = vector.shape_cast %xor3A_1037 : vector<16xi32> to vector<16x1xi32>
    %gather3A_1039 = vector.shape_cast %broadcast_in_dim3A_1038 : vector<16x1xi32> to vector<16xi32>
    %gather3A_1040 = tpu.dynamic_gather %select_n3A_1033[%gather3A_1039] in [0] : vector<16xf32>, vector<16xi32> -> vector<16xf32>
    %broadcast_in_dim3A_1041 = vector.shape_cast %xor3A_1037 : vector<16xi32> to vector<16x1xi32>
    %gather3A_1042 = vector.shape_cast %broadcast_in_dim3A_1041 : vector<16x1xi32> to vector<16xi32>
    %gather3A_1043 = tpu.dynamic_gather %select_n3A_1034[%gather3A_1042] in [0] : vector<16xi32>, vector<16xi32> -> vector<16xi32>
    %gt3A_1044 = arith.cmpf ogt, %gather3A_1040, %select_n3A_1033 : vector<16xf32>
    %eq3A_1045 = arith.cmpf oeq, %gather3A_1040, %select_n3A_1033 : vector<16xf32>
    %lt3A_1046 = arith.cmpi slt, %gather3A_1043, %select_n3A_1034 : vector<16xi32>
    %and3A_1047 = arith.andi %eq3A_1045, %lt3A_1046 : vector<16xi1>
    %or3A_1048 = arith.ori %gt3A_1044, %and3A_1047 : vector<16xi1>
    %select_n3A_1049 = arith.select %or3A_1048, %gather3A_1040, %select_n3A_1033 : vector<16xi1>, vector<16xf32>
    %select_n3A_1050 = arith.select %or3A_1048, %gather3A_1043, %select_n3A_1034 : vector<16xi1>, vector<16xi32>
    %xor3A_1051 = arith.constant 4 : i32
    %xor3A_1052 = vector.broadcast %xor3A_1051 : i32 to vector<16xi32>
    %xor3A_1053 = arith.xori %iota3A, %xor3A_1052 : vector<16xi32>
    %broadcast_in_dim3A_1054 = vector.shape_cast %xor3A_1053 : vector<16xi32> to vector<16x1xi32>
    %gather3A_1055 = vector.shape_cast %broadcast_in_dim3A_1054 : vector<16x1xi32> to vector<16xi32>
    %gather3A_1056 = tpu.dynamic_gather %select_n3A_1049[%gather3A_1055] in [0] : vector<16xf32>, vector<16xi32> -> vector<16xf32>
    %broadcast_in_dim3A_1057 = vector.shape_cast %xor3A_1053 : vector<16xi32> to vector<16x1xi32>
    %gather3A_1058 = vector.shape_cast %broadcast_in_dim3A_1057 : vector<16x1xi32> to vector<16xi32>
    %gather3A_1059 = tpu.dynamic_gather %select_n3A_1050[%gather3A_1058] in [0] : vector<16xi32>, vector<16xi32> -> vector<16xi32>
    %gt3A_1060 = arith.cmpf ogt, %gather3A_1056, %select_n3A_1049 : vector<16xf32>
    %eq3A_1061 = arith.cmpf oeq, %gather3A_1056, %select_n3A_1049 : vector<16xf32>
    %lt3A_1062 = arith.cmpi slt, %gather3A_1059, %select_n3A_1050 : vector<16xi32>
    %and3A_1063 = arith.andi %eq3A_1061, %lt3A_1062 : vector<16xi1>
    %or3A_1064 = arith.ori %gt3A_1060, %and3A_1063 : vector<16xi1>
    %select_n3A_1065 = arith.select %or3A_1064, %gather3A_1056, %select_n3A_1049 : vector<16xi1>, vector<16xf32>
    %select_n3A_1066 = arith.select %or3A_1064, %gather3A_1059, %select_n3A_1050 : vector<16xi1>, vector<16xi32>
    %xor3A_1067 = arith.constant 8 : i32
    %xor3A_1068 = vector.broadcast %xor3A_1067 : i32 to vector<16xi32>
    %xor3A_1069 = arith.xori %iota3A, %xor3A_1068 : vector<16xi32>
    %broadcast_in_dim3A_1070 = vector.shape_cast %xor3A_1069 : vector<16xi32> to vector<16x1xi32>
    %gather3A_1071 = vector.shape_cast %broadcast_in_dim3A_1070 : vector<16x1xi32> to vector<16xi32>
    %gather3A_1072 = tpu.dynamic_gather %select_n3A_1065[%gather3A_1071] in [0] : vector<16xf32>, vector<16xi32> -> vector<16xf32>
    %broadcast_in_dim3A_1073 = vector.shape_cast %xor3A_1069 : vector<16xi32> to vector<16x1xi32>
    %gather3A_1074 = vector.shape_cast %broadcast_in_dim3A_1073 : vector<16x1xi32> to vector<16xi32>
    %gather3A_1075 = tpu.dynamic_gather %select_n3A_1066[%gather3A_1074] in [0] : vector<16xi32>, vector<16xi32> -> vector<16xi32>
    %gt3A_1076 = arith.cmpf ogt, %gather3A_1072, %select_n3A_1065 : vector<16xf32>
    %eq3A_1077 = arith.cmpf oeq, %gather3A_1072, %select_n3A_1065 : vector<16xf32>
    %lt3A_1078 = arith.cmpi slt, %gather3A_1075, %select_n3A_1066 : vector<16xi32>
    %and3A_1079 = arith.andi %eq3A_1077, %lt3A_1078 : vector<16xi1>
    %or3A_1080 = arith.ori %gt3A_1076, %and3A_1079 : vector<16xi1>
    %select_n3A_1081 = arith.select %or3A_1080, %gather3A_1072, %select_n3A_1065 : vector<16xi1>, vector<16xf32>
    %select_n3A_1082 = arith.select %or3A_1080, %gather3A_1075, %select_n3A_1066 : vector<16xi1>, vector<16xi32>
    %eq3A_1083 = arith.constant 2 : i32
    %eq3A_1084 = vector.broadcast %eq3A_1083 : i32 to vector<16xi32>
    %eq3A_1085 = arith.cmpi eq, %iota3A, %eq3A_1084 : vector<16xi32>
    %select_n3A_1086 = arith.select %eq3A_1085, %select_n3A_1082, %select_n3A_722 : vector<16xi1>, vector<16xi32>
    %add3A_1087 = arith.constant 3 : i32
    %add3A_1088 = arith.addi %mul3A_2, %add3A_1087 : i32
    "tpu.region"() ({
      %run_scoped3A = tpu.sem_alloc : memref<!tpu.dma_semaphore, #tpu.memory_space<semaphore_mem>>
      %dma_start3A_1454 = arith.constant 0 : i32
      %dma_start3A_1455 = tpu.memref_slice %arg3[%add3A_1088, %dma_start3A_1454] : memref<128x2048xf32, #tpu.memory_space<hbm>> -> memref<1x2048xf32, #tpu.memory_space<hbm>>
      %dma_start3A_1456 = tpu.memref_squeeze %dma_start3A_1455 : memref<1x2048xf32, #tpu.memory_space<hbm>> -> memref<2048xf32, #tpu.memory_space<hbm>>
      %dma_start3A_1457 = arith.constant 0 : i32
      %dma_start3A_1458 = tpu.memref_slice %arg3[%add3A_1088, %dma_start3A_1457] : memref<128x2048xf32, #tpu.memory_space<hbm>> -> memref<1x2048xf32, #tpu.memory_space<hbm>>
      %dma_start3A_1459 = tpu.memref_squeeze %dma_start3A_1458 : memref<1x2048xf32, #tpu.memory_space<hbm>> -> memref<2048xf32, #tpu.memory_space<hbm>>
      tpu.enqueue_dma source(%dma_start3A_1459 : memref<2048xf32, #tpu.memory_space<hbm>>) target(%arg7 : memref<2048xf32, #tpu.memory_space<vmem>>) target_semaphore(%run_scoped3A : memref<!tpu.dma_semaphore, #tpu.memory_space<semaphore_mem>>)
      %dma_wait3A_1460 = arith.constant 0 : i32
      %dma_wait3A_1461 = tpu.memref_slice %arg3[%add3A_1088, %dma_wait3A_1460] : memref<128x2048xf32, #tpu.memory_space<hbm>> -> memref<1x2048xf32, #tpu.memory_space<hbm>>
      %dma_wait3A_1462 = tpu.memref_squeeze %dma_wait3A_1461 : memref<1x2048xf32, #tpu.memory_space<hbm>> -> memref<2048xf32, #tpu.memory_space<hbm>>
      %dma_wait3A_1463 = arith.constant 0 : i32
      %dma_wait3A_1464 = tpu.memref_slice %arg3[%add3A_1088, %dma_wait3A_1463] : memref<128x2048xf32, #tpu.memory_space<hbm>> -> memref<1x2048xf32, #tpu.memory_space<hbm>>
      %dma_wait3A_1465 = tpu.memref_squeeze %dma_wait3A_1464 : memref<1x2048xf32, #tpu.memory_space<hbm>> -> memref<2048xf32, #tpu.memory_space<hbm>>
      tpu.wait_dma2 semaphore(%run_scoped3A : memref<!tpu.dma_semaphore, #tpu.memory_space<semaphore_mem>>) src(%dma_wait3A_1465 : memref<2048xf32, #tpu.memory_space<hbm>>) dst(%arg7 : memref<2048xf32, #tpu.memory_space<vmem>>)
      tpu.yield
    }) : () -> ()
    "tpu.region"() ({
      %run_scoped3A = tpu.sem_alloc : memref<!tpu.dma_semaphore, #tpu.memory_space<semaphore_mem>>
      %dma_start3A_1454 = arith.constant 0 : i32
      %dma_start3A_1455 = tpu.memref_slice %arg4[%add3A_1088, %dma_start3A_1454] : memref<128x2048xi32, #tpu.memory_space<hbm>> -> memref<1x2048xi32, #tpu.memory_space<hbm>>
      %dma_start3A_1456 = tpu.memref_squeeze %dma_start3A_1455 : memref<1x2048xi32, #tpu.memory_space<hbm>> -> memref<2048xi32, #tpu.memory_space<hbm>>
      %dma_start3A_1457 = arith.constant 0 : i32
      %dma_start3A_1458 = tpu.memref_slice %arg4[%add3A_1088, %dma_start3A_1457] : memref<128x2048xi32, #tpu.memory_space<hbm>> -> memref<1x2048xi32, #tpu.memory_space<hbm>>
      %dma_start3A_1459 = tpu.memref_squeeze %dma_start3A_1458 : memref<1x2048xi32, #tpu.memory_space<hbm>> -> memref<2048xi32, #tpu.memory_space<hbm>>
      tpu.enqueue_dma source(%dma_start3A_1459 : memref<2048xi32, #tpu.memory_space<hbm>>) target(%arg8 : memref<2048xi32, #tpu.memory_space<vmem>>) target_semaphore(%run_scoped3A : memref<!tpu.dma_semaphore, #tpu.memory_space<semaphore_mem>>)
      %dma_wait3A_1460 = arith.constant 0 : i32
      %dma_wait3A_1461 = tpu.memref_slice %arg4[%add3A_1088, %dma_wait3A_1460] : memref<128x2048xi32, #tpu.memory_space<hbm>> -> memref<1x2048xi32, #tpu.memory_space<hbm>>
      %dma_wait3A_1462 = tpu.memref_squeeze %dma_wait3A_1461 : memref<1x2048xi32, #tpu.memory_space<hbm>> -> memref<2048xi32, #tpu.memory_space<hbm>>
      %dma_wait3A_1463 = arith.constant 0 : i32
      %dma_wait3A_1464 = tpu.memref_slice %arg4[%add3A_1088, %dma_wait3A_1463] : memref<128x2048xi32, #tpu.memory_space<hbm>> -> memref<1x2048xi32, #tpu.memory_space<hbm>>
      %dma_wait3A_1465 = tpu.memref_squeeze %dma_wait3A_1464 : memref<1x2048xi32, #tpu.memory_space<hbm>> -> memref<2048xi32, #tpu.memory_space<hbm>>
      tpu.wait_dma2 semaphore(%run_scoped3A : memref<!tpu.dma_semaphore, #tpu.memory_space<semaphore_mem>>) src(%dma_wait3A_1465 : memref<2048xi32, #tpu.memory_space<hbm>>) dst(%arg8 : memref<2048xi32, #tpu.memory_space<vmem>>)
      tpu.yield
    }) : () -> ()
    %dma_start3A_1089 = arith.constant 0 : i32
    %dma_start3A_1090 = tpu.memref_slice %arg6[%dma_start3A_1089] : memref<2048xf32, #tpu.memory_space<vmem>> -> memref<128xf32, #tpu.memory_space<vmem>>
    %dma_start3A_1091 = arith.constant 0 : i32
    %dma_start3A_1092 = tpu.memref_slice %arg8[%dma_start3A_1091] : memref<2048xi32, #tpu.memory_space<vmem>> -> memref<128xi32, #tpu.memory_space<vmem>>
    %dma_start3A_1093 = arith.constant 0 : i32
    %dma_start3A_1094 = tpu.memref_slice %arg2[%add3A_1088, %dma_start3A_1093] : memref<128x100000xf32, #tpu.memory_space<hbm>> -> memref<1x100000xf32, #tpu.memory_space<hbm>>
    %dma_start3A_1095 = tpu.memref_squeeze %dma_start3A_1094 : memref<1x100000xf32, #tpu.memory_space<hbm>> -> memref<100000xf32, #tpu.memory_space<hbm>>
    %dma_start3A_1096 = arith.constant 0 : i32
    %dma_start3A_1097 = tpu.memref_slice %dma_start3A_1095[%dma_start3A_1096] : memref<100000xf32, #tpu.memory_space<hbm>> -> memref<100000xf32, #tpu.memory_space<hbm>>
    tpu.enqueue_indirect_dma source(%dma_start3A_1097 : memref<100000xf32, #tpu.memory_space<hbm>>) target(%dma_start3A_1090 : memref<128xf32, #tpu.memory_space<vmem>>) offsets(%dma_start3A_1092 : memref<128xi32, #tpu.memory_space<vmem>>) semaphore(%arg10 : memref<!tpu.dma_semaphore, #tpu.memory_space<semaphore_mem>>)
    %dma_start3A_1098 = arith.constant 128 : i32
    %dma_start3A_1099 = tpu.memref_slice %arg6[%dma_start3A_1098] : memref<2048xf32, #tpu.memory_space<vmem>> -> memref<128xf32, #tpu.memory_space<vmem>>
    %dma_start3A_1100 = arith.constant 128 : i32
    %dma_start3A_1101 = tpu.memref_slice %arg8[%dma_start3A_1100] : memref<2048xi32, #tpu.memory_space<vmem>> -> memref<128xi32, #tpu.memory_space<vmem>>
    %dma_start3A_1102 = arith.constant 0 : i32
    %dma_start3A_1103 = tpu.memref_slice %arg2[%add3A_1088, %dma_start3A_1102] : memref<128x100000xf32, #tpu.memory_space<hbm>> -> memref<1x100000xf32, #tpu.memory_space<hbm>>
    %dma_start3A_1104 = tpu.memref_squeeze %dma_start3A_1103 : memref<1x100000xf32, #tpu.memory_space<hbm>> -> memref<100000xf32, #tpu.memory_space<hbm>>
    %dma_start3A_1105 = arith.constant 0 : i32
    %dma_start3A_1106 = tpu.memref_slice %dma_start3A_1104[%dma_start3A_1105] : memref<100000xf32, #tpu.memory_space<hbm>> -> memref<100000xf32, #tpu.memory_space<hbm>>
    tpu.enqueue_indirect_dma source(%dma_start3A_1106 : memref<100000xf32, #tpu.memory_space<hbm>>) target(%dma_start3A_1099 : memref<128xf32, #tpu.memory_space<vmem>>) offsets(%dma_start3A_1101 : memref<128xi32, #tpu.memory_space<vmem>>) semaphore(%arg10 : memref<!tpu.dma_semaphore, #tpu.memory_space<semaphore_mem>>)
    %dma_start3A_1107 = arith.constant 256 : i32
    %dma_start3A_1108 = tpu.memref_slice %arg6[%dma_start3A_1107] : memref<2048xf32, #tpu.memory_space<vmem>> -> memref<128xf32, #tpu.memory_space<vmem>>
    %dma_start3A_1109 = arith.constant 256 : i32
    %dma_start3A_1110 = tpu.memref_slice %arg8[%dma_start3A_1109] : memref<2048xi32, #tpu.memory_space<vmem>> -> memref<128xi32, #tpu.memory_space<vmem>>
    %dma_start3A_1111 = arith.constant 0 : i32
    %dma_start3A_1112 = tpu.memref_slice %arg2[%add3A_1088, %dma_start3A_1111] : memref<128x100000xf32, #tpu.memory_space<hbm>> -> memref<1x100000xf32, #tpu.memory_space<hbm>>
    %dma_start3A_1113 = tpu.memref_squeeze %dma_start3A_1112 : memref<1x100000xf32, #tpu.memory_space<hbm>> -> memref<100000xf32, #tpu.memory_space<hbm>>
    %dma_start3A_1114 = arith.constant 0 : i32
    %dma_start3A_1115 = tpu.memref_slice %dma_start3A_1113[%dma_start3A_1114] : memref<100000xf32, #tpu.memory_space<hbm>> -> memref<100000xf32, #tpu.memory_space<hbm>>
    tpu.enqueue_indirect_dma source(%dma_start3A_1115 : memref<100000xf32, #tpu.memory_space<hbm>>) target(%dma_start3A_1108 : memref<128xf32, #tpu.memory_space<vmem>>) offsets(%dma_start3A_1110 : memref<128xi32, #tpu.memory_space<vmem>>) semaphore(%arg10 : memref<!tpu.dma_semaphore, #tpu.memory_space<semaphore_mem>>)
    %dma_start3A_1116 = arith.constant 384 : i32
    %dma_start3A_1117 = tpu.memref_slice %arg6[%dma_start3A_1116] : memref<2048xf32, #tpu.memory_space<vmem>> -> memref<128xf32, #tpu.memory_space<vmem>>
    %dma_start3A_1118 = arith.constant 384 : i32
    %dma_start3A_1119 = tpu.memref_slice %arg8[%dma_start3A_1118] : memref<2048xi32, #tpu.memory_space<vmem>> -> memref<128xi32, #tpu.memory_space<vmem>>
    %dma_start3A_1120 = arith.constant 0 : i32
    %dma_start3A_1121 = tpu.memref_slice %arg2[%add3A_1088, %dma_start3A_1120] : memref<128x100000xf32, #tpu.memory_space<hbm>> -> memref<1x100000xf32, #tpu.memory_space<hbm>>
    %dma_start3A_1122 = tpu.memref_squeeze %dma_start3A_1121 : memref<1x100000xf32, #tpu.memory_space<hbm>> -> memref<100000xf32, #tpu.memory_space<hbm>>
    %dma_start3A_1123 = arith.constant 0 : i32
    %dma_start3A_1124 = tpu.memref_slice %dma_start3A_1122[%dma_start3A_1123] : memref<100000xf32, #tpu.memory_space<hbm>> -> memref<100000xf32, #tpu.memory_space<hbm>>
    tpu.enqueue_indirect_dma source(%dma_start3A_1124 : memref<100000xf32, #tpu.memory_space<hbm>>) target(%dma_start3A_1117 : memref<128xf32, #tpu.memory_space<vmem>>) offsets(%dma_start3A_1119 : memref<128xi32, #tpu.memory_space<vmem>>) semaphore(%arg10 : memref<!tpu.dma_semaphore, #tpu.memory_space<semaphore_mem>>)
    %dma_start3A_1125 = arith.constant 512 : i32
    %dma_start3A_1126 = tpu.memref_slice %arg6[%dma_start3A_1125] : memref<2048xf32, #tpu.memory_space<vmem>> -> memref<128xf32, #tpu.memory_space<vmem>>
    %dma_start3A_1127 = arith.constant 512 : i32
    %dma_start3A_1128 = tpu.memref_slice %arg8[%dma_start3A_1127] : memref<2048xi32, #tpu.memory_space<vmem>> -> memref<128xi32, #tpu.memory_space<vmem>>
    %dma_start3A_1129 = arith.constant 0 : i32
    %dma_start3A_1130 = tpu.memref_slice %arg2[%add3A_1088, %dma_start3A_1129] : memref<128x100000xf32, #tpu.memory_space<hbm>> -> memref<1x100000xf32, #tpu.memory_space<hbm>>
    %dma_start3A_1131 = tpu.memref_squeeze %dma_start3A_1130 : memref<1x100000xf32, #tpu.memory_space<hbm>> -> memref<100000xf32, #tpu.memory_space<hbm>>
    %dma_start3A_1132 = arith.constant 0 : i32
    %dma_start3A_1133 = tpu.memref_slice %dma_start3A_1131[%dma_start3A_1132] : memref<100000xf32, #tpu.memory_space<hbm>> -> memref<100000xf32, #tpu.memory_space<hbm>>
    tpu.enqueue_indirect_dma source(%dma_start3A_1133 : memref<100000xf32, #tpu.memory_space<hbm>>) target(%dma_start3A_1126 : memref<128xf32, #tpu.memory_space<vmem>>) offsets(%dma_start3A_1128 : memref<128xi32, #tpu.memory_space<vmem>>) semaphore(%arg10 : memref<!tpu.dma_semaphore, #tpu.memory_space<semaphore_mem>>)
    %dma_start3A_1134 = arith.constant 640 : i32
    %dma_start3A_1135 = tpu.memref_slice %arg6[%dma_start3A_1134] : memref<2048xf32, #tpu.memory_space<vmem>> -> memref<128xf32, #tpu.memory_space<vmem>>
    %dma_start3A_1136 = arith.constant 640 : i32
    %dma_start3A_1137 = tpu.memref_slice %arg8[%dma_start3A_1136] : memref<2048xi32, #tpu.memory_space<vmem>> -> memref<128xi32, #tpu.memory_space<vmem>>
    %dma_start3A_1138 = arith.constant 0 : i32
    %dma_start3A_1139 = tpu.memref_slice %arg2[%add3A_1088, %dma_start3A_1138] : memref<128x100000xf32, #tpu.memory_space<hbm>> -> memref<1x100000xf32, #tpu.memory_space<hbm>>
    %dma_start3A_1140 = tpu.memref_squeeze %dma_start3A_1139 : memref<1x100000xf32, #tpu.memory_space<hbm>> -> memref<100000xf32, #tpu.memory_space<hbm>>
    %dma_start3A_1141 = arith.constant 0 : i32
    %dma_start3A_1142 = tpu.memref_slice %dma_start3A_1140[%dma_start3A_1141] : memref<100000xf32, #tpu.memory_space<hbm>> -> memref<100000xf32, #tpu.memory_space<hbm>>
    tpu.enqueue_indirect_dma source(%dma_start3A_1142 : memref<100000xf32, #tpu.memory_space<hbm>>) target(%dma_start3A_1135 : memref<128xf32, #tpu.memory_space<vmem>>) offsets(%dma_start3A_1137 : memref<128xi32, #tpu.memory_space<vmem>>) semaphore(%arg10 : memref<!tpu.dma_semaphore, #tpu.memory_space<semaphore_mem>>)
    %dma_start3A_1143 = arith.constant 768 : i32
    %dma_start3A_1144 = tpu.memref_slice %arg6[%dma_start3A_1143] : memref<2048xf32, #tpu.memory_space<vmem>> -> memref<128xf32, #tpu.memory_space<vmem>>
    %dma_start3A_1145 = arith.constant 768 : i32
    %dma_start3A_1146 = tpu.memref_slice %arg8[%dma_start3A_1145] : memref<2048xi32, #tpu.memory_space<vmem>> -> memref<128xi32, #tpu.memory_space<vmem>>
    %dma_start3A_1147 = arith.constant 0 : i32
    %dma_start3A_1148 = tpu.memref_slice %arg2[%add3A_1088, %dma_start3A_1147] : memref<128x100000xf32, #tpu.memory_space<hbm>> -> memref<1x100000xf32, #tpu.memory_space<hbm>>
    %dma_start3A_1149 = tpu.memref_squeeze %dma_start3A_1148 : memref<1x100000xf32, #tpu.memory_space<hbm>> -> memref<100000xf32, #tpu.memory_space<hbm>>
    %dma_start3A_1150 = arith.constant 0 : i32
    %dma_start3A_1151 = tpu.memref_slice %dma_start3A_1149[%dma_start3A_1150] : memref<100000xf32, #tpu.memory_space<hbm>> -> memref<100000xf32, #tpu.memory_space<hbm>>
    tpu.enqueue_indirect_dma source(%dma_start3A_1151 : memref<100000xf32, #tpu.memory_space<hbm>>) target(%dma_start3A_1144 : memref<128xf32, #tpu.memory_space<vmem>>) offsets(%dma_start3A_1146 : memref<128xi32, #tpu.memory_space<vmem>>) semaphore(%arg10 : memref<!tpu.dma_semaphore, #tpu.memory_space<semaphore_mem>>)
    %dma_start3A_1152 = arith.constant 896 : i32
    %dma_start3A_1153 = tpu.memref_slice %arg6[%dma_start3A_1152] : memref<2048xf32, #tpu.memory_space<vmem>> -> memref<128xf32, #tpu.memory_space<vmem>>
    %dma_start3A_1154 = arith.constant 896 : i32
    %dma_start3A_1155 = tpu.memref_slice %arg8[%dma_start3A_1154] : memref<2048xi32, #tpu.memory_space<vmem>> -> memref<128xi32, #tpu.memory_space<vmem>>
    %dma_start3A_1156 = arith.constant 0 : i32
    %dma_start3A_1157 = tpu.memref_slice %arg2[%add3A_1088, %dma_start3A_1156] : memref<128x100000xf32, #tpu.memory_space<hbm>> -> memref<1x100000xf32, #tpu.memory_space<hbm>>
    %dma_start3A_1158 = tpu.memref_squeeze %dma_start3A_1157 : memref<1x100000xf32, #tpu.memory_space<hbm>> -> memref<100000xf32, #tpu.memory_space<hbm>>
    %dma_start3A_1159 = arith.constant 0 : i32
    %dma_start3A_1160 = tpu.memref_slice %dma_start3A_1158[%dma_start3A_1159] : memref<100000xf32, #tpu.memory_space<hbm>> -> memref<100000xf32, #tpu.memory_space<hbm>>
    tpu.enqueue_indirect_dma source(%dma_start3A_1160 : memref<100000xf32, #tpu.memory_space<hbm>>) target(%dma_start3A_1153 : memref<128xf32, #tpu.memory_space<vmem>>) offsets(%dma_start3A_1155 : memref<128xi32, #tpu.memory_space<vmem>>) semaphore(%arg10 : memref<!tpu.dma_semaphore, #tpu.memory_space<semaphore_mem>>)
    %dma_start3A_1161 = arith.constant 1024 : i32
    %dma_start3A_1162 = tpu.memref_slice %arg6[%dma_start3A_1161] : memref<2048xf32, #tpu.memory_space<vmem>> -> memref<128xf32, #tpu.memory_space<vmem>>
    %dma_start3A_1163 = arith.constant 1024 : i32
    %dma_start3A_1164 = tpu.memref_slice %arg8[%dma_start3A_1163] : memref<2048xi32, #tpu.memory_space<vmem>> -> memref<128xi32, #tpu.memory_space<vmem>>
    %dma_start3A_1165 = arith.constant 0 : i32
    %dma_start3A_1166 = tpu.memref_slice %arg2[%add3A_1088, %dma_start3A_1165] : memref<128x100000xf32, #tpu.memory_space<hbm>> -> memref<1x100000xf32, #tpu.memory_space<hbm>>
    %dma_start3A_1167 = tpu.memref_squeeze %dma_start3A_1166 : memref<1x100000xf32, #tpu.memory_space<hbm>> -> memref<100000xf32, #tpu.memory_space<hbm>>
    %dma_start3A_1168 = arith.constant 0 : i32
    %dma_start3A_1169 = tpu.memref_slice %dma_start3A_1167[%dma_start3A_1168] : memref<100000xf32, #tpu.memory_space<hbm>> -> memref<100000xf32, #tpu.memory_space<hbm>>
    tpu.enqueue_indirect_dma source(%dma_start3A_1169 : memref<100000xf32, #tpu.memory_space<hbm>>) target(%dma_start3A_1162 : memref<128xf32, #tpu.memory_space<vmem>>) offsets(%dma_start3A_1164 : memref<128xi32, #tpu.memory_space<vmem>>) semaphore(%arg10 : memref<!tpu.dma_semaphore, #tpu.memory_space<semaphore_mem>>)
    %dma_start3A_1170 = arith.constant 1152 : i32
    %dma_start3A_1171 = tpu.memref_slice %arg6[%dma_start3A_1170] : memref<2048xf32, #tpu.memory_space<vmem>> -> memref<128xf32, #tpu.memory_space<vmem>>
    %dma_start3A_1172 = arith.constant 1152 : i32
    %dma_start3A_1173 = tpu.memref_slice %arg8[%dma_start3A_1172] : memref<2048xi32, #tpu.memory_space<vmem>> -> memref<128xi32, #tpu.memory_space<vmem>>
    %dma_start3A_1174 = arith.constant 0 : i32
    %dma_start3A_1175 = tpu.memref_slice %arg2[%add3A_1088, %dma_start3A_1174] : memref<128x100000xf32, #tpu.memory_space<hbm>> -> memref<1x100000xf32, #tpu.memory_space<hbm>>
    %dma_start3A_1176 = tpu.memref_squeeze %dma_start3A_1175 : memref<1x100000xf32, #tpu.memory_space<hbm>> -> memref<100000xf32, #tpu.memory_space<hbm>>
    %dma_start3A_1177 = arith.constant 0 : i32
    %dma_start3A_1178 = tpu.memref_slice %dma_start3A_1176[%dma_start3A_1177] : memref<100000xf32, #tpu.memory_space<hbm>> -> memref<100000xf32, #tpu.memory_space<hbm>>
    tpu.enqueue_indirect_dma source(%dma_start3A_1178 : memref<100000xf32, #tpu.memory_space<hbm>>) target(%dma_start3A_1171 : memref<128xf32, #tpu.memory_space<vmem>>) offsets(%dma_start3A_1173 : memref<128xi32, #tpu.memory_space<vmem>>) semaphore(%arg10 : memref<!tpu.dma_semaphore, #tpu.memory_space<semaphore_mem>>)
    %dma_start3A_1179 = arith.constant 1280 : i32
    %dma_start3A_1180 = tpu.memref_slice %arg6[%dma_start3A_1179] : memref<2048xf32, #tpu.memory_space<vmem>> -> memref<128xf32, #tpu.memory_space<vmem>>
    %dma_start3A_1181 = arith.constant 1280 : i32
    %dma_start3A_1182 = tpu.memref_slice %arg8[%dma_start3A_1181] : memref<2048xi32, #tpu.memory_space<vmem>> -> memref<128xi32, #tpu.memory_space<vmem>>
    %dma_start3A_1183 = arith.constant 0 : i32
    %dma_start3A_1184 = tpu.memref_slice %arg2[%add3A_1088, %dma_start3A_1183] : memref<128x100000xf32, #tpu.memory_space<hbm>> -> memref<1x100000xf32, #tpu.memory_space<hbm>>
    %dma_start3A_1185 = tpu.memref_squeeze %dma_start3A_1184 : memref<1x100000xf32, #tpu.memory_space<hbm>> -> memref<100000xf32, #tpu.memory_space<hbm>>
    %dma_start3A_1186 = arith.constant 0 : i32
    %dma_start3A_1187 = tpu.memref_slice %dma_start3A_1185[%dma_start3A_1186] : memref<100000xf32, #tpu.memory_space<hbm>> -> memref<100000xf32, #tpu.memory_space<hbm>>
    tpu.enqueue_indirect_dma source(%dma_start3A_1187 : memref<100000xf32, #tpu.memory_space<hbm>>) target(%dma_start3A_1180 : memref<128xf32, #tpu.memory_space<vmem>>) offsets(%dma_start3A_1182 : memref<128xi32, #tpu.memory_space<vmem>>) semaphore(%arg10 : memref<!tpu.dma_semaphore, #tpu.memory_space<semaphore_mem>>)
    %dma_start3A_1188 = arith.constant 1408 : i32
    %dma_start3A_1189 = tpu.memref_slice %arg6[%dma_start3A_1188] : memref<2048xf32, #tpu.memory_space<vmem>> -> memref<128xf32, #tpu.memory_space<vmem>>
    %dma_start3A_1190 = arith.constant 1408 : i32
    %dma_start3A_1191 = tpu.memref_slice %arg8[%dma_start3A_1190] : memref<2048xi32, #tpu.memory_space<vmem>> -> memref<128xi32, #tpu.memory_space<vmem>>
    %dma_start3A_1192 = arith.constant 0 : i32
    %dma_start3A_1193 = tpu.memref_slice %arg2[%add3A_1088, %dma_start3A_1192] : memref<128x100000xf32, #tpu.memory_space<hbm>> -> memref<1x100000xf32, #tpu.memory_space<hbm>>
    %dma_start3A_1194 = tpu.memref_squeeze %dma_start3A_1193 : memref<1x100000xf32, #tpu.memory_space<hbm>> -> memref<100000xf32, #tpu.memory_space<hbm>>
    %dma_start3A_1195 = arith.constant 0 : i32
    %dma_start3A_1196 = tpu.memref_slice %dma_start3A_1194[%dma_start3A_1195] : memref<100000xf32, #tpu.memory_space<hbm>> -> memref<100000xf32, #tpu.memory_space<hbm>>
    tpu.enqueue_indirect_dma source(%dma_start3A_1196 : memref<100000xf32, #tpu.memory_space<hbm>>) target(%dma_start3A_1189 : memref<128xf32, #tpu.memory_space<vmem>>) offsets(%dma_start3A_1191 : memref<128xi32, #tpu.memory_space<vmem>>) semaphore(%arg10 : memref<!tpu.dma_semaphore, #tpu.memory_space<semaphore_mem>>)
    %dma_start3A_1197 = arith.constant 1536 : i32
    %dma_start3A_1198 = tpu.memref_slice %arg6[%dma_start3A_1197] : memref<2048xf32, #tpu.memory_space<vmem>> -> memref<128xf32, #tpu.memory_space<vmem>>
    %dma_start3A_1199 = arith.constant 1536 : i32
    %dma_start3A_1200 = tpu.memref_slice %arg8[%dma_start3A_1199] : memref<2048xi32, #tpu.memory_space<vmem>> -> memref<128xi32, #tpu.memory_space<vmem>>
    %dma_start3A_1201 = arith.constant 0 : i32
    %dma_start3A_1202 = tpu.memref_slice %arg2[%add3A_1088, %dma_start3A_1201] : memref<128x100000xf32, #tpu.memory_space<hbm>> -> memref<1x100000xf32, #tpu.memory_space<hbm>>
    %dma_start3A_1203 = tpu.memref_squeeze %dma_start3A_1202 : memref<1x100000xf32, #tpu.memory_space<hbm>> -> memref<100000xf32, #tpu.memory_space<hbm>>
    %dma_start3A_1204 = arith.constant 0 : i32
    %dma_start3A_1205 = tpu.memref_slice %dma_start3A_1203[%dma_start3A_1204] : memref<100000xf32, #tpu.memory_space<hbm>> -> memref<100000xf32, #tpu.memory_space<hbm>>
    tpu.enqueue_indirect_dma source(%dma_start3A_1205 : memref<100000xf32, #tpu.memory_space<hbm>>) target(%dma_start3A_1198 : memref<128xf32, #tpu.memory_space<vmem>>) offsets(%dma_start3A_1200 : memref<128xi32, #tpu.memory_space<vmem>>) semaphore(%arg10 : memref<!tpu.dma_semaphore, #tpu.memory_space<semaphore_mem>>)
    %dma_start3A_1206 = arith.constant 1664 : i32
    %dma_start3A_1207 = tpu.memref_slice %arg6[%dma_start3A_1206] : memref<2048xf32, #tpu.memory_space<vmem>> -> memref<128xf32, #tpu.memory_space<vmem>>
    %dma_start3A_1208 = arith.constant 1664 : i32
    %dma_start3A_1209 = tpu.memref_slice %arg8[%dma_start3A_1208] : memref<2048xi32, #tpu.memory_space<vmem>> -> memref<128xi32, #tpu.memory_space<vmem>>
    %dma_start3A_1210 = arith.constant 0 : i32
    %dma_start3A_1211 = tpu.memref_slice %arg2[%add3A_1088, %dma_start3A_1210] : memref<128x100000xf32, #tpu.memory_space<hbm>> -> memref<1x100000xf32, #tpu.memory_space<hbm>>
    %dma_start3A_1212 = tpu.memref_squeeze %dma_start3A_1211 : memref<1x100000xf32, #tpu.memory_space<hbm>> -> memref<100000xf32, #tpu.memory_space<hbm>>
    %dma_start3A_1213 = arith.constant 0 : i32
    %dma_start3A_1214 = tpu.memref_slice %dma_start3A_1212[%dma_start3A_1213] : memref<100000xf32, #tpu.memory_space<hbm>> -> memref<100000xf32, #tpu.memory_space<hbm>>
    tpu.enqueue_indirect_dma source(%dma_start3A_1214 : memref<100000xf32, #tpu.memory_space<hbm>>) target(%dma_start3A_1207 : memref<128xf32, #tpu.memory_space<vmem>>) offsets(%dma_start3A_1209 : memref<128xi32, #tpu.memory_space<vmem>>) semaphore(%arg10 : memref<!tpu.dma_semaphore, #tpu.memory_space<semaphore_mem>>)
    %dma_start3A_1215 = arith.constant 1792 : i32
    %dma_start3A_1216 = tpu.memref_slice %arg6[%dma_start3A_1215] : memref<2048xf32, #tpu.memory_space<vmem>> -> memref<128xf32, #tpu.memory_space<vmem>>
    %dma_start3A_1217 = arith.constant 1792 : i32
    %dma_start3A_1218 = tpu.memref_slice %arg8[%dma_start3A_1217] : memref<2048xi32, #tpu.memory_space<vmem>> -> memref<128xi32, #tpu.memory_space<vmem>>
    %dma_start3A_1219 = arith.constant 0 : i32
    %dma_start3A_1220 = tpu.memref_slice %arg2[%add3A_1088, %dma_start3A_1219] : memref<128x100000xf32, #tpu.memory_space<hbm>> -> memref<1x100000xf32, #tpu.memory_space<hbm>>
    %dma_start3A_1221 = tpu.memref_squeeze %dma_start3A_1220 : memref<1x100000xf32, #tpu.memory_space<hbm>> -> memref<100000xf32, #tpu.memory_space<hbm>>
    %dma_start3A_1222 = arith.constant 0 : i32
    %dma_start3A_1223 = tpu.memref_slice %dma_start3A_1221[%dma_start3A_1222] : memref<100000xf32, #tpu.memory_space<hbm>> -> memref<100000xf32, #tpu.memory_space<hbm>>
    tpu.enqueue_indirect_dma source(%dma_start3A_1223 : memref<100000xf32, #tpu.memory_space<hbm>>) target(%dma_start3A_1216 : memref<128xf32, #tpu.memory_space<vmem>>) offsets(%dma_start3A_1218 : memref<128xi32, #tpu.memory_space<vmem>>) semaphore(%arg10 : memref<!tpu.dma_semaphore, #tpu.memory_space<semaphore_mem>>)
    %dma_start3A_1224 = arith.constant 1920 : i32
    %dma_start3A_1225 = tpu.memref_slice %arg6[%dma_start3A_1224] : memref<2048xf32, #tpu.memory_space<vmem>> -> memref<128xf32, #tpu.memory_space<vmem>>
    %dma_start3A_1226 = arith.constant 1920 : i32
    %dma_start3A_1227 = tpu.memref_slice %arg8[%dma_start3A_1226] : memref<2048xi32, #tpu.memory_space<vmem>> -> memref<128xi32, #tpu.memory_space<vmem>>
    %dma_start3A_1228 = arith.constant 0 : i32
    %dma_start3A_1229 = tpu.memref_slice %arg2[%add3A_1088, %dma_start3A_1228] : memref<128x100000xf32, #tpu.memory_space<hbm>> -> memref<1x100000xf32, #tpu.memory_space<hbm>>
    %dma_start3A_1230 = tpu.memref_squeeze %dma_start3A_1229 : memref<1x100000xf32, #tpu.memory_space<hbm>> -> memref<100000xf32, #tpu.memory_space<hbm>>
    %dma_start3A_1231 = arith.constant 0 : i32
    %dma_start3A_1232 = tpu.memref_slice %dma_start3A_1230[%dma_start3A_1231] : memref<100000xf32, #tpu.memory_space<hbm>> -> memref<100000xf32, #tpu.memory_space<hbm>>
    tpu.enqueue_indirect_dma source(%dma_start3A_1232 : memref<100000xf32, #tpu.memory_space<hbm>>) target(%dma_start3A_1225 : memref<128xf32, #tpu.memory_space<vmem>>) offsets(%dma_start3A_1227 : memref<128xi32, #tpu.memory_space<vmem>>) semaphore(%arg10 : memref<!tpu.dma_semaphore, #tpu.memory_space<semaphore_mem>>)
    %dma_wait3A_1233 = arith.constant 0 : i32
    %dma_wait3A_1234 = tpu.memref_slice %arg6[%dma_wait3A_1233] : memref<2048xf32, #tpu.memory_space<vmem>> -> memref<128xf32, #tpu.memory_space<vmem>>
    %dma_wait3A_1235 = arith.constant 0 : i32
    %dma_wait3A_1236 = tpu.memref_slice %arg8[%dma_wait3A_1235] : memref<2048xi32, #tpu.memory_space<vmem>> -> memref<128xi32, #tpu.memory_space<vmem>>
    %dma_wait3A_1237 = arith.constant 0 : i32
    %dma_wait3A_1238 = tpu.memref_slice %arg2[%add3A_1088, %dma_wait3A_1237] : memref<128x100000xf32, #tpu.memory_space<hbm>> -> memref<1x100000xf32, #tpu.memory_space<hbm>>
    %dma_wait3A_1239 = tpu.memref_squeeze %dma_wait3A_1238 : memref<1x100000xf32, #tpu.memory_space<hbm>> -> memref<100000xf32, #tpu.memory_space<hbm>>
    %dma_wait3A_1240 = arith.constant 0 : i32
    %dma_wait3A_1241 = tpu.memref_slice %dma_wait3A_1239[%dma_wait3A_1240] : memref<100000xf32, #tpu.memory_space<hbm>> -> memref<100000xf32, #tpu.memory_space<hbm>>
    tpu.wait_indirect_dma semaphore(%arg10 : memref<!tpu.dma_semaphore, #tpu.memory_space<semaphore_mem>>) src(%dma_wait3A_1241 : memref<100000xf32, #tpu.memory_space<hbm>>) dst(%dma_wait3A_1234 : memref<128xf32, #tpu.memory_space<vmem>>)
    %dma_wait3A_1242 = arith.constant 128 : i32
    %dma_wait3A_1243 = tpu.memref_slice %arg6[%dma_wait3A_1242] : memref<2048xf32, #tpu.memory_space<vmem>> -> memref<128xf32, #tpu.memory_space<vmem>>
    %dma_wait3A_1244 = arith.constant 128 : i32
    %dma_wait3A_1245 = tpu.memref_slice %arg8[%dma_wait3A_1244] : memref<2048xi32, #tpu.memory_space<vmem>> -> memref<128xi32, #tpu.memory_space<vmem>>
    %dma_wait3A_1246 = arith.constant 0 : i32
    %dma_wait3A_1247 = tpu.memref_slice %arg2[%add3A_1088, %dma_wait3A_1246] : memref<128x100000xf32, #tpu.memory_space<hbm>> -> memref<1x100000xf32, #tpu.memory_space<hbm>>
    %dma_wait3A_1248 = tpu.memref_squeeze %dma_wait3A_1247 : memref<1x100000xf32, #tpu.memory_space<hbm>> -> memref<100000xf32, #tpu.memory_space<hbm>>
    %dma_wait3A_1249 = arith.constant 0 : i32
    %dma_wait3A_1250 = tpu.memref_slice %dma_wait3A_1248[%dma_wait3A_1249] : memref<100000xf32, #tpu.memory_space<hbm>> -> memref<100000xf32, #tpu.memory_space<hbm>>
    tpu.wait_indirect_dma semaphore(%arg10 : memref<!tpu.dma_semaphore, #tpu.memory_space<semaphore_mem>>) src(%dma_wait3A_1250 : memref<100000xf32, #tpu.memory_space<hbm>>) dst(%dma_wait3A_1243 : memref<128xf32, #tpu.memory_space<vmem>>)
    %dma_wait3A_1251 = arith.constant 256 : i32
    %dma_wait3A_1252 = tpu.memref_slice %arg6[%dma_wait3A_1251] : memref<2048xf32, #tpu.memory_space<vmem>> -> memref<128xf32, #tpu.memory_space<vmem>>
    %dma_wait3A_1253 = arith.constant 256 : i32
    %dma_wait3A_1254 = tpu.memref_slice %arg8[%dma_wait3A_1253] : memref<2048xi32, #tpu.memory_space<vmem>> -> memref<128xi32, #tpu.memory_space<vmem>>
    %dma_wait3A_1255 = arith.constant 0 : i32
    %dma_wait3A_1256 = tpu.memref_slice %arg2[%add3A_1088, %dma_wait3A_1255] : memref<128x100000xf32, #tpu.memory_space<hbm>> -> memref<1x100000xf32, #tpu.memory_space<hbm>>
    %dma_wait3A_1257 = tpu.memref_squeeze %dma_wait3A_1256 : memref<1x100000xf32, #tpu.memory_space<hbm>> -> memref<100000xf32, #tpu.memory_space<hbm>>
    %dma_wait3A_1258 = arith.constant 0 : i32
    %dma_wait3A_1259 = tpu.memref_slice %dma_wait3A_1257[%dma_wait3A_1258] : memref<100000xf32, #tpu.memory_space<hbm>> -> memref<100000xf32, #tpu.memory_space<hbm>>
    tpu.wait_indirect_dma semaphore(%arg10 : memref<!tpu.dma_semaphore, #tpu.memory_space<semaphore_mem>>) src(%dma_wait3A_1259 : memref<100000xf32, #tpu.memory_space<hbm>>) dst(%dma_wait3A_1252 : memref<128xf32, #tpu.memory_space<vmem>>)
    %dma_wait3A_1260 = arith.constant 384 : i32
    %dma_wait3A_1261 = tpu.memref_slice %arg6[%dma_wait3A_1260] : memref<2048xf32, #tpu.memory_space<vmem>> -> memref<128xf32, #tpu.memory_space<vmem>>
    %dma_wait3A_1262 = arith.constant 384 : i32
    %dma_wait3A_1263 = tpu.memref_slice %arg8[%dma_wait3A_1262] : memref<2048xi32, #tpu.memory_space<vmem>> -> memref<128xi32, #tpu.memory_space<vmem>>
    %dma_wait3A_1264 = arith.constant 0 : i32
    %dma_wait3A_1265 = tpu.memref_slice %arg2[%add3A_1088, %dma_wait3A_1264] : memref<128x100000xf32, #tpu.memory_space<hbm>> -> memref<1x100000xf32, #tpu.memory_space<hbm>>
    %dma_wait3A_1266 = tpu.memref_squeeze %dma_wait3A_1265 : memref<1x100000xf32, #tpu.memory_space<hbm>> -> memref<100000xf32, #tpu.memory_space<hbm>>
    %dma_wait3A_1267 = arith.constant 0 : i32
    %dma_wait3A_1268 = tpu.memref_slice %dma_wait3A_1266[%dma_wait3A_1267] : memref<100000xf32, #tpu.memory_space<hbm>> -> memref<100000xf32, #tpu.memory_space<hbm>>
    tpu.wait_indirect_dma semaphore(%arg10 : memref<!tpu.dma_semaphore, #tpu.memory_space<semaphore_mem>>) src(%dma_wait3A_1268 : memref<100000xf32, #tpu.memory_space<hbm>>) dst(%dma_wait3A_1261 : memref<128xf32, #tpu.memory_space<vmem>>)
    %dma_wait3A_1269 = arith.constant 512 : i32
    %dma_wait3A_1270 = tpu.memref_slice %arg6[%dma_wait3A_1269] : memref<2048xf32, #tpu.memory_space<vmem>> -> memref<128xf32, #tpu.memory_space<vmem>>
    %dma_wait3A_1271 = arith.constant 512 : i32
    %dma_wait3A_1272 = tpu.memref_slice %arg8[%dma_wait3A_1271] : memref<2048xi32, #tpu.memory_space<vmem>> -> memref<128xi32, #tpu.memory_space<vmem>>
    %dma_wait3A_1273 = arith.constant 0 : i32
    %dma_wait3A_1274 = tpu.memref_slice %arg2[%add3A_1088, %dma_wait3A_1273] : memref<128x100000xf32, #tpu.memory_space<hbm>> -> memref<1x100000xf32, #tpu.memory_space<hbm>>
    %dma_wait3A_1275 = tpu.memref_squeeze %dma_wait3A_1274 : memref<1x100000xf32, #tpu.memory_space<hbm>> -> memref<100000xf32, #tpu.memory_space<hbm>>
    %dma_wait3A_1276 = arith.constant 0 : i32
    %dma_wait3A_1277 = tpu.memref_slice %dma_wait3A_1275[%dma_wait3A_1276] : memref<100000xf32, #tpu.memory_space<hbm>> -> memref<100000xf32, #tpu.memory_space<hbm>>
    tpu.wait_indirect_dma semaphore(%arg10 : memref<!tpu.dma_semaphore, #tpu.memory_space<semaphore_mem>>) src(%dma_wait3A_1277 : memref<100000xf32, #tpu.memory_space<hbm>>) dst(%dma_wait3A_1270 : memref<128xf32, #tpu.memory_space<vmem>>)
    %dma_wait3A_1278 = arith.constant 640 : i32
    %dma_wait3A_1279 = tpu.memref_slice %arg6[%dma_wait3A_1278] : memref<2048xf32, #tpu.memory_space<vmem>> -> memref<128xf32, #tpu.memory_space<vmem>>
    %dma_wait3A_1280 = arith.constant 640 : i32
    %dma_wait3A_1281 = tpu.memref_slice %arg8[%dma_wait3A_1280] : memref<2048xi32, #tpu.memory_space<vmem>> -> memref<128xi32, #tpu.memory_space<vmem>>
    %dma_wait3A_1282 = arith.constant 0 : i32
    %dma_wait3A_1283 = tpu.memref_slice %arg2[%add3A_1088, %dma_wait3A_1282] : memref<128x100000xf32, #tpu.memory_space<hbm>> -> memref<1x100000xf32, #tpu.memory_space<hbm>>
    %dma_wait3A_1284 = tpu.memref_squeeze %dma_wait3A_1283 : memref<1x100000xf32, #tpu.memory_space<hbm>> -> memref<100000xf32, #tpu.memory_space<hbm>>
    %dma_wait3A_1285 = arith.constant 0 : i32
    %dma_wait3A_1286 = tpu.memref_slice %dma_wait3A_1284[%dma_wait3A_1285] : memref<100000xf32, #tpu.memory_space<hbm>> -> memref<100000xf32, #tpu.memory_space<hbm>>
    tpu.wait_indirect_dma semaphore(%arg10 : memref<!tpu.dma_semaphore, #tpu.memory_space<semaphore_mem>>) src(%dma_wait3A_1286 : memref<100000xf32, #tpu.memory_space<hbm>>) dst(%dma_wait3A_1279 : memref<128xf32, #tpu.memory_space<vmem>>)
    %dma_wait3A_1287 = arith.constant 768 : i32
    %dma_wait3A_1288 = tpu.memref_slice %arg6[%dma_wait3A_1287] : memref<2048xf32, #tpu.memory_space<vmem>> -> memref<128xf32, #tpu.memory_space<vmem>>
    %dma_wait3A_1289 = arith.constant 768 : i32
    %dma_wait3A_1290 = tpu.memref_slice %arg8[%dma_wait3A_1289] : memref<2048xi32, #tpu.memory_space<vmem>> -> memref<128xi32, #tpu.memory_space<vmem>>
    %dma_wait3A_1291 = arith.constant 0 : i32
    %dma_wait3A_1292 = tpu.memref_slice %arg2[%add3A_1088, %dma_wait3A_1291] : memref<128x100000xf32, #tpu.memory_space<hbm>> -> memref<1x100000xf32, #tpu.memory_space<hbm>>
    %dma_wait3A_1293 = tpu.memref_squeeze %dma_wait3A_1292 : memref<1x100000xf32, #tpu.memory_space<hbm>> -> memref<100000xf32, #tpu.memory_space<hbm>>
    %dma_wait3A_1294 = arith.constant 0 : i32
    %dma_wait3A_1295 = tpu.memref_slice %dma_wait3A_1293[%dma_wait3A_1294] : memref<100000xf32, #tpu.memory_space<hbm>> -> memref<100000xf32, #tpu.memory_space<hbm>>
    tpu.wait_indirect_dma semaphore(%arg10 : memref<!tpu.dma_semaphore, #tpu.memory_space<semaphore_mem>>) src(%dma_wait3A_1295 : memref<100000xf32, #tpu.memory_space<hbm>>) dst(%dma_wait3A_1288 : memref<128xf32, #tpu.memory_space<vmem>>)
    %dma_wait3A_1296 = arith.constant 896 : i32
    %dma_wait3A_1297 = tpu.memref_slice %arg6[%dma_wait3A_1296] : memref<2048xf32, #tpu.memory_space<vmem>> -> memref<128xf32, #tpu.memory_space<vmem>>
    %dma_wait3A_1298 = arith.constant 896 : i32
    %dma_wait3A_1299 = tpu.memref_slice %arg8[%dma_wait3A_1298] : memref<2048xi32, #tpu.memory_space<vmem>> -> memref<128xi32, #tpu.memory_space<vmem>>
    %dma_wait3A_1300 = arith.constant 0 : i32
    %dma_wait3A_1301 = tpu.memref_slice %arg2[%add3A_1088, %dma_wait3A_1300] : memref<128x100000xf32, #tpu.memory_space<hbm>> -> memref<1x100000xf32, #tpu.memory_space<hbm>>
    %dma_wait3A_1302 = tpu.memref_squeeze %dma_wait3A_1301 : memref<1x100000xf32, #tpu.memory_space<hbm>> -> memref<100000xf32, #tpu.memory_space<hbm>>
    %dma_wait3A_1303 = arith.constant 0 : i32
    %dma_wait3A_1304 = tpu.memref_slice %dma_wait3A_1302[%dma_wait3A_1303] : memref<100000xf32, #tpu.memory_space<hbm>> -> memref<100000xf32, #tpu.memory_space<hbm>>
    tpu.wait_indirect_dma semaphore(%arg10 : memref<!tpu.dma_semaphore, #tpu.memory_space<semaphore_mem>>) src(%dma_wait3A_1304 : memref<100000xf32, #tpu.memory_space<hbm>>) dst(%dma_wait3A_1297 : memref<128xf32, #tpu.memory_space<vmem>>)
    %dma_wait3A_1305 = arith.constant 1024 : i32
    %dma_wait3A_1306 = tpu.memref_slice %arg6[%dma_wait3A_1305] : memref<2048xf32, #tpu.memory_space<vmem>> -> memref<128xf32, #tpu.memory_space<vmem>>
    %dma_wait3A_1307 = arith.constant 1024 : i32
    %dma_wait3A_1308 = tpu.memref_slice %arg8[%dma_wait3A_1307] : memref<2048xi32, #tpu.memory_space<vmem>> -> memref<128xi32, #tpu.memory_space<vmem>>
    %dma_wait3A_1309 = arith.constant 0 : i32
    %dma_wait3A_1310 = tpu.memref_slice %arg2[%add3A_1088, %dma_wait3A_1309] : memref<128x100000xf32, #tpu.memory_space<hbm>> -> memref<1x100000xf32, #tpu.memory_space<hbm>>
    %dma_wait3A_1311 = tpu.memref_squeeze %dma_wait3A_1310 : memref<1x100000xf32, #tpu.memory_space<hbm>> -> memref<100000xf32, #tpu.memory_space<hbm>>
    %dma_wait3A_1312 = arith.constant 0 : i32
    %dma_wait3A_1313 = tpu.memref_slice %dma_wait3A_1311[%dma_wait3A_1312] : memref<100000xf32, #tpu.memory_space<hbm>> -> memref<100000xf32, #tpu.memory_space<hbm>>
    tpu.wait_indirect_dma semaphore(%arg10 : memref<!tpu.dma_semaphore, #tpu.memory_space<semaphore_mem>>) src(%dma_wait3A_1313 : memref<100000xf32, #tpu.memory_space<hbm>>) dst(%dma_wait3A_1306 : memref<128xf32, #tpu.memory_space<vmem>>)
    %dma_wait3A_1314 = arith.constant 1152 : i32
    %dma_wait3A_1315 = tpu.memref_slice %arg6[%dma_wait3A_1314] : memref<2048xf32, #tpu.memory_space<vmem>> -> memref<128xf32, #tpu.memory_space<vmem>>
    %dma_wait3A_1316 = arith.constant 1152 : i32
    %dma_wait3A_1317 = tpu.memref_slice %arg8[%dma_wait3A_1316] : memref<2048xi32, #tpu.memory_space<vmem>> -> memref<128xi32, #tpu.memory_space<vmem>>
    %dma_wait3A_1318 = arith.constant 0 : i32
    %dma_wait3A_1319 = tpu.memref_slice %arg2[%add3A_1088, %dma_wait3A_1318] : memref<128x100000xf32, #tpu.memory_space<hbm>> -> memref<1x100000xf32, #tpu.memory_space<hbm>>
    %dma_wait3A_1320 = tpu.memref_squeeze %dma_wait3A_1319 : memref<1x100000xf32, #tpu.memory_space<hbm>> -> memref<100000xf32, #tpu.memory_space<hbm>>
    %dma_wait3A_1321 = arith.constant 0 : i32
    %dma_wait3A_1322 = tpu.memref_slice %dma_wait3A_1320[%dma_wait3A_1321] : memref<100000xf32, #tpu.memory_space<hbm>> -> memref<100000xf32, #tpu.memory_space<hbm>>
    tpu.wait_indirect_dma semaphore(%arg10 : memref<!tpu.dma_semaphore, #tpu.memory_space<semaphore_mem>>) src(%dma_wait3A_1322 : memref<100000xf32, #tpu.memory_space<hbm>>) dst(%dma_wait3A_1315 : memref<128xf32, #tpu.memory_space<vmem>>)
    %dma_wait3A_1323 = arith.constant 1280 : i32
    %dma_wait3A_1324 = tpu.memref_slice %arg6[%dma_wait3A_1323] : memref<2048xf32, #tpu.memory_space<vmem>> -> memref<128xf32, #tpu.memory_space<vmem>>
    %dma_wait3A_1325 = arith.constant 1280 : i32
    %dma_wait3A_1326 = tpu.memref_slice %arg8[%dma_wait3A_1325] : memref<2048xi32, #tpu.memory_space<vmem>> -> memref<128xi32, #tpu.memory_space<vmem>>
    %dma_wait3A_1327 = arith.constant 0 : i32
    %dma_wait3A_1328 = tpu.memref_slice %arg2[%add3A_1088, %dma_wait3A_1327] : memref<128x100000xf32, #tpu.memory_space<hbm>> -> memref<1x100000xf32, #tpu.memory_space<hbm>>
    %dma_wait3A_1329 = tpu.memref_squeeze %dma_wait3A_1328 : memref<1x100000xf32, #tpu.memory_space<hbm>> -> memref<100000xf32, #tpu.memory_space<hbm>>
    %dma_wait3A_1330 = arith.constant 0 : i32
    %dma_wait3A_1331 = tpu.memref_slice %dma_wait3A_1329[%dma_wait3A_1330] : memref<100000xf32, #tpu.memory_space<hbm>> -> memref<100000xf32, #tpu.memory_space<hbm>>
    tpu.wait_indirect_dma semaphore(%arg10 : memref<!tpu.dma_semaphore, #tpu.memory_space<semaphore_mem>>) src(%dma_wait3A_1331 : memref<100000xf32, #tpu.memory_space<hbm>>) dst(%dma_wait3A_1324 : memref<128xf32, #tpu.memory_space<vmem>>)
    %dma_wait3A_1332 = arith.constant 1408 : i32
    %dma_wait3A_1333 = tpu.memref_slice %arg6[%dma_wait3A_1332] : memref<2048xf32, #tpu.memory_space<vmem>> -> memref<128xf32, #tpu.memory_space<vmem>>
    %dma_wait3A_1334 = arith.constant 1408 : i32
    %dma_wait3A_1335 = tpu.memref_slice %arg8[%dma_wait3A_1334] : memref<2048xi32, #tpu.memory_space<vmem>> -> memref<128xi32, #tpu.memory_space<vmem>>
    %dma_wait3A_1336 = arith.constant 0 : i32
    %dma_wait3A_1337 = tpu.memref_slice %arg2[%add3A_1088, %dma_wait3A_1336] : memref<128x100000xf32, #tpu.memory_space<hbm>> -> memref<1x100000xf32, #tpu.memory_space<hbm>>
    %dma_wait3A_1338 = tpu.memref_squeeze %dma_wait3A_1337 : memref<1x100000xf32, #tpu.memory_space<hbm>> -> memref<100000xf32, #tpu.memory_space<hbm>>
    %dma_wait3A_1339 = arith.constant 0 : i32
    %dma_wait3A_1340 = tpu.memref_slice %dma_wait3A_1338[%dma_wait3A_1339] : memref<100000xf32, #tpu.memory_space<hbm>> -> memref<100000xf32, #tpu.memory_space<hbm>>
    tpu.wait_indirect_dma semaphore(%arg10 : memref<!tpu.dma_semaphore, #tpu.memory_space<semaphore_mem>>) src(%dma_wait3A_1340 : memref<100000xf32, #tpu.memory_space<hbm>>) dst(%dma_wait3A_1333 : memref<128xf32, #tpu.memory_space<vmem>>)
    %dma_wait3A_1341 = arith.constant 1536 : i32
    %dma_wait3A_1342 = tpu.memref_slice %arg6[%dma_wait3A_1341] : memref<2048xf32, #tpu.memory_space<vmem>> -> memref<128xf32, #tpu.memory_space<vmem>>
    %dma_wait3A_1343 = arith.constant 1536 : i32
    %dma_wait3A_1344 = tpu.memref_slice %arg8[%dma_wait3A_1343] : memref<2048xi32, #tpu.memory_space<vmem>> -> memref<128xi32, #tpu.memory_space<vmem>>
    %dma_wait3A_1345 = arith.constant 0 : i32
    %dma_wait3A_1346 = tpu.memref_slice %arg2[%add3A_1088, %dma_wait3A_1345] : memref<128x100000xf32, #tpu.memory_space<hbm>> -> memref<1x100000xf32, #tpu.memory_space<hbm>>
    %dma_wait3A_1347 = tpu.memref_squeeze %dma_wait3A_1346 : memref<1x100000xf32, #tpu.memory_space<hbm>> -> memref<100000xf32, #tpu.memory_space<hbm>>
    %dma_wait3A_1348 = arith.constant 0 : i32
    %dma_wait3A_1349 = tpu.memref_slice %dma_wait3A_1347[%dma_wait3A_1348] : memref<100000xf32, #tpu.memory_space<hbm>> -> memref<100000xf32, #tpu.memory_space<hbm>>
    tpu.wait_indirect_dma semaphore(%arg10 : memref<!tpu.dma_semaphore, #tpu.memory_space<semaphore_mem>>) src(%dma_wait3A_1349 : memref<100000xf32, #tpu.memory_space<hbm>>) dst(%dma_wait3A_1342 : memref<128xf32, #tpu.memory_space<vmem>>)
    %dma_wait3A_1350 = arith.constant 1664 : i32
    %dma_wait3A_1351 = tpu.memref_slice %arg6[%dma_wait3A_1350] : memref<2048xf32, #tpu.memory_space<vmem>> -> memref<128xf32, #tpu.memory_space<vmem>>
    %dma_wait3A_1352 = arith.constant 1664 : i32
    %dma_wait3A_1353 = tpu.memref_slice %arg8[%dma_wait3A_1352] : memref<2048xi32, #tpu.memory_space<vmem>> -> memref<128xi32, #tpu.memory_space<vmem>>
    %dma_wait3A_1354 = arith.constant 0 : i32
    %dma_wait3A_1355 = tpu.memref_slice %arg2[%add3A_1088, %dma_wait3A_1354] : memref<128x100000xf32, #tpu.memory_space<hbm>> -> memref<1x100000xf32, #tpu.memory_space<hbm>>
    %dma_wait3A_1356 = tpu.memref_squeeze %dma_wait3A_1355 : memref<1x100000xf32, #tpu.memory_space<hbm>> -> memref<100000xf32, #tpu.memory_space<hbm>>
    %dma_wait3A_1357 = arith.constant 0 : i32
    %dma_wait3A_1358 = tpu.memref_slice %dma_wait3A_1356[%dma_wait3A_1357] : memref<100000xf32, #tpu.memory_space<hbm>> -> memref<100000xf32, #tpu.memory_space<hbm>>
    tpu.wait_indirect_dma semaphore(%arg10 : memref<!tpu.dma_semaphore, #tpu.memory_space<semaphore_mem>>) src(%dma_wait3A_1358 : memref<100000xf32, #tpu.memory_space<hbm>>) dst(%dma_wait3A_1351 : memref<128xf32, #tpu.memory_space<vmem>>)
    %dma_wait3A_1359 = arith.constant 1792 : i32
    %dma_wait3A_1360 = tpu.memref_slice %arg6[%dma_wait3A_1359] : memref<2048xf32, #tpu.memory_space<vmem>> -> memref<128xf32, #tpu.memory_space<vmem>>
    %dma_wait3A_1361 = arith.constant 1792 : i32
    %dma_wait3A_1362 = tpu.memref_slice %arg8[%dma_wait3A_1361] : memref<2048xi32, #tpu.memory_space<vmem>> -> memref<128xi32, #tpu.memory_space<vmem>>
    %dma_wait3A_1363 = arith.constant 0 : i32
    %dma_wait3A_1364 = tpu.memref_slice %arg2[%add3A_1088, %dma_wait3A_1363] : memref<128x100000xf32, #tpu.memory_space<hbm>> -> memref<1x100000xf32, #tpu.memory_space<hbm>>
    %dma_wait3A_1365 = tpu.memref_squeeze %dma_wait3A_1364 : memref<1x100000xf32, #tpu.memory_space<hbm>> -> memref<100000xf32, #tpu.memory_space<hbm>>
    %dma_wait3A_1366 = arith.constant 0 : i32
    %dma_wait3A_1367 = tpu.memref_slice %dma_wait3A_1365[%dma_wait3A_1366] : memref<100000xf32, #tpu.memory_space<hbm>> -> memref<100000xf32, #tpu.memory_space<hbm>>
    tpu.wait_indirect_dma semaphore(%arg10 : memref<!tpu.dma_semaphore, #tpu.memory_space<semaphore_mem>>) src(%dma_wait3A_1367 : memref<100000xf32, #tpu.memory_space<hbm>>) dst(%dma_wait3A_1360 : memref<128xf32, #tpu.memory_space<vmem>>)
    %dma_wait3A_1368 = arith.constant 1920 : i32
    %dma_wait3A_1369 = tpu.memref_slice %arg6[%dma_wait3A_1368] : memref<2048xf32, #tpu.memory_space<vmem>> -> memref<128xf32, #tpu.memory_space<vmem>>
    %dma_wait3A_1370 = arith.constant 1920 : i32
    %dma_wait3A_1371 = tpu.memref_slice %arg8[%dma_wait3A_1370] : memref<2048xi32, #tpu.memory_space<vmem>> -> memref<128xi32, #tpu.memory_space<vmem>>
    %dma_wait3A_1372 = arith.constant 0 : i32
    %dma_wait3A_1373 = tpu.memref_slice %arg2[%add3A_1088, %dma_wait3A_1372] : memref<128x100000xf32, #tpu.memory_space<hbm>> -> memref<1x100000xf32, #tpu.memory_space<hbm>>
    %dma_wait3A_1374 = tpu.memref_squeeze %dma_wait3A_1373 : memref<1x100000xf32, #tpu.memory_space<hbm>> -> memref<100000xf32, #tpu.memory_space<hbm>>
    %dma_wait3A_1375 = arith.constant 0 : i32
    %dma_wait3A_1376 = tpu.memref_slice %dma_wait3A_1374[%dma_wait3A_1375] : memref<100000xf32, #tpu.memory_space<hbm>> -> memref<100000xf32, #tpu.memory_space<hbm>>
    tpu.wait_indirect_dma semaphore(%arg10 : memref<!tpu.dma_semaphore, #tpu.memory_space<semaphore_mem>>) src(%dma_wait3A_1376 : memref<100000xf32, #tpu.memory_space<hbm>>) dst(%dma_wait3A_1369 : memref<128xf32, #tpu.memory_space<vmem>>)
    %scan3A_1377 = arith.constant 0 : i32
    %scan3A_1378 = arith.constant 128 : i32
    %scan3A_1379 = arith.addi %scan3A_1377, %scan3A_1378 : i32
    %scan3A_1380 = arith.constant 1 : i32
    %scan3A_1381:2 = scf.for %scan3A_1454 = %scan3A_1377 to %scan3A_1379 step %scan3A_1380 iter_args(%scan3A_1455 = %broadcast_in_dim3A_3, %scan3A_1456 = %broadcast_in_dim3A_5) -> (vector<16xf32>, vector<16xi32>)  : i32 {
      %mul3A_1457 = arith.constant 16 : i32
      %mul3A_1458 = arith.muli %scan3A_1454, %mul3A_1457 : i32
      %get3A = arith.index_cast %mul3A_1458 : i32 to index
      %get3A_1459 = tpu.vector_load %arg6[%get3A] {strides = array<i32>} : memref<2048xf32, #tpu.memory_space<vmem>>, vector<16xf32>,
      %get3A_1460 = vector.shape_cast %get3A_1459 : vector<16xf32> to vector<16xf32>
      %mul3A_1461 = arith.constant 16 : i32
      %mul3A_1462 = arith.muli %scan3A_1454, %mul3A_1461 : i32
      %get3A_1463 = arith.index_cast %mul3A_1462 : i32 to index
      %get3A_1464 = tpu.vector_load %arg7[%get3A_1463] {strides = array<i32>} : memref<2048xf32, #tpu.memory_space<vmem>>, vector<16xf32>,
      %get3A_1465 = vector.shape_cast %get3A_1464 : vector<16xf32> to vector<16xf32>
      %add3A_1466 = arith.addf %get3A_1460, %get3A_1465 : vector<16xf32>
      %mul3A_1467 = arith.constant 16 : i32
      %mul3A_1468 = arith.muli %scan3A_1454, %mul3A_1467 : i32
      %get3A_1469 = arith.index_cast %mul3A_1468 : i32 to index
      %get3A_1470 = tpu.vector_load %arg8[%get3A_1469] {strides = array<i32>} : memref<2048xi32, #tpu.memory_space<vmem>>, vector<16xi32>,
      %get3A_1471 = vector.shape_cast %get3A_1470 : vector<16xi32> to vector<16xi32>
      %gt3A_1472 = arith.cmpf ogt, %add3A_1466, %scan3A_1455 : vector<16xf32>
      %eq3A_1473 = arith.cmpf oeq, %add3A_1466, %scan3A_1455 : vector<16xf32>
      %lt3A_1474 = arith.cmpi slt, %get3A_1471, %scan3A_1456 : vector<16xi32>
      %and3A_1475 = arith.andi %eq3A_1473, %lt3A_1474 : vector<16xi1>
      %or3A_1476 = arith.ori %gt3A_1472, %and3A_1475 : vector<16xi1>
      %select_n3A_1477 = arith.select %or3A_1476, %add3A_1466, %scan3A_1455 : vector<16xi1>, vector<16xf32>
      %select_n3A_1478 = arith.select %or3A_1476, %get3A_1471, %scan3A_1456 : vector<16xi1>, vector<16xi32>
      scf.yield %select_n3A_1477, %select_n3A_1478 : vector<16xf32>, vector<16xi32>
    }
    %scan3A_1382 = arith.constant 128 : i32
    %xor3A_1383 = arith.constant 1 : i32
    %xor3A_1384 = vector.broadcast %xor3A_1383 : i32 to vector<16xi32>
    %xor3A_1385 = arith.xori %iota3A, %xor3A_1384 : vector<16xi32>
    %broadcast_in_dim3A_1386 = vector.shape_cast %xor3A_1385 : vector<16xi32> to vector<16x1xi32>
    %gather3A_1387 = vector.shape_cast %broadcast_in_dim3A_1386 : vector<16x1xi32> to vector<16xi32>
    %gather3A_1388 = tpu.dynamic_gather %scan3A_1381#0[%gather3A_1387] in [0] : vector<16xf32>, vector<16xi32> -> vector<16xf32>
    %broadcast_in_dim3A_1389 = vector.shape_cast %xor3A_1385 : vector<16xi32> to vector<16x1xi32>
    %gather3A_1390 = vector.shape_cast %broadcast_in_dim3A_1389 : vector<16x1xi32> to vector<16xi32>
    %gather3A_1391 = tpu.dynamic_gather %scan3A_1381#1[%gather3A_1390] in [0] : vector<16xi32>, vector<16xi32> -> vector<16xi32>
    %gt3A_1392 = arith.cmpf ogt, %gather3A_1388, %scan3A_1381#0 : vector<16xf32>
    %eq3A_1393 = arith.cmpf oeq, %gather3A_1388, %scan3A_1381#0 : vector<16xf32>
    %lt3A_1394 = arith.cmpi slt, %gather3A_1391, %scan3A_1381#1 : vector<16xi32>
    %and3A_1395 = arith.andi %eq3A_1393, %lt3A_1394 : vector<16xi1>
    %or3A_1396 = arith.ori %gt3A_1392, %and3A_1395 : vector<16xi1>
    %select_n3A_1397 = arith.select %or3A_1396, %gather3A_1388, %scan3A_1381#0 : vector<16xi1>, vector<16xf32>
    %select_n3A_1398 = arith.select %or3A_1396, %gather3A_1391, %scan3A_1381#1 : vector<16xi1>, vector<16xi32>
    %xor3A_1399 = arith.constant 2 : i32
    %xor3A_1400 = vector.broadcast %xor3A_1399 : i32 to vector<16xi32>
    %xor3A_1401 = arith.xori %iota3A, %xor3A_1400 : vector<16xi32>
    %broadcast_in_dim3A_1402 = vector.shape_cast %xor3A_1401 : vector<16xi32> to vector<16x1xi32>
    %gather3A_1403 = vector.shape_cast %broadcast_in_dim3A_1402 : vector<16x1xi32> to vector<16xi32>
    %gather3A_1404 = tpu.dynamic_gather %select_n3A_1397[%gather3A_1403] in [0] : vector<16xf32>, vector<16xi32> -> vector<16xf32>
    %broadcast_in_dim3A_1405 = vector.shape_cast %xor3A_1401 : vector<16xi32> to vector<16x1xi32>
    %gather3A_1406 = vector.shape_cast %broadcast_in_dim3A_1405 : vector<16x1xi32> to vector<16xi32>
    %gather3A_1407 = tpu.dynamic_gather %select_n3A_1398[%gather3A_1406] in [0] : vector<16xi32>, vector<16xi32> -> vector<16xi32>
    %gt3A_1408 = arith.cmpf ogt, %gather3A_1404, %select_n3A_1397 : vector<16xf32>
    %eq3A_1409 = arith.cmpf oeq, %gather3A_1404, %select_n3A_1397 : vector<16xf32>
    %lt3A_1410 = arith.cmpi slt, %gather3A_1407, %select_n3A_1398 : vector<16xi32>
    %and3A_1411 = arith.andi %eq3A_1409, %lt3A_1410 : vector<16xi1>
    %or3A_1412 = arith.ori %gt3A_1408, %and3A_1411 : vector<16xi1>
    %select_n3A_1413 = arith.select %or3A_1412, %gather3A_1404, %select_n3A_1397 : vector<16xi1>, vector<16xf32>
    %select_n3A_1414 = arith.select %or3A_1412, %gather3A_1407, %select_n3A_1398 : vector<16xi1>, vector<16xi32>
    %xor3A_1415 = arith.constant 4 : i32
    %xor3A_1416 = vector.broadcast %xor3A_1415 : i32 to vector<16xi32>
    %xor3A_1417 = arith.xori %iota3A, %xor3A_1416 : vector<16xi32>
    %broadcast_in_dim3A_1418 = vector.shape_cast %xor3A_1417 : vector<16xi32> to vector<16x1xi32>
    %gather3A_1419 = vector.shape_cast %broadcast_in_dim3A_1418 : vector<16x1xi32> to vector<16xi32>
    %gather3A_1420 = tpu.dynamic_gather %select_n3A_1413[%gather3A_1419] in [0] : vector<16xf32>, vector<16xi32> -> vector<16xf32>
    %broadcast_in_dim3A_1421 = vector.shape_cast %xor3A_1417 : vector<16xi32> to vector<16x1xi32>
    %gather3A_1422 = vector.shape_cast %broadcast_in_dim3A_1421 : vector<16x1xi32> to vector<16xi32>
    %gather3A_1423 = tpu.dynamic_gather %select_n3A_1414[%gather3A_1422] in [0] : vector<16xi32>, vector<16xi32> -> vector<16xi32>
    %gt3A_1424 = arith.cmpf ogt, %gather3A_1420, %select_n3A_1413 : vector<16xf32>
    %eq3A_1425 = arith.cmpf oeq, %gather3A_1420, %select_n3A_1413 : vector<16xf32>
    %lt3A_1426 = arith.cmpi slt, %gather3A_1423, %select_n3A_1414 : vector<16xi32>
    %and3A_1427 = arith.andi %eq3A_1425, %lt3A_1426 : vector<16xi1>
    %or3A_1428 = arith.ori %gt3A_1424, %and3A_1427 : vector<16xi1>
    %select_n3A_1429 = arith.select %or3A_1428, %gather3A_1420, %select_n3A_1413 : vector<16xi1>, vector<16xf32>
    %select_n3A_1430 = arith.select %or3A_1428, %gather3A_1423, %select_n3A_1414 : vector<16xi1>, vector<16xi32>
    %xor3A_1431 = arith.constant 8 : i32
    %xor3A_1432 = vector.broadcast %xor3A_1431 : i32 to vector<16xi32>
    %xor3A_1433 = arith.xori %iota3A, %xor3A_1432 : vector<16xi32>
    %broadcast_in_dim3A_1434 = vector.shape_cast %xor3A_1433 : vector<16xi32> to vector<16x1xi32>
    %gather3A_1435 = vector.shape_cast %broadcast_in_dim3A_1434 : vector<16x1xi32> to vector<16xi32>
    %gather3A_1436 = tpu.dynamic_gather %select_n3A_1429[%gather3A_1435] in [0] : vector<16xf32>, vector<16xi32> -> vector<16xf32>
    %broadcast_in_dim3A_1437 = vector.shape_cast %xor3A_1433 : vector<16xi32> to vector<16x1xi32>
    %gather3A_1438 = vector.shape_cast %broadcast_in_dim3A_1437 : vector<16x1xi32> to vector<16xi32>
    %gather3A_1439 = tpu.dynamic_gather %select_n3A_1430[%gather3A_1438] in [0] : vector<16xi32>, vector<16xi32> -> vector<16xi32>
    %gt3A_1440 = arith.cmpf ogt, %gather3A_1436, %select_n3A_1429 : vector<16xf32>
    %eq3A_1441 = arith.cmpf oeq, %gather3A_1436, %select_n3A_1429 : vector<16xf32>
    %lt3A_1442 = arith.cmpi slt, %gather3A_1439, %select_n3A_1430 : vector<16xi32>
    %and3A_1443 = arith.andi %eq3A_1441, %lt3A_1442 : vector<16xi1>
    %or3A_1444 = arith.ori %gt3A_1440, %and3A_1443 : vector<16xi1>
    %select_n3A_1445 = arith.select %or3A_1444, %gather3A_1436, %select_n3A_1429 : vector<16xi1>, vector<16xf32>
    %select_n3A_1446 = arith.select %or3A_1444, %gather3A_1439, %select_n3A_1430 : vector<16xi1>, vector<16xi32>
    %eq3A_1447 = arith.constant 3 : i32
    %eq3A_1448 = vector.broadcast %eq3A_1447 : i32 to vector<16xi32>
    %eq3A_1449 = arith.cmpi eq, %iota3A, %eq3A_1448 : vector<16xi32>
    %select_n3A_1450 = arith.select %eq3A_1449, %select_n3A_1446, %select_n3A_1086 : vector<16xi1>, vector<16xi32>
    %swap3A = arith.constant 0 : index
    %swap3A_1451 = tpu.vector_load %arg9[%swap3A] {strides = array<i32>} : memref<16xi32, #tpu.memory_space<vmem>>, vector<16xi32>,
    %swap3A_1452 = vector.shape_cast %swap3A_1451 : vector<16xi32> to vector<16xi32>
    %swap3A_1453 = vector.shape_cast %select_n3A_1450 : vector<16xi32> to vector<16xi32>
    tpu.vector_store %arg9[%swap3A], %swap3A_1453 {strides = array<i32>} : memref<16xi32, #tpu.memory_space<vmem>>, vector<16xi32>,
    "tpu.region"() ({
      %run_scoped3A = tpu.sem_alloc : memref<!tpu.dma_semaphore, #tpu.memory_space<semaphore_mem>>
      %dma_start3A_1454 = arith.constant 0 : i32
      %dma_start3A_1455 = tpu.memref_slice %arg5[%add3A, %dma_start3A_1454] : memref<32x16xi32, #tpu.memory_space<hbm>> -> memref<1x16xi32, #tpu.memory_space<hbm>>
      %dma_start3A_1456 = tpu.memref_squeeze %dma_start3A_1455 : memref<1x16xi32, #tpu.memory_space<hbm>> -> memref<16xi32, #tpu.memory_space<hbm>>
      %dma_start3A_1457 = arith.constant 0 : i32
      %dma_start3A_1458 = tpu.memref_slice %arg5[%add3A, %dma_start3A_1457] : memref<32x16xi32, #tpu.memory_space<hbm>> -> memref<1x16xi32, #tpu.memory_space<hbm>>
      %dma_start3A_1459 = tpu.memref_squeeze %dma_start3A_1458 : memref<1x16xi32, #tpu.memory_space<hbm>> -> memref<16xi32, #tpu.memory_space<hbm>>
      tpu.enqueue_dma source(%arg9 : memref<16xi32, #tpu.memory_space<vmem>>) target(%dma_start3A_1459 : memref<16xi32, #tpu.memory_space<hbm>>) target_semaphore(%run_scoped3A : memref<!tpu.dma_semaphore, #tpu.memory_space<semaphore_mem>>)
      %dma_wait3A_1460 = arith.constant 0 : i32
      %dma_wait3A_1461 = tpu.memref_slice %arg5[%add3A, %dma_wait3A_1460] : memref<32x16xi32, #tpu.memory_space<hbm>> -> memref<1x16xi32, #tpu.memory_space<hbm>>
      %dma_wait3A_1462 = tpu.memref_squeeze %dma_wait3A_1461 : memref<1x16xi32, #tpu.memory_space<hbm>> -> memref<16xi32, #tpu.memory_space<hbm>>
      %dma_wait3A_1463 = arith.constant 0 : i32
      %dma_wait3A_1464 = tpu.memref_slice %arg5[%add3A, %dma_wait3A_1463] : memref<32x16xi32, #tpu.memory_space<hbm>> -> memref<1x16xi32, #tpu.memory_space<hbm>>
      %dma_wait3A_1465 = tpu.memref_squeeze %dma_wait3A_1464 : memref<1x16xi32, #tpu.memory_space<hbm>> -> memref<16xi32, #tpu.memory_space<hbm>>
      tpu.wait_dma2 semaphore(%run_scoped3A : memref<!tpu.dma_semaphore, #tpu.memory_space<semaphore_mem>>) src(%arg9 : memref<16xi32, #tpu.memory_space<vmem>>) dst(%dma_wait3A_1465 : memref<16xi32, #tpu.memory_space<hbm>>)
      tpu.yield
    }) : () -> ()
    return
  }
}

module attributes {stable_mosaic.version = 14 : i64} {
  func.func @_mm_body(%arg0: i32, %arg1: memref<128x128xf32, #tpu.memory_space<vmem>>, %arg2: memref<128x4096xf32, #tpu.memory_space<vmem>>, %arg3: memref<1x4096xf32, #tpu.memory_space<vmem>>, %arg4: memref<128x4096xf32, #tpu.memory_space<vmem>>) attributes {dimension_semantics = [#tpu.dimension_semantics<arbitrary>], iteration_bounds = array<i64: 25>, scalar_prefetch = 0 : i64, scratch_operands = 0 : i64, tpu.core_type = #tpu.core_type<tc>, window_params = [{pipeline_mode = #tpu.pipeline_mode<synchronous>, transform_indices = @transform_0, window_bounds = array<i64: 128, 128>}, {transform_indices = @transform_1, window_bounds = array<i64: 128, 4096>}, {transform_indices = @transform_2, window_bounds = array<i64: 1, 4096>}, {transform_indices = @transform_3, window_bounds = array<i64: 128, 4096>}]} {
    %get3A = arith.constant 0 : index
    %get3A_0 = arith.constant 0 : index
    %get3A_1 = vector.load %arg1[%get3A, %get3A_0] : memref<128x128xf32, #tpu.memory_space<vmem>>, vector<128x128xf32>
    %get3A_2 = arith.constant 0 : index
    %get3A_3 = arith.constant 0 : index
    %get3A_4 = vector.load %arg2[%get3A_2, %get3A_3] : memref<128x4096xf32, #tpu.memory_space<vmem>>, vector<128x4096xf32>
    %dot_general3A = arith.constant dense<0.000000e+00> : vector<128x4096xf32>
    %dot_general3A_5 = tpu.matmul %get3A_1, %get3A_4, %dot_general3A {dimension_numbers = #tpu.dot_dimension_numbers<[1], [0], [0], [1], [0, 0, 1, 1], [], []>, transpose_lhs_hint = false} : vector<128x128xf32>, vector<128x4096xf32>, vector<128x4096xf32> -> vector<128x4096xf32>
    %get3A_6 = arith.constant 0 : index
    %get3A_7 = arith.constant 0 : index
    %get3A_8 = vector.load %arg3[%get3A_6, %get3A_7] : memref<1x4096xf32, #tpu.memory_space<vmem>>, vector<1x4096xf32>
    %add3A = vector.broadcast %get3A_8 : vector<1x4096xf32> to vector<128x4096xf32>
    %add3A_9 = arith.addf %dot_general3A_5, %add3A : vector<128x4096xf32>
    %swap3A = arith.constant 0 : index
    %swap3A_10 = arith.constant 0 : index
    %swap3A_11 = vector.load %arg4[%swap3A, %swap3A_10] : memref<128x4096xf32, #tpu.memory_space<vmem>>, vector<128x4096xf32>
    tpu.vector_store %arg4[%swap3A, %swap3A_10], %add3A_9 {strides = array<i32>} : memref<128x4096xf32, #tpu.memory_space<vmem>>, vector<128x4096xf32>,
    return
  }
  func.func @transform_0(%arg0: i32) -> (i32, i32) {
    %c0_i32 = arith.constant 0 : i32
    %c0_i32_0 = arith.constant 0 : i32
    %c0_i32_1 = arith.constant 0 : i32
    return %c0_i32, %c0_i32_0 : i32, i32
  }
  func.func @transform_1(%arg0: i32) -> (i32, i32) {
    %c0_i32 = arith.constant 0 : i32
    %c0_i32_0 = arith.constant 0 : i32
    return %c0_i32, %arg0 : i32, i32
  }
  func.func @transform_2(%arg0: i32) -> (i32, i32) {
    %c0_i32 = arith.constant 0 : i32
    %c0_i32_0 = arith.constant 0 : i32
    return %c0_i32, %arg0 : i32, i32
  }
  func.func @transform_3(%arg0: i32) -> (i32, i32) {
    %c0_i32 = arith.constant 0 : i32
    %c0_i32_0 = arith.constant 0 : i32
    return %c0_i32, %arg0 : i32, i32
  }
}

</mosaic_0001>

<sc_bundles>
// kernel: kernel.4.cloned.1.call-start
scs
__scs_entry_jumppad:
0x0: {  	(pc) =	sbr.rel $0x88, $3  }
0x1: {  	(tag) =	ssettag $0x0;
	lr =	simm.s32 $0x1  }
0x2: {  	[smem:$0x3F9E] =	sst lr;
	_ =	strace $0xD0000000  }
0x3: {  	_ = 	snop  }
0x4: {  	_ = 	snop  }
0x5: {  	_ = 	snop  }
0x6: {  	_ = 	snop  }
0x7: {  	_ = 	snop  }
__scs_overlays_trampoline_lowered:
0x8: {  	[smem:$0x3FAD] =	sst s0  }
0x9: {  	[smem:$0x3FAE] =	sst s1  }
0xa: {  	[smem:$0x3FAF] =	sst s2  }
0xb: {  	[smem:$0x3FB0] =	sst s3  }
0xc: {  	[smem:$0x3FB1] =	sst s4  }
0xd: {  	[smem:$0x3FB2] =	sst s5  }
0xe: {  	[smem:$0x3FB3] =	sst s6  }
0xf: {  	[smem:$0x3FB4] =	sst s7  }
0x10: {  	[smem:$0x3FB5] =	sst s8  }
0x11: {  	[smem:$0x3FB6] =	sst s9;
	s0 =	simm.s32 @!p0 $0x0  }
0x12: {  	s1 =	sld [smem:$0x3F9C];
	s0 =	simm.s32 @p0 $0x1  }
0x13: {  	[smem:$0x3FB7] =	sst s0;
	s0 =	simm.s32 @!p1 $0x0  }
0x14: {  	s2 =	sld [smem:$0x3F9B];
	s0 =	simm.s32 @p1 $0x1  }
0x15: {  	[smem:$0x3FB8] =	sst s0;
	s0 =	simm.s32 @!p2 $0x0  }
0x16: {  	s3 =	sld [smem:$0x3FDB];
	s0 =	simm.s32 @p2 $0x1  }
0x17: {  	s4 =	simm.s32 $0x1BF5;
	[smem:$0x3FBA] =	sst s0  }
0x18: {  	s0 =	sld [smem:$0x3F9D];
	_ =	swait.ge [sflag:s4], $0x0  }
0x19: {  	s7 =	sld [smem:$0x3F9E]  }
0x1a: {  	s8 =	sadd.s32 $0xFFFFE003, lr  }
0x1b: {  	s9 =	sadd.s32 $0xFFFFFEF7, lr;
	s5 =	simm.s32 $0xFFFFFFFF;
	p2 =	slt.u32 s8, $0xFFFFF086  }
0x1c: {  	p1 =	slt.u32 s9, $0xF7A;
	s5 =	simm.s32 @!p2 $0x0  }
0x1d: {  	s5 =	simm.s32 @p1 $0x1;
	p0 =	seq.s32 s7, s2  }
0x1e: {  	s7 =	smul.u32 @!p0 $0xF7A, s2;
	p2 =	seq.s32 @!p0 s5, $0x0  }
0x1f: {  	s9 =	smul.u32 $0xF7A, s1;
	s8 =	simm.s32 @!p0 $0x1BF5;
	p2 =	por !p2, p0  }
0x20: {  	[sflag:s8] =	ssyncset.s32 @!p0 $0xFFFFF086;
	s6 =	sadd.s32 @!p0 s3, s7;
	s7 =	simm.s32 @!p0 $0x108  }
0x21: {  	s3 =	sadd.s32 s3, s9;
	s6 =	sadd.s32 @!p0 $0x88, s6;
	s7 =	simm.s32 @p2 $0x1082  }
0x22: {  	[simem:s7], [sflag:s8] =	dma.local @!p0 [hbm:s6], $0xF7A  }
0x23: {  	s9 =	sor.u32 $0xD0000000, s2;
	s6 =	simm.s32 $0x108;
	_ =	swait.ge @!p0 [sflag:s8], $0x0  }
0x24: {  	s3 =	sadd.s32 $0x88, s3;
	s6 =	simm.s32 @!p1 $0x1082;
	[sflag:s4] =	ssyncset.s32 $0xFFFFF086  }
0x25: {  	[simem:s6], [sflag:s4] =	dma.local [hbm:s3], $0xF7A  }
0x26: {  	[smem:$0x3F9E] =	sst s1;
	(tag) =	ssettag s2;
	_ =	strace s9  }
0x27: {  	s1 =	sld [smem:$0x3FAE]  }
0x28: {  	s2 =	sld [smem:$0x3FAF]  }
0x29: {  	s4 =	sld [smem:$0x3FB1]  }
0x2a: {  	p0 =	seq.s32 s5, $0x0;
	s5 =	sld [smem:$0x3FB2]  }
0x2b: {  	s6 =	sld [smem:$0x3FB3]  }
0x2c: {  	s7 =	sld [smem:$0x3FB4]  }
0x2d: {  	s3 =	simm.s32 $0x108;
	s8 =	sld [smem:$0x3FB5]  }
0x2e: {  	s3 =	simm.s32 @!p0 $0x1082;
	s9 =	sld [smem:$0x3FB6]  }
0x2f: {  	lr =	sadd.s32 s0, s3;
	s0 =	sld [smem:$0x3FAD]  }
0x30: {  	s3 =	sld [smem:$0x3FB0]  }
0x31: {  	[smem:$0x3FB9] =	sst s10  }
0x32: {  	s10 =	sld [smem:$0x3FB7];
	_ =	sdelay $0x3  }
0x33: {  	p0 =	seq.s32 s10, $0x1;
	s10 =	sld [smem:$0x3FB9];
	_ =	sdelay $0x3  }
0x34: {  	[smem:$0x3FB9] =	sst s10  }
0x35: {  	s10 =	sld [smem:$0x3FB8];
	_ =	sdelay $0x3  }
0x36: {  	p1 =	seq.s32 s10, $0x1;
	s10 =	sld [smem:$0x3FB9];
	_ =	sdelay $0x3  }
0x37: {  	[smem:$0x3FB9] =	sst s10  }
0x38: {  	s10 =	sld [smem:$0x3FBA]  }
0x39: {  	_ = 	snop;
	(pc) =	sbr.ind lr, $3  }
0x3a: {  	_ = 	snop  }
0x3b: {  	_ = 	snop  }
0x3c: {  	p2 =	seq.s32 s10, $0x1;
	s10 =	sld [smem:$0x3FB9]  }
0x3d: {  	_ =	shalt  }
0x3e: {  	_ =	shalt  }
0x3f: {  	_ =	shalt  }
0x40: {  	_ =	shalt  }
0x41: {  	_ =	shalt  }
0x42: {  	_ =	shalt  }
0x43: {  	_ =	shalt  }
0x44: {  	_ =	shalt  }
0x45: {  	_ =	shalt  }
0x46: {  	_ =	shalt  }
0x47: {  	_ =	shalt  }
0x48: {  	_ =	shalt  }
0x49: {  	_ =	shalt  }
0x4a: {  	_ =	shalt  }
0x4b: {  	_ =	shalt  }
0x4c: {  	_ =	shalt  }
0x4d: {  	_ =	shalt  }
0x4e: {  	_ =	shalt  }
0x4f: {  	_ =	shalt  }
0x50: {  	_ =	shalt  }
0x51: {  	_ =	shalt  }
0x52: {  	_ =	shalt  }
0x53: {  	_ =	shalt  }
0x54: {  	_ =	shalt  }
0x55: {  	_ =	shalt  }
0x56: {  	_ =	shalt  }
0x57: {  	_ =	shalt  }
0x58: {  	_ =	shalt  }
0x59: {  	_ =	shalt  }
0x5a: {  	_ =	shalt  }
0x5b: {  	_ =	shalt  }
0x5c: {  	_ =	shalt  }
0x5d: {  	_ =	shalt  }
0x5e: {  	_ =	shalt  }
0x5f: {  	_ =	shalt  }
0x60: {  	_ =	shalt  }
0x61: {  	_ =	shalt  }
0x62: {  	_ =	shalt  }
0x63: {  	_ =	shalt  }
0x64: {  	_ =	shalt  }
0x65: {  	_ =	shalt  }
0x66: {  	_ =	shalt  }
0x67: {  	_ =	shalt  }
0x68: {  	_ =	shalt  }
0x69: {  	_ =	shalt  }
0x6a: {  	_ =	shalt  }
0x6b: {  	_ =	shalt  }
0x6c: {  	_ =	shalt  }
0x6d: {  	_ =	shalt  }
0x6e: {  	_ =	shalt  }
0x6f: {  	_ =	shalt  }
0x70: {  	_ =	shalt  }
0x71: {  	_ =	shalt  }
0x72: {  	_ =	shalt  }
0x73: {  	_ =	shalt  }
0x74: {  	_ =	shalt  }
0x75: {  	_ =	shalt  }
0x76: {  	_ =	shalt  }
0x77: {  	_ =	shalt  }
0x78: {  	_ =	shalt  }
0x79: {  	_ =	shalt  }
0x7a: {  	_ =	shalt  }
0x7b: {  	_ =	shalt  }
0x7c: {  	_ =	shalt  }
0x7d: {  	_ =	shalt  }
0x7e: {  	_ =	shalt  }
0x7f: {  	_ =	shalt  }
0x80: {  	_ =	shalt  }
0x81: {  	_ =	shalt  }
0x82: {  	_ =	shalt  }
0x83: {  	_ =	shalt  }
0x84: {  	_ =	shalt  }
0x85: {  	_ =	shalt  }
0x86: {  	_ =	shalt  }
0x87: {  	_ =	shalt  }
.Lfunc_end0:
.L_simem_size_0:
called_computation.1_lowered:
.L_overlay_start_0:
0x88: {  	s2 =	sld [smem:$0x3FD9]  }
0x89: {  	s3 =	sld [smem:$0x3FFE];
	_ =	sdelay $0x1  }
0x8a: {  	s1 =	srdreg.scid  }
0x8b: {  	s0 =	sand.u32 $0x1, s1  }
0x8c: {  	s16 =	sshll.u32 s0, $0xA;
	s2 =	sadd.s32 s3, s2  }
0x8d: {  	s2 =	sadd.s32 s2, s16  }
0x8e: {  	[smem:$0x3FC5] =	sst s2  }
0x8f: {  	_ = 	snop  }
0x90: {  	(tm) =	ssettm $0x1  }
0x91: {  	s17 =	sld [smem:$0x3FFB];
	_ =	sdelay $0x3  }
0x92: {  	_ =	strace s17  }
0x93: {  	s2 =	sld [smem:$0x3FFC];
	_ =	sdelay $0x3  }
0x94: {  	_ =	strace s2  }
0x95: {  	s2 =	sld [smem:$0x3FFD];
	_ =	sdelay $0x3  }
0x96: {  	_ =	strace s2  }
0x97: {  	_ =	strace $0x8FFFFFFF  }
0x98: {  	s18 =	sld [smem:$0x3FDB];
	_ =	sdelay $0x1  }
0x99: {  	s19 =	simm.s32 $_scs_section_size  }
0x9a: {  	s4 =	simm.s32 $_size__tile_overlayer_lowered;
	s5 =	simm.s32 $_tile_overlayer_lowered  }
0x9b: {  	s22 =	simm.s32 $0x1BFF;
	s21 =	sshll.u32 s5, $0x1;
	s2 =	sadd.s32 s19, s18  }
0x9c: {  	s6 =	simm.s32 $0x0;
	s20 =	sshll.u32 s4, $0x1;
	s4 =	sadd.s32 s21, s2  }
0x9d: {  	[timem:s6], [sflag:s22] =	dma.local [hbm:s4], s20  }
0x9e: {  	_ =	swait.ge [sflag:s22], s20  }
0x9f: {  	s3 =	ssub.s32 $0x0, s20;
	[sflag:s22] =	ssyncset.done $0x0  }
0xa0: {  	[sflag:s22] =	ssyncadd.s32 s3;
	_ =	sdelay $0x1  }
0xa1: {  	s23 =	simm.s32 $0x1B8B  }
0xa2: {  	_ =	swait.ge [sflag:s23], $0x1  }
0xa3: {  	[sflag:s23] =	ssyncset.done $0x0  }
0xa4: {  	s25 =	simm.s32 $0x1B8E;
	s24 =	sld [smem:$0x3FFE];
	[sflag:s23] =	ssyncadd.s32 $0xFFFFFFFF  }
0xa5: {  	s26 =	simm.s32 $execute0_lowered;
	[smem:$0x3FD2] =	sst s25  }
0xa6: {  	s4 =	sshll.u32 s26, $0x1;
	_ =	strace $0x80000049;
	[dreg:$0x1] =	wrdreg $0xFFFFFFFF  }
0xa7: {  	s28 =	simm.s32 $_size_execute0_lowered;
	s2 =	sadd.s32 s2, s4;
	[dreg:$0x0] =	wrdreg $0x0  }
0xa8: {  	s4 =	sshll.u32 s28, $0x1;
	[dreg:$0x2] =	wrdreg s2  }
0xa9: {  	[dreg:$0x3] =	wrdreg s4  }
0xaa: {  	[dreg:$0x4] =	wrdreg $0xC0  }
0xab: {  	_ =	task [dreg:s6], $0x5FFFF  }
0xac: {  	[dreg:$0x1] =	wrdreg $0xFFFFFFFF  }
0xad: {  	[dreg:$0x0] =	wrdreg $0x60  }
0xae: {  	[dreg:$0x2] =	wrdreg s24  }
0xaf: {  	[dreg:$0x3] =	wrdreg $0x9  }
0xb0: {  	_ =	task.clear_ibuf [dreg:s6], $0x4FFFF;
	_ =	strace $0x90000049  }
0xb1: {  	s29 =	simm.s32 $0x9;
	_ =	strace $0x8000004B  }
0xb2: {  	_ =	swait.ge [sflag:s29], $0x1  }
0xb3: {  	[sflag:s29] =	ssyncadd.s32 $0xFFFFFFFF  }
0xb4: {  	_ =	strace $0x9000004B  }
0xb5: {  	_ =	sfence  }
0xb6: {  	s30 =	sld [smem:$0x0];
	_ =	sdelay $0x2  }
0xb7: {  	s31 =	sshll.u32 s1, $0xD;
	s1 =	sshrl.u32 s1, $0x2  }
0xb8: {  	s3 =	sand.u32 $0x4000, s31;
	s1 =	sadd.s32 s1, s30  }
0xb9: {  	s0 =	sor.u32 s3, s0;
	s1 =	sshll.u32 s1, $0x11  }
0xba: {  	s0 =	sor.u32 s1, s0  }
0xbb: {  	s0 =	sadd.s32 $0x8F2B, s0  }
0xbc: {  	[sflag:s0] =	ssyncadd.remote.s32 $0x1  }
0xbd: {  	_ =	sfence.sel $0xFFFF  }
0xbe: {  	[dreg:$0x0] =	wrdreg $0xFFFFFFFF;
	(pc) =	sbr.abs _section_cstart, $3  }
0xbf: {  	[dreg:$0x1] =	wrdreg $0xFFFFFFFF  }
0xc0: {  	_ =	task.clear_ibuf [dreg:s6], $0x2FFFF;
	_ =	strace $0x9FFFFFFF  }
0xc1: {  	(tm) =	ssettm $0x7FFFFFFF  }
tec
execute0_lowered:
.L_overlay_start_1:
0x0: {  	(tag) =	ssettag $0x1  }
0x1: {  	s0 =	rddreg [dreg:$0x0];
	s29 =	simm.s32 $0x0  }
0x2: {  	s1 =	srdreg.scid;
	s2 =	stileid.u32;
	s18 =	simm.s32 $0x2  }
0x3: {  	s12 =	simm.s32 $0x500;
	s13 =	simm.s32 $0x1580;
	s15 =	simm.s32 $0x580  }
0x4: {  	s16 =	simm.s32 $0x1600;
	s17 =	simm.s32 $0x1680;
	s28 =	simm.s32 $0x0  }
0x5: {  	[smem:$0x7FF] =	sst s29;
	s1 =	sand.u32 $0x1, s1;
	s3 =	sadd.s32 $0x30DA00, s0  }
0x6: {  	s2 =	sshll.u32 s2, $0x1;
	s4 =	sadd.s32 $0x18EA00, s0;
	s6 =	sadd.s32 $0x186A00, s0  }
0x7: {  	_ =	strace $0x8000004A;
	s2 =	sor.u32 s1, s2;
	s1 =	ssub.s32 $0x2, s1  }
0x8: {  	s5 =	sshll.u32 s2, $0x1;
	s19 =	sshrl.u32 s1, $0x1;
	s7 =	sshll.u32 s2, $0x2  }
0x9: {  	s20 =	sshll.u32 s2, $0xA;
	s21 =	smul.u32 $0xC350, s2;
	s2 =	sshllo.u32 s2, $0x2  }
0xa: {  	s0 =	sadd.s32 s5, s0;
	s1 =	ssub.s32 s1, s19;
	s8 =	sadd.s32 s4, s20  }
0xb: {  	s9 =	sor.u32 $0x1, s7;
	s5 =	sadd.s32 s6, s20;
	s7 =	sor.u32 $0x2, s7  }
0xc: {  	s26 =	sshll.u32 s2, $0x8;
	s2 =	smul.u32 $0x30D4, s2;
	[dreg:$0x2] =	wrdreg s8  }
0xd: {  	v0 =	vimm.s32 $0xEFCDAB89;
	s19 =	simm.s32 $0x1000;
	s20 =	simm.s32 $0x80;
	[dreg:$0x3] =	wrdreg s5  }
0xe: {  	v1 =	vimm.s32 $0x67452301;
	v2 =	vimm.s32 $0xDCFE98BA;
	s10 =	sshll.u32 s9, $0x8;
	s9 =	smul.u32 $0x30D4, s9;
	s5 =	sadd.s32 s3, s21  }
0xf: {  	v3 =	vimm.s32 $0x54761032;
	v4 =	vimm.s32 $0xBA98FEDC;
	s24 =	sshll.u32 s7, $0x8;
	s7 =	smul.u32 $0x30D4, s7;
	s30 =	sadd.s32 s6, s26  }
0x10: {  	v5 =	vimm.s32 $0x32107654;
	s0 =	sadd.s32 $0x494400, s0;
	s31 =	smax.u32 s1, $0x1;
	s1 =	simm.s32 $0x1380  }
0x11: {  	v6 =	vimm.s32 $0xFEDCBA98;
	v7 =	vimm.s32 $0x76543210;
	vm0 =	vmmov $0x1;
	s21 =	simm.s32 $0x680;
	s22 =	sadd.s32 s4, s10;
	[dreg:$0x9] =	wrdreg s30  }
0x12: {  	vm1 =	vcmask $0x310;
	v0 =	vunpack.c.l.s4.s8 v0;
	v1 =	vunpack.c.l.s4.s8 v1;
	s23 =	sadd.s32 s6, s10;
	s25 =	sadd.s32 s4, s24;
	[dreg:$0xa] =	wrdreg s0  }
0x13: {  	v2 =	vunpack.c.l.s4.s8 v2;
	v3 =	vunpack.c.l.s4.s8 v3;
	v4 =	vunpack.c.l.s4.s8 v4;
	s4 =	sadd.s32 s4, s26;
	s14 =	sadd.s32 s3, s2;
	[dreg:$0xb] =	wrdreg s31  }
0x14: {  	v5 =	vunpack.c.l.s4.s8 v5;
	v6 =	vunpack.c.l.s4.s8 v6;
	v0 =	vunpack.c.0.s8.s32 v0;
	s0 =	simm.s32 $0x300;
	s10 =	simm.s32 $0x1500;
	[dreg:$0x4] =	wrdreg s22  }
0x15: {  	v1 =	vunpack.c.0.s8.s32 v1;
	v2 =	vunpack.c.0.s8.s32 v2;
	v3 =	vunpack.c.0.s8.s32 v3;
	s2 =	simm.s32 $0x600;
	s26 =	simm.s32 $0x1;
	[dreg:$0x5] =	wrdreg s23  }
0x16: {  	v7 =	vunpack.c.l.s4.s8 v7;
	v4 =	vunpack.c.0.s8.s32 v4;
	v5 =	vunpack.c.0.s8.s32 v5;
	s8 =	sadd.s32 s3, s9;
	[dreg:$0x6] =	wrdreg s25;
	s9 =	sadd.s32 s6, s24  }
0x17: {  	v0 =	vcombine.low v1, v0;
	v1 =	vcombine.low v3, v2;
	v2 =	vunpack.c.0.s8.s32 v6;
	s11 =	sadd.s32 s3, s7;
	[dreg:$0x8] =	wrdreg s4;
	s3 =	simm.s32 $0x380  }
0x18: {  	vm2 =	vcmask $0x710;
	v3 =	vcombine.low v5, v4;
	v4 =	vunpack.c.0.s8.s32 v7;
	s4 =	simm.s32 $0x1400;
	s6 =	simm.s32 $0x400;
	s7 =	simm.s32 $0x1480  }
0x19: {  	vm3 =	vcmask $0xB10;
	v0 =	vand.u32 $0xF, v0;
	v5 =	vand.u32 $0xF, v2;
	s22 =	simm.s32 $0x1700;
	s23 =	simm.s32 $0x700;
	s24 =	simm.s32 $0x1780  }
0x1a: {  	v1 =	vand.u32 $0xF, v1;
	v2 =	vand.u32 $0xF, v3;
	s25 =	simm.s32 $0x780;
	[dreg:$0x7] =	wrdreg s9;
	s9 =	simm.s32 $0x480;
	v3 =	vcombine.low v5, v4  }
.LBB2_1:
0x1b: {  	s30 =	rddreg [dreg:$0x2];
	s31 =	simm.s32 $0x800  }
0x1c: {  	[tilespmem:s31], [sflag:$0x2] =	stream.linear.gather [hbm4b:s30+s29], $0x800, $0x38;
	[tilespmem:$0x1810] =	vst v63  }
0x1d: {  	_ =	swait.ge [sflag:s18], $0x800  }
0x1e: {  	[sflag:s18] =	ssyncset.done $0x0  }
0x1f: {  	s31 =	rddreg [dreg:$0x3];
	[sflag:s18] =	ssyncadd.s32 $0xFFFFF800  }
0x20: {  	[tilespmem:s19], [sflag:$0x2] =	stream.linear.gather [hbm4b:s31+s29], $0x800, $0x38;
	[tilespmem:$0x1810] =	vst v63  }
0x21: {  	_ =	swait.ge [sflag:s18], $0x800  }
0x22: {  	[sflag:s18] =	ssyncset.done $0x0  }
0x23: {  	[sflag:s18] =	ssyncadd.s32 $0xFFFFF800  }
0x24: {  	[tilespmem:s29], [sflag:$0x1] =	stream.indirect.gather [hbm4b:s5+s20], $0x1, s19, s20, $0xb8;
	[tilespmem:$0x1810] =	vst v63  }
0x25: {  	s29 =	simm.s32 $0x1080  }
0x26: {  	[tilespmem:s20], [sflag:$0x1] =	stream.indirect.gather [hbm4b:s5+s20], $0x1, s29, s20, $0xb8;
	[tilespmem:$0x1810] =	vst v63  }
0x27: {  	s31 =	simm.s32 $0x100;
	s29 =	simm.s32 $0x1100  }
0x28: {  	[tilespmem:s31], [sflag:$0x1] =	stream.indirect.gather [hbm4b:s5+s20], $0x1, s29, s20, $0xb8;
	[tilespmem:$0x1810] =	vst v63  }
0x29: {  	s29 =	simm.s32 $0x1180;
	s31 =	simm.s32 $0x180  }
0x2a: {  	[tilespmem:s31], [sflag:$0x1] =	stream.indirect.gather [hbm4b:s5+s20], $0x1, s29, s20, $0xb8;
	[tilespmem:$0x1810] =	vst v63  }
0x2b: {  	s29 =	simm.s32 $0x1200;
	s31 =	simm.s32 $0x200  }
0x2c: {  	[tilespmem:s31], [sflag:$0x1] =	stream.indirect.gather [hbm4b:s5+s20], $0x1, s29, s20, $0xb8;
	[tilespmem:$0x1810] =	vst v63  }
0x2d: {  	s29 =	simm.s32 $0x1280;
	s31 =	simm.s32 $0x280  }
0x2e: {  	[tilespmem:s31], [sflag:$0x1] =	stream.indirect.gather [hbm4b:s5+s20], $0x1, s29, s20, $0xb8;
	[tilespmem:$0x1810] =	vst v63  }
0x2f: {  	s29 =	simm.s32 $0x1300  }
0x30: {  	[tilespmem:s0], [sflag:$0x1] =	stream.indirect.gather [hbm4b:s5+s20], $0x1, s29, s20, $0xb8;
	[tilespmem:$0x1810] =	vst v63  }
0x31: {  	_ = 	snop  }
0x32: {  	[tilespmem:s3], [sflag:$0x1] =	stream.indirect.gather [hbm4b:s5+s20], $0x1, s1, s20, $0xb8;
	[tilespmem:$0x1810] =	vst v63  }
0x33: {  	_ = 	snop  }
0x34: {  	[tilespmem:s6], [sflag:$0x1] =	stream.indirect.gather [hbm4b:s5+s20], $0x1, s4, s20, $0xb8;
	[tilespmem:$0x1810] =	vst v63  }
0x35: {  	_ = 	snop  }
0x36: {  	[tilespmem:s9], [sflag:$0x1] =	stream.indirect.gather [hbm4b:s5+s20], $0x1, s7, s20, $0xb8;
	[tilespmem:$0x1810] =	vst v63  }
0x37: {  	_ = 	snop  }
0x38: {  	[tilespmem:s12], [sflag:$0x1] =	stream.indirect.gather [hbm4b:s5+s20], $0x1, s10, s20, $0xb8;
	[tilespmem:$0x1810] =	vst v63  }
0x39: {  	_ = 	snop  }
0x3a: {  	[tilespmem:s15], [sflag:$0x1] =	stream.indirect.gather [hbm4b:s5+s20], $0x1, s13, s20, $0xb8;
	[tilespmem:$0x1810] =	vst v63  }
0x3b: {  	_ = 	snop  }
0x3c: {  	[tilespmem:s2], [sflag:$0x1] =	stream.indirect.gather [hbm4b:s5+s20], $0x1, s16, s20, $0xb8;
	[tilespmem:$0x1810] =	vst v63  }
0x3d: {  	_ = 	snop  }
0x3e: {  	[tilespmem:s21], [sflag:$0x1] =	stream.indirect.gather [hbm4b:s5+s20], $0x1, s17, s20, $0xb8;
	[tilespmem:$0x1810] =	vst v63  }
0x3f: {  	_ = 	snop  }
0x40: {  	[tilespmem:s23], [sflag:$0x1] =	stream.indirect.gather [hbm4b:s5+s20], $0x1, s22, s20, $0xb8;
	[tilespmem:$0x1810] =	vst v63  }
0x41: {  	_ = 	snop  }
0x42: {  	[tilespmem:s25], [sflag:$0x1] =	stream.indirect.gather [hbm4b:s5+s20], $0x1, s24, s20, $0xb8;
	[tilespmem:$0x1810] =	vst v63  }
0x43: {  	_ =	swait.ge [sflag:s26], $0x80  }
0x44: {  	[sflag:s26] =	ssyncset.done $0x0  }
0x45: {  	[sflag:s26] =	ssyncadd.s32 $0xFFFFFF80  }
0x46: {  	_ =	swait.ge [sflag:s26], $0x80  }
0x47: {  	[sflag:s26] =	ssyncset.done $0x0  }
0x48: {  	[sflag:s26] =	ssyncadd.s32 $0xFFFFFF80  }
0x49: {  	_ =	swait.ge [sflag:s26], $0x80  }
0x4a: {  	[sflag:s26] =	ssyncset.done $0x0  }
0x4b: {  	[sflag:s26] =	ssyncadd.s32 $0xFFFFFF80  }
0x4c: {  	_ =	swait.ge [sflag:s26], $0x80  }
0x4d: {  	[sflag:s26] =	ssyncset.done $0x0  }
0x4e: {  	[sflag:s26] =	ssyncadd.s32 $0xFFFFFF80  }
0x4f: {  	_ =	swait.ge [sflag:s26], $0x80  }
0x50: {  	[sflag:s26] =	ssyncset.done $0x0  }
0x51: {  	[sflag:s26] =	ssyncadd.s32 $0xFFFFFF80  }
0x52: {  	_ =	swait.ge [sflag:s26], $0x80  }
0x53: {  	[sflag:s26] =	ssyncset.done $0x0  }
0x54: {  	[sflag:s26] =	ssyncadd.s32 $0xFFFFFF80  }
0x55: {  	_ =	swait.ge [sflag:s26], $0x80  }
0x56: {  	[sflag:s26] =	ssyncset.done $0x0  }
0x57: {  	[sflag:s26] =	ssyncadd.s32 $0xFFFFFF80  }
0x58: {  	_ =	swait.ge [sflag:s26], $0x80  }
0x59: {  	[sflag:s26] =	ssyncset.done $0x0  }
0x5a: {  	[sflag:s26] =	ssyncadd.s32 $0xFFFFFF80  }
0x5b: {  	_ =	swait.ge [sflag:s26], $0x80  }
0x5c: {  	[sflag:s26] =	ssyncset.done $0x0  }
0x5d: {  	[sflag:s26] =	ssyncadd.s32 $0xFFFFFF80  }
0x5e: {  	_ =	swait.ge [sflag:s26], $0x80  }
0x5f: {  	[sflag:s26] =	ssyncset.done $0x0  }
0x60: {  	[sflag:s26] =	ssyncadd.s32 $0xFFFFFF80  }
0x61: {  	_ =	swait.ge [sflag:s26], $0x80  }
0x62: {  	[sflag:s26] =	ssyncset.done $0x0  }
0x63: {  	[sflag:s26] =	ssyncadd.s32 $0xFFFFFF80  }
0x64: {  	_ =	swait.ge [sflag:s26], $0x80  }
0x65: {  	[sflag:s26] =	ssyncset.done $0x0  }
0x66: {  	[sflag:s26] =	ssyncadd.s32 $0xFFFFFF80  }
0x67: {  	_ =	swait.ge [sflag:s26], $0x80  }
0x68: {  	[sflag:s26] =	ssyncset.done $0x0  }
0x69: {  	[sflag:s26] =	ssyncadd.s32 $0xFFFFFF80  }
0x6a: {  	_ =	swait.ge [sflag:s26], $0x80  }
0x6b: {  	[sflag:s26] =	ssyncset.done $0x0  }
0x6c: {  	[sflag:s26] =	ssyncadd.s32 $0xFFFFFF80  }
0x6d: {  	_ =	swait.ge [sflag:s26], $0x80  }
0x6e: {  	[sflag:s26] =	ssyncset.done $0x0  }
0x6f: {  	[sflag:s26] =	ssyncadd.s32 $0xFFFFFF80  }
0x70: {  	_ =	swait.ge [sflag:s26], $0x80  }
0x71: {  	[sflag:s26] =	ssyncset.done $0x0  }
0x72: {  	s29 =	simm.s32 $0x0;
	[sflag:s26] =	ssyncadd.s32 $0xFFFFFF80  }
0x73: {  	v4 =	vld [tilespmem:s29+$0x0]  }
0x74: {  	v5 =	vld [tilespmem:s29+$0x800];
	_ =	sdelay $0x1  }
0x75: {  	v9 =	vld [tilespmem:s29+$0x1000];
	_ =	sdelay $0x1  }
0x76: {  	s29 =	simm.s32 $0x10  }
0x77: {  	v8 =	vld [tilespmem:s29+$0x0];
	v7 =	vadd.f32 v5, v4  }
0x78: {  	v6 =	vimm.s32 $0x0;
	v10 =	vld [tilespmem:s29+$0x800];
	v5 =	vimm.f32 $-Inf  }
0x79: {  	vm5 =	vlt.s32 v9, v6;
	vm4 =	veq.f32 v7, v5  }
0x7a: {  	v4 =	vld [tilespmem:s29+$0x1000];
	vm6 =	vgt.f32 v7, v5;
	vm4 =	vmand vm4, vm5  }
0x7b: {  	s29 =	simm.s32 $0x80;
	vm4 =	vmor vm6, vm4  }
.LBB2_2:
0x7c: {  	s30 =	sshra.s32 s29, $0x2;
	v5 =	vsel vm4, v7, v5;
	v6 =	vsel vm4, v9, v6;
	p0 =	sne.s32 s29, $0x1FC0  }
.Ltmp0:
0x7d: {  	s29 =	sadd.s32 $0x40, s29;
	v7 =	vadd.f32 v10, v8;
	v8 =	vld [tilespmem:s30+$0x0];
	(pc) =	sbr.rel @p0 .LBB2_2-.Ltmp0, $4  }
0x7e: {  	v10 =	vld [tilespmem:s30+$0x800]  }
0x7f: {  	vm4 =	veq.f32 v7, v5;
	vm5 =	vlt.s32 v4, v6;
	v9 =	vmov v4  }
0x80: {  	vm6 =	vgt.f32 v7, v5;
	v4 =	vld [tilespmem:s30+$0x1000];
	vm4 =	vmand vm4, vm5  }
0x81: {  	vm4 =	vmor vm6, vm4  }
0x82: {  	s29 =	simm.s32 $0x0;
	s30 =	rddreg [dreg:$0x4];
	s31 =	simm.s32 $0x800  }
0x83: {  	[tilespmem:s31], [sflag:$0x2] =	stream.linear.gather [hbm4b:s30+s29], $0x800, $0x38;
	[tilespmem:$0x1810] =	vst v63  }
0x84: {  	_ =	swait.ge [sflag:s18], $0x800  }
0x85: {  	[sflag:s18] =	ssyncset.done $0x0  }
0x86: {  	s31 =	rddreg [dreg:$0x5];
	[sflag:s18] =	ssyncadd.s32 $0xFFFFF800  }
0x87: {  	[tilespmem:s19], [sflag:$0x2] =	stream.linear.gather [hbm4b:s31+s29], $0x800, $0x38;
	[tilespmem:$0x1810] =	vst v63  }
0x88: {  	_ =	swait.ge [sflag:s18], $0x800  }
0x89: {  	[sflag:s18] =	ssyncset.done $0x0  }
0x8a: {  	[sflag:s18] =	ssyncadd.s32 $0xFFFFF800  }
0x8b: {  	[tilespmem:s29], [sflag:$0x1] =	stream.indirect.gather [hbm4b:s8+s20], $0x1, s19, s20, $0xb8;
	[tilespmem:$0x1810] =	vst v63  }
0x8c: {  	s29 =	simm.s32 $0x1080  }
0x8d: {  	[tilespmem:s20], [sflag:$0x1] =	stream.indirect.gather [hbm4b:s8+s20], $0x1, s29, s20, $0xb8;
	[tilespmem:$0x1810] =	vst v63  }
0x8e: {  	s31 =	simm.s32 $0x100;
	s29 =	simm.s32 $0x1100  }
0x8f: {  	[tilespmem:s31], [sflag:$0x1] =	stream.indirect.gather [hbm4b:s8+s20], $0x1, s29, s20, $0xb8;
	[tilespmem:$0x1810] =	vst v63  }
0x90: {  	s29 =	simm.s32 $0x1180;
	s31 =	simm.s32 $0x180  }
0x91: {  	[tilespmem:s31], [sflag:$0x1] =	stream.indirect.gather [hbm4b:s8+s20], $0x1, s29, s20, $0xb8;
	[tilespmem:$0x1810] =	vst v63  }
0x92: {  	s29 =	simm.s32 $0x1200;
	s31 =	simm.s32 $0x200  }
0x93: {  	[tilespmem:s31], [sflag:$0x1] =	stream.indirect.gather [hbm4b:s8+s20], $0x1, s29, s20, $0xb8;
	[tilespmem:$0x1810] =	vst v63  }
0x94: {  	s29 =	simm.s32 $0x1280;
	s31 =	simm.s32 $0x280  }
0x95: {  	[tilespmem:s31], [sflag:$0x1] =	stream.indirect.gather [hbm4b:s8+s20], $0x1, s29, s20, $0xb8;
	[tilespmem:$0x1810] =	vst v63  }
0x96: {  	s29 =	simm.s32 $0x1300  }
0x97: {  	[tilespmem:s0], [sflag:$0x1] =	stream.indirect.gather [hbm4b:s8+s20], $0x1, s29, s20, $0xb8;
	[tilespmem:$0x1810] =	vst v63  }
0x98: {  	_ = 	snop  }
0x99: {  	[tilespmem:s3], [sflag:$0x1] =	stream.indirect.gather [hbm4b:s8+s20], $0x1, s1, s20, $0xb8;
	[tilespmem:$0x1810] =	vst v63  }
0x9a: {  	_ = 	snop  }
0x9b: {  	[tilespmem:s6], [sflag:$0x1] =	stream.indirect.gather [hbm4b:s8+s20], $0x1, s4, s20, $0xb8;
	[tilespmem:$0x1810] =	vst v63  }
0x9c: {  	_ = 	snop  }
0x9d: {  	[tilespmem:s9], [sflag:$0x1] =	stream.indirect.gather [hbm4b:s8+s20], $0x1, s7, s20, $0xb8;
	[tilespmem:$0x1810] =	vst v63  }
0x9e: {  	_ = 	snop  }
0x9f: {  	[tilespmem:s12], [sflag:$0x1] =	stream.indirect.gather [hbm4b:s8+s20], $0x1, s10, s20, $0xb8;
	[tilespmem:$0x1810] =	vst v63  }
0xa0: {  	_ = 	snop  }
0xa1: {  	[tilespmem:s15], [sflag:$0x1] =	stream.indirect.gather [hbm4b:s8+s20], $0x1, s13, s20, $0xb8;
	[tilespmem:$0x1810] =	vst v63  }
0xa2: {  	_ = 	snop  }
0xa3: {  	[tilespmem:s2], [sflag:$0x1] =	stream.indirect.gather [hbm4b:s8+s20], $0x1, s16, s20, $0xb8;
	[tilespmem:$0x1810] =	vst v63  }
0xa4: {  	_ = 	snop  }
0xa5: {  	[tilespmem:s21], [sflag:$0x1] =	stream.indirect.gather [hbm4b:s8+s20], $0x1, s17, s20, $0xb8;
	[tilespmem:$0x1810] =	vst v63  }
0xa6: {  	_ = 	snop  }
0xa7: {  	[tilespmem:s23], [sflag:$0x1] =	stream.indirect.gather [hbm4b:s8+s20], $0x1, s22, s20, $0xb8;
	[tilespmem:$0x1810] =	vst v63  }
0xa8: {  	_ = 	snop  }
0xa9: {  	[tilespmem:s25], [sflag:$0x1] =	stream.indirect.gather [hbm4b:s8+s20], $0x1, s24, s20, $0xb8;
	[tilespmem:$0x1810] =	vst v63  }
0xaa: {  	_ =	swait.ge [sflag:s26], $0x80  }
0xab: {  	[sflag:s26] =	ssyncset.done $0x0  }
0xac: {  	[sflag:s26] =	ssyncadd.s32 $0xFFFFFF80  }
0xad: {  	_ =	swait.ge [sflag:s26], $0x80  }
0xae: {  	[sflag:s26] =	ssyncset.done $0x0  }
0xaf: {  	[sflag:s26] =	ssyncadd.s32 $0xFFFFFF80  }
0xb0: {  	_ =	swait.ge [sflag:s26], $0x80  }
0xb1: {  	[sflag:s26] =	ssyncset.done $0x0  }
0xb2: {  	[sflag:s26] =	ssyncadd.s32 $0xFFFFFF80  }
0xb3: {  	_ =	swait.ge [sflag:s26], $0x80  }
0xb4: {  	[sflag:s26] =	ssyncset.done $0x0  }
0xb5: {  	[sflag:s26] =	ssyncadd.s32 $0xFFFFFF80  }
0xb6: {  	_ =	swait.ge [sflag:s26], $0x80  }
0xb7: {  	[sflag:s26] =	ssyncset.done $0x0  }
0xb8: {  	[sflag:s26] =	ssyncadd.s32 $0xFFFFFF80  }
0xb9: {  	_ =	swait.ge [sflag:s26], $0x80  }
0xba: {  	[sflag:s26] =	ssyncset.done $0x0  }
0xbb: {  	[sflag:s26] =	ssyncadd.s32 $0xFFFFFF80  }
0xbc: {  	_ =	swait.ge [sflag:s26], $0x80  }
0xbd: {  	[sflag:s26] =	ssyncset.done $0x0  }
0xbe: {  	[sflag:s26] =	ssyncadd.s32 $0xFFFFFF80  }
0xbf: {  	_ =	swait.ge [sflag:s26], $0x80  }
0xc0: {  	[sflag:s26] =	ssyncset.done $0x0  }
0xc1: {  	[sflag:s26] =	ssyncadd.s32 $0xFFFFFF80  }
0xc2: {  	_ =	swait.ge [sflag:s26], $0x80  }
0xc3: {  	[sflag:s26] =	ssyncset.done $0x0  }
0xc4: {  	[sflag:s26] =	ssyncadd.s32 $0xFFFFFF80  }
0xc5: {  	_ =	swait.ge [sflag:s26], $0x80  }
0xc6: {  	[sflag:s26] =	ssyncset.done $0x0  }
0xc7: {  	[sflag:s26] =	ssyncadd.s32 $0xFFFFFF80  }
0xc8: {  	_ =	swait.ge [sflag:s26], $0x80  }
0xc9: {  	[sflag:s26] =	ssyncset.done $0x0  }
0xca: {  	[sflag:s26] =	ssyncadd.s32 $0xFFFFFF80  }
0xcb: {  	v8 =	vadd.f32 v10, v8;
	_ =	swait.ge [sflag:s26], $0x80  }
0xcc: {  	v5 =	vsel vm4, v7, v5;
	v6 =	vsel vm4, v9, v6;
	[sflag:s26] =	ssyncset.done $0x0  }
0xcd: {  	vm4 =	veq.f32 v8, v5;
	vm5 =	vlt.s32 v4, v6;
	[sflag:s26] =	ssyncadd.s32 $0xFFFFFF80  }
0xce: {  	vm6 =	vgt.f32 v8, v5;
	vm4 =	vmand vm4, vm5;
	_ =	swait.ge [sflag:s26], $0x80  }
0xcf: {  	vm4 =	vmor vm6, vm4;
	[sflag:s26] =	ssyncset.done $0x0  }
0xd0: {  	v5 =	vsel vm4, v8, v5;
	v4 =	vsel vm4, v4, v6;
	[sflag:s26] =	ssyncadd.s32 $0xFFFFFF80  }
0xd1: {  	v6 =	vperm.xlane v5, v0;
	v7 =	vperm.xlane v4, v0;
	_ =	swait.ge [sflag:s26], $0x80  }
0xd2: {  	[sflag:s26] =	ssyncset.done $0x0  }
0xd3: {  	vm4 =	veq.f32 v6, v5;
	vm5 =	vlt.s32 v7, v4;
	[sflag:s26] =	ssyncadd.s32 $0xFFFFFF80  }
0xd4: {  	vm6 =	vgt.f32 v6, v5;
	vm4 =	vmand vm4, vm5;
	_ =	swait.ge [sflag:s26], $0x80  }
0xd5: {  	vm4 =	vmor vm6, vm4;
	[sflag:s26] =	ssyncset.done $0x0  }
0xd6: {  	v5 =	vsel vm4, v6, v5;
	v4 =	vsel vm4, v7, v4;
	[sflag:s26] =	ssyncadd.s32 $0xFFFFFF80  }
0xd7: {  	v6 =	vperm.xlane v5, v1;
	v7 =	vperm.xlane v4, v1;
	_ =	swait.ge [sflag:s26], $0x80  }
0xd8: {  	[sflag:s26] =	ssyncset.done $0x0  }
0xd9: {  	vm4 =	veq.f32 v6, v5;
	vm5 =	vlt.s32 v7, v4;
	s29 =	simm.s32 $0x0;
	[sflag:s26] =	ssyncadd.s32 $0xFFFFFF80  }
0xda: {  	vm6 =	vgt.f32 v6, v5;
	vm4 =	vmand vm4, vm5;
	v8 =	vld [tilespmem:s29+$0x0]  }
0xdb: {  	vm4 =	vmor vm6, vm4;
	v9 =	vld [tilespmem:s29+$0x800]  }
0xdc: {  	v5 =	vsel vm4, v6, v5;
	v4 =	vsel vm4, v7, v4  }
0xdd: {  	v6 =	vperm.xlane v5, v2;
	v7 =	vperm.xlane v4, v2;
	v10 =	vld [tilespmem:s29+$0x1000];
	_ =	sdelay $0x1  }
0xde: {  	vm4 =	veq.f32 v6, v5;
	vm5 =	vlt.s32 v7, v4;
	s29 =	simm.s32 $0x10  }
0xdf: {  	vm6 =	vgt.f32 v6, v5;
	vm4 =	vmand vm4, vm5;
	v13 =	vld [tilespmem:s29+$0x0];
	v11 =	vadd.f32 v9, v8  }
0xe0: {  	vm4 =	vmor vm6, vm4;
	v14 =	vld [tilespmem:s29+$0x800];
	v8 =	vimm.f32 $-Inf;
	v9 =	vimm.s32 $0x0  }
0xe1: {  	v6 =	vsel vm4, v6, v5;
	vm6 =	vlt.s32 v10, v9;
	vm5 =	veq.f32 v11, v8  }
0xe2: {  	v4 =	vsel vm4, v7, v4;
	v12 =	vld [tilespmem:s29+$0x1000];
	vm4 =	vgt.f32 v11, v8;
	vm5 =	vmand vm5, vm6  }
0xe3: {  	v7 =	vperm.xlane v6, v3;
	v5 =	vperm.xlane v4, v3;
	s29 =	simm.s32 $0x80;
	vm4 =	vmor vm4, vm5  }
.LBB2_4:
0xe4: {  	s30 =	sshra.s32 s29, $0x2;
	v8 =	vsel vm4, v11, v8;
	v9 =	vsel vm4, v10, v9;
	p0 =	sne.s32 s29, $0x1FC0  }
.Ltmp1:
0xe5: {  	s29 =	sadd.s32 $0x40, s29;
	v11 =	vadd.f32 v14, v13;
	v13 =	vld [tilespmem:s30+$0x0];
	(pc) =	sbr.rel @p0 .LBB2_4-.Ltmp1, $4  }
0xe6: {  	v14 =	vld [tilespmem:s30+$0x800]  }
0xe7: {  	vm4 =	veq.f32 v11, v8;
	vm5 =	vlt.s32 v12, v9;
	v10 =	vmov v12  }
0xe8: {  	vm6 =	vgt.f32 v11, v8;
	v12 =	vld [tilespmem:s30+$0x1000];
	vm4 =	vmand vm4, vm5  }
0xe9: {  	vm4 =	vmor vm6, vm4  }
0xea: {  	s29 =	simm.s32 $0x0;
	s30 =	rddreg [dreg:$0x6];
	s31 =	simm.s32 $0x800  }
0xeb: {  	[tilespmem:s31], [sflag:$0x2] =	stream.linear.gather [hbm4b:s30+s29], $0x800, $0x38;
	[tilespmem:$0x1810] =	vst v63  }
0xec: {  	_ =	swait.ge [sflag:s18], $0x800  }
0xed: {  	[sflag:s18] =	ssyncset.done $0x0  }
0xee: {  	s31 =	rddreg [dreg:$0x7];
	[sflag:s18] =	ssyncadd.s32 $0xFFFFF800  }
0xef: {  	[tilespmem:s19], [sflag:$0x2] =	stream.linear.gather [hbm4b:s31+s29], $0x800, $0x38;
	[tilespmem:$0x1810] =	vst v63  }
0xf0: {  	_ =	swait.ge [sflag:s18], $0x800  }
0xf1: {  	[sflag:s18] =	ssyncset.done $0x0  }
0xf2: {  	[sflag:s18] =	ssyncadd.s32 $0xFFFFF800  }
0xf3: {  	[tilespmem:s29], [sflag:$0x1] =	stream.indirect.gather [hbm4b:s11+s20], $0x1, s19, s20, $0xb8;
	[tilespmem:$0x1810] =	vst v63  }
0xf4: {  	s29 =	simm.s32 $0x1080  }
0xf5: {  	[tilespmem:s20], [sflag:$0x1] =	stream.indirect.gather [hbm4b:s11+s20], $0x1, s29, s20, $0xb8;
	[tilespmem:$0x1810] =	vst v63  }
0xf6: {  	s31 =	simm.s32 $0x100;
	s29 =	simm.s32 $0x1100  }
0xf7: {  	[tilespmem:s31], [sflag:$0x1] =	stream.indirect.gather [hbm4b:s11+s20], $0x1, s29, s20, $0xb8;
	[tilespmem:$0x1810] =	vst v63  }
0xf8: {  	s29 =	simm.s32 $0x1180;
	s31 =	simm.s32 $0x180  }
0xf9: {  	[tilespmem:s31], [sflag:$0x1] =	stream.indirect.gather [hbm4b:s11+s20], $0x1, s29, s20, $0xb8;
	[tilespmem:$0x1810] =	vst v63  }
0xfa: {  	s29 =	simm.s32 $0x1200;
	s31 =	simm.s32 $0x200  }
0xfb: {  	[tilespmem:s31], [sflag:$0x1] =	stream.indirect.gather [hbm4b:s11+s20], $0x1, s29, s20, $0xb8;
	[tilespmem:$0x1810] =	vst v63  }
0xfc: {  	s29 =	simm.s32 $0x1280;
	s31 =	simm.s32 $0x280  }
0xfd: {  	[tilespmem:s31], [sflag:$0x1] =	stream.indirect.gather [hbm4b:s11+s20], $0x1, s29, s20, $0xb8;
	[tilespmem:$0x1810] =	vst v63  }
0xfe: {  	s29 =	simm.s32 $0x1300  }
0xff: {  	[tilespmem:s0], [sflag:$0x1] =	stream.indirect.gather [hbm4b:s11+s20], $0x1, s29, s20, $0xb8;
	[tilespmem:$0x1810] =	vst v63  }
0x100: {  	_ = 	snop  }
0x101: {  	[tilespmem:s3], [sflag:$0x1] =	stream.indirect.gather [hbm4b:s11+s20], $0x1, s1, s20, $0xb8;
	[tilespmem:$0x1810] =	vst v63  }
0x102: {  	_ = 	snop  }
0x103: {  	[tilespmem:s6], [sflag:$0x1] =	stream.indirect.gather [hbm4b:s11+s20], $0x1, s4, s20, $0xb8;
	[tilespmem:$0x1810] =	vst v63  }
0x104: {  	_ = 	snop  }
0x105: {  	[tilespmem:s9], [sflag:$0x1] =	stream.indirect.gather [hbm4b:s11+s20], $0x1, s7, s20, $0xb8;
	[tilespmem:$0x1810] =	vst v63  }
0x106: {  	_ = 	snop  }
0x107: {  	[tilespmem:s12], [sflag:$0x1] =	stream.indirect.gather [hbm4b:s11+s20], $0x1, s10, s20, $0xb8;
	[tilespmem:$0x1810] =	vst v63  }
0x108: {  	_ = 	snop  }
0x109: {  	[tilespmem:s15], [sflag:$0x1] =	stream.indirect.gather [hbm4b:s11+s20], $0x1, s13, s20, $0xb8;
	[tilespmem:$0x1810] =	vst v63  }
0x10a: {  	_ = 	snop  }
0x10b: {  	[tilespmem:s2], [sflag:$0x1] =	stream.indirect.gather [hbm4b:s11+s20], $0x1, s16, s20, $0xb8;
	[tilespmem:$0x1810] =	vst v63  }
0x10c: {  	_ = 	snop  }
0x10d: {  	[tilespmem:s21], [sflag:$0x1] =	stream.indirect.gather [hbm4b:s11+s20], $0x1, s17, s20, $0xb8;
	[tilespmem:$0x1810] =	vst v63  }
0x10e: {  	_ = 	snop  }
0x10f: {  	[tilespmem:s23], [sflag:$0x1] =	stream.indirect.gather [hbm4b:s11+s20], $0x1, s22, s20, $0xb8;
	[tilespmem:$0x1810] =	vst v63  }
0x110: {  	_ = 	snop  }
0x111: {  	[tilespmem:s25], [sflag:$0x1] =	stream.indirect.gather [hbm4b:s11+s20], $0x1, s24, s20, $0xb8;
	[tilespmem:$0x1810] =	vst v63  }
0x112: {  	_ =	swait.ge [sflag:s26], $0x80  }
0x113: {  	[sflag:s26] =	ssyncset.done $0x0  }
0x114: {  	[sflag:s26] =	ssyncadd.s32 $0xFFFFFF80  }
0x115: {  	_ =	swait.ge [sflag:s26], $0x80  }
0x116: {  	[sflag:s26] =	ssyncset.done $0x0  }
0x117: {  	[sflag:s26] =	ssyncadd.s32 $0xFFFFFF80  }
0x118: {  	_ =	swait.ge [sflag:s26], $0x80  }
0x119: {  	[sflag:s26] =	ssyncset.done $0x0  }
0x11a: {  	[sflag:s26] =	ssyncadd.s32 $0xFFFFFF80  }
0x11b: {  	_ =	swait.ge [sflag:s26], $0x80  }
0x11c: {  	[sflag:s26] =	ssyncset.done $0x0  }
0x11d: {  	[sflag:s26] =	ssyncadd.s32 $0xFFFFFF80  }
0x11e: {  	_ =	swait.ge [sflag:s26], $0x80  }
0x11f: {  	[sflag:s26] =	ssyncset.done $0x0  }
0x120: {  	[sflag:s26] =	ssyncadd.s32 $0xFFFFFF80  }
0x121: {  	_ =	swait.ge [sflag:s26], $0x80  }
0x122: {  	[sflag:s26] =	ssyncset.done $0x0  }
0x123: {  	[sflag:s26] =	ssyncadd.s32 $0xFFFFFF80  }
0x124: {  	_ =	swait.ge [sflag:s26], $0x80  }
0x125: {  	[sflag:s26] =	ssyncset.done $0x0  }
0x126: {  	[sflag:s26] =	ssyncadd.s32 $0xFFFFFF80  }
0x127: {  	_ =	swait.ge [sflag:s26], $0x80  }
0x128: {  	[sflag:s26] =	ssyncset.done $0x0  }
0x129: {  	[sflag:s26] =	ssyncadd.s32 $0xFFFFFF80  }
0x12a: {  	_ =	swait.ge [sflag:s26], $0x80  }
0x12b: {  	[sflag:s26] =	ssyncset.done $0x0  }
0x12c: {  	[sflag:s26] =	ssyncadd.s32 $0xFFFFFF80  }
0x12d: {  	_ =	swait.ge [sflag:s26], $0x80  }
0x12e: {  	[sflag:s26] =	ssyncset.done $0x0  }
0x12f: {  	[sflag:s26] =	ssyncadd.s32 $0xFFFFFF80  }
0x130: {  	_ =	swait.ge [sflag:s26], $0x80  }
0x131: {  	[sflag:s26] =	ssyncset.done $0x0  }
0x132: {  	[sflag:s26] =	ssyncadd.s32 $0xFFFFFF80  }
0x133: {  	v13 =	vadd.f32 v14, v13;
	_ =	swait.ge [sflag:s26], $0x80  }
0x134: {  	v8 =	vsel vm4, v11, v8;
	v9 =	vsel vm4, v10, v9;
	[sflag:s26] =	ssyncset.done $0x0  }
0x135: {  	vm4 =	veq.f32 v13, v8;
	vm5 =	vlt.s32 v12, v9;
	[sflag:s26] =	ssyncadd.s32 $0xFFFFFF80  }
0x136: {  	vm6 =	vgt.f32 v13, v8;
	vm4 =	vmand vm4, vm5;
	_ =	swait.ge [sflag:s26], $0x80  }
0x137: {  	vm4 =	vmor vm6, vm4;
	[sflag:s26] =	ssyncset.done $0x0  }
0x138: {  	v8 =	vsel vm4, v13, v8;
	v9 =	vsel vm4, v12, v9;
	[sflag:s26] =	ssyncadd.s32 $0xFFFFFF80  }
0x139: {  	v10 =	vperm.xlane v8, v0;
	v11 =	vperm.xlane v9, v0;
	_ =	swait.ge [sflag:s26], $0x80  }
0x13a: {  	[sflag:s26] =	ssyncset.done $0x0  }
0x13b: {  	vm4 =	veq.f32 v10, v8;
	vm5 =	vlt.s32 v11, v9;
	[sflag:s26] =	ssyncadd.s32 $0xFFFFFF80  }
0x13c: {  	vm6 =	vgt.f32 v10, v8;
	vm4 =	vmand vm4, vm5;
	_ =	swait.ge [sflag:s26], $0x80  }
0x13d: {  	vm4 =	vmor vm6, vm4;
	[sflag:s26] =	ssyncset.done $0x0  }
0x13e: {  	v8 =	vsel vm4, v10, v8;
	v9 =	vsel vm4, v11, v9;
	[sflag:s26] =	ssyncadd.s32 $0xFFFFFF80  }
0x13f: {  	v10 =	vperm.xlane v8, v1;
	v11 =	vperm.xlane v9, v1;
	_ =	swait.ge [sflag:s26], $0x80  }
0x140: {  	[sflag:s26] =	ssyncset.done $0x0  }
0x141: {  	vm4 =	veq.f32 v10, v8;
	vm5 =	vlt.s32 v11, v9;
	s29 =	simm.s32 $0x0;
	[sflag:s26] =	ssyncadd.s32 $0xFFFFFF80  }
0x142: {  	vm6 =	vgt.f32 v10, v8;
	vm4 =	vmand vm4, vm5;
	v12 =	vld [tilespmem:s29+$0x0]  }
0x143: {  	vm4 =	vmor vm6, vm4;
	v13 =	vld [tilespmem:s29+$0x800]  }
0x144: {  	v8 =	vsel vm4, v10, v8;
	v9 =	vsel vm4, v11, v9  }
0x145: {  	v10 =	vperm.xlane v8, v2;
	v11 =	vperm.xlane v9, v2;
	v14 =	vld [tilespmem:s29+$0x1000];
	_ =	sdelay $0x1  }
0x146: {  	vm4 =	veq.f32 v10, v8;
	vm5 =	vlt.s32 v11, v9;
	s29 =	simm.s32 $0x10  }
0x147: {  	vm6 =	vgt.f32 v10, v8;
	vm4 =	vmand vm4, vm5;
	v17 =	vld [tilespmem:s29+$0x0];
	v15 =	vadd.f32 v13, v12  }
0x148: {  	vm4 =	vmor vm6, vm4;
	v18 =	vld [tilespmem:s29+$0x800];
	v12 =	vimm.f32 $-Inf;
	v13 =	vimm.s32 $0x0  }
0x149: {  	v10 =	vsel vm4, v10, v8;
	vm6 =	vlt.s32 v14, v13;
	vm5 =	veq.f32 v15, v12  }
0x14a: {  	v8 =	vsel vm4, v11, v9;
	v16 =	vld [tilespmem:s29+$0x1000];
	vm4 =	vgt.f32 v15, v12;
	vm5 =	vmand vm5, vm6  }
0x14b: {  	v11 =	vperm.xlane v10, v3;
	v9 =	vperm.xlane v8, v3;
	s29 =	simm.s32 $0x80;
	vm4 =	vmor vm4, vm5  }
.LBB2_6:
0x14c: {  	s30 =	sshra.s32 s29, $0x2;
	v12 =	vsel vm4, v15, v12;
	v13 =	vsel vm4, v14, v13;
	p0 =	sne.s32 s29, $0x1FC0  }
.Ltmp2:
0x14d: {  	s29 =	sadd.s32 $0x40, s29;
	v15 =	vadd.f32 v18, v17;
	v17 =	vld [tilespmem:s30+$0x0];
	(pc) =	sbr.rel @p0 .LBB2_6-.Ltmp2, $4  }
0x14e: {  	v18 =	vld [tilespmem:s30+$0x800]  }
0x14f: {  	vm4 =	veq.f32 v15, v12;
	vm5 =	vlt.s32 v16, v13;
	v14 =	vmov v16  }
0x150: {  	vm6 =	vgt.f32 v15, v12;
	v16 =	vld [tilespmem:s30+$0x1000];
	vm4 =	vmand vm4, vm5  }
0x151: {  	vm4 =	vmor vm6, vm4  }
0x152: {  	s29 =	simm.s32 $0x0;
	s30 =	rddreg [dreg:$0x8];
	s31 =	simm.s32 $0x800  }
0x153: {  	[tilespmem:s31], [sflag:$0x2] =	stream.linear.gather [hbm4b:s30+s29], $0x800, $0x38;
	[tilespmem:$0x1810] =	vst v63  }
0x154: {  	_ =	swait.ge [sflag:s18], $0x800  }
0x155: {  	[sflag:s18] =	ssyncset.done $0x0  }
0x156: {  	s31 =	rddreg [dreg:$0x9];
	[sflag:s18] =	ssyncadd.s32 $0xFFFFF800  }
0x157: {  	[tilespmem:s19], [sflag:$0x2] =	stream.linear.gather [hbm4b:s31+s29], $0x800, $0x38;
	[tilespmem:$0x1810] =	vst v63  }
0x158: {  	_ =	swait.ge [sflag:s18], $0x800  }
0x159: {  	[sflag:s18] =	ssyncset.done $0x0  }
0x15a: {  	[sflag:s18] =	ssyncadd.s32 $0xFFFFF800  }
0x15b: {  	[tilespmem:s29], [sflag:$0x1] =	stream.indirect.gather [hbm4b:s14+s20], $0x1, s19, s20, $0xb8;
	[tilespmem:$0x1810] =	vst v63  }
0x15c: {  	s29 =	simm.s32 $0x1080  }
0x15d: {  	[tilespmem:s20], [sflag:$0x1] =	stream.indirect.gather [hbm4b:s14+s20], $0x1, s29, s20, $0xb8;
	[tilespmem:$0x1810] =	vst v63  }
0x15e: {  	s31 =	simm.s32 $0x100;
	s29 =	simm.s32 $0x1100  }
0x15f: {  	[tilespmem:s31], [sflag:$0x1] =	stream.indirect.gather [hbm4b:s14+s20], $0x1, s29, s20, $0xb8;
	[tilespmem:$0x1810] =	vst v63  }
0x160: {  	s29 =	simm.s32 $0x1180;
	s31 =	simm.s32 $0x180  }
0x161: {  	[tilespmem:s31], [sflag:$0x1] =	stream.indirect.gather [hbm4b:s14+s20], $0x1, s29, s20, $0xb8;
	[tilespmem:$0x1810] =	vst v63  }
0x162: {  	s29 =	simm.s32 $0x1200;
	s31 =	simm.s32 $0x200  }
0x163: {  	[tilespmem:s31], [sflag:$0x1] =	stream.indirect.gather [hbm4b:s14+s20], $0x1, s29, s20, $0xb8;
	[tilespmem:$0x1810] =	vst v63  }
0x164: {  	s29 =	simm.s32 $0x1280;
	s31 =	simm.s32 $0x280  }
0x165: {  	[tilespmem:s31], [sflag:$0x1] =	stream.indirect.gather [hbm4b:s14+s20], $0x1, s29, s20, $0xb8;
	[tilespmem:$0x1810] =	vst v63  }
0x166: {  	s29 =	simm.s32 $0x1300  }
0x167: {  	[tilespmem:s0], [sflag:$0x1] =	stream.indirect.gather [hbm4b:s14+s20], $0x1, s29, s20, $0xb8;
	[tilespmem:$0x1810] =	vst v63  }
0x168: {  	_ = 	snop  }
0x169: {  	[tilespmem:s3], [sflag:$0x1] =	stream.indirect.gather [hbm4b:s14+s20], $0x1, s1, s20, $0xb8;
	[tilespmem:$0x1810] =	vst v63  }
0x16a: {  	_ = 	snop  }
0x16b: {  	[tilespmem:s6], [sflag:$0x1] =	stream.indirect.gather [hbm4b:s14+s20], $0x1, s4, s20, $0xb8;
	[tilespmem:$0x1810] =	vst v63  }
0x16c: {  	_ = 	snop  }
0x16d: {  	[tilespmem:s9], [sflag:$0x1] =	stream.indirect.gather [hbm4b:s14+s20], $0x1, s7, s20, $0xb8;
	[tilespmem:$0x1810] =	vst v63  }
0x16e: {  	_ = 	snop  }
0x16f: {  	[tilespmem:s12], [sflag:$0x1] =	stream.indirect.gather [hbm4b:s14+s20], $0x1, s10, s20, $0xb8;
	[tilespmem:$0x1810] =	vst v63  }
0x170: {  	_ = 	snop  }
0x171: {  	[tilespmem:s15], [sflag:$0x1] =	stream.indirect.gather [hbm4b:s14+s20], $0x1, s13, s20, $0xb8;
	[tilespmem:$0x1810] =	vst v63  }
0x172: {  	_ = 	snop  }
0x173: {  	[tilespmem:s2], [sflag:$0x1] =	stream.indirect.gather [hbm4b:s14+s20], $0x1, s16, s20, $0xb8;
	[tilespmem:$0x1810] =	vst v63  }
0x174: {  	_ = 	snop  }
0x175: {  	[tilespmem:s21], [sflag:$0x1] =	stream.indirect.gather [hbm4b:s14+s20], $0x1, s17, s20, $0xb8;
	[tilespmem:$0x1810] =	vst v63  }
0x176: {  	_ = 	snop  }
0x177: {  	[tilespmem:s23], [sflag:$0x1] =	stream.indirect.gather [hbm4b:s14+s20], $0x1, s22, s20, $0xb8;
	[tilespmem:$0x1810] =	vst v63  }
0x178: {  	_ = 	snop  }
0x179: {  	[tilespmem:s25], [sflag:$0x1] =	stream.indirect.gather [hbm4b:s14+s20], $0x1, s24, s20, $0xb8;
	[tilespmem:$0x1810] =	vst v63  }
0x17a: {  	_ =	swait.ge [sflag:s26], $0x80  }
0x17b: {  	[sflag:s26] =	ssyncset.done $0x0  }
0x17c: {  	[sflag:s26] =	ssyncadd.s32 $0xFFFFFF80  }
0x17d: {  	_ =	swait.ge [sflag:s26], $0x80  }
0x17e: {  	[sflag:s26] =	ssyncset.done $0x0  }
0x17f: {  	[sflag:s26] =	ssyncadd.s32 $0xFFFFFF80  }
0x180: {  	_ =	swait.ge [sflag:s26], $0x80  }
0x181: {  	[sflag:s26] =	ssyncset.done $0x0  }
0x182: {  	[sflag:s26] =	ssyncadd.s32 $0xFFFFFF80  }
0x183: {  	_ =	swait.ge [sflag:s26], $0x80  }
0x184: {  	[sflag:s26] =	ssyncset.done $0x0  }
0x185: {  	[sflag:s26] =	ssyncadd.s32 $0xFFFFFF80  }
0x186: {  	_ =	swait.ge [sflag:s26], $0x80  }
0x187: {  	[sflag:s26] =	ssyncset.done $0x0  }
0x188: {  	[sflag:s26] =	ssyncadd.s32 $0xFFFFFF80  }
0x189: {  	_ =	swait.ge [sflag:s26], $0x80  }
0x18a: {  	[sflag:s26] =	ssyncset.done $0x0  }
0x18b: {  	[sflag:s26] =	ssyncadd.s32 $0xFFFFFF80  }
0x18c: {  	_ =	swait.ge [sflag:s26], $0x80  }
0x18d: {  	[sflag:s26] =	ssyncset.done $0x0  }
0x18e: {  	[sflag:s26] =	ssyncadd.s32 $0xFFFFFF80  }
0x18f: {  	_ =	swait.ge [sflag:s26], $0x80  }
0x190: {  	[sflag:s26] =	ssyncset.done $0x0  }
0x191: {  	[sflag:s26] =	ssyncadd.s32 $0xFFFFFF80  }
0x192: {  	_ =	swait.ge [sflag:s26], $0x80  }
0x193: {  	[sflag:s26] =	ssyncset.done $0x0  }
0x194: {  	[sflag:s26] =	ssyncadd.s32 $0xFFFFFF80  }
0x195: {  	_ =	swait.ge [sflag:s26], $0x80  }
0x196: {  	[sflag:s26] =	ssyncset.done $0x0  }
0x197: {  	[sflag:s26] =	ssyncadd.s32 $0xFFFFFF80  }
0x198: {  	_ =	swait.ge [sflag:s26], $0x80  }
0x199: {  	[sflag:s26] =	ssyncset.done $0x0  }
0x19a: {  	[sflag:s26] =	ssyncadd.s32 $0xFFFFFF80  }
0x19b: {  	v17 =	vadd.f32 v18, v17;
	_ =	swait.ge [sflag:s26], $0x80  }
0x19c: {  	v12 =	vsel vm4, v15, v12;
	v13 =	vsel vm4, v14, v13;
	[sflag:s26] =	ssyncset.done $0x0  }
0x19d: {  	vm4 =	veq.f32 v17, v12;
	vm5 =	vlt.s32 v16, v13;
	[sflag:s26] =	ssyncadd.s32 $0xFFFFFF80  }
0x19e: {  	vm6 =	vgt.f32 v17, v12;
	vm4 =	vmand vm4, vm5;
	_ =	swait.ge [sflag:s26], $0x80  }
0x19f: {  	vm4 =	vmor vm6, vm4;
	[sflag:s26] =	ssyncset.done $0x0  }
0x1a0: {  	v12 =	vsel vm4, v17, v12;
	v13 =	vsel vm4, v16, v13;
	[sflag:s26] =	ssyncadd.s32 $0xFFFFFF80  }
0x1a1: {  	v14 =	vperm.xlane v12, v0;
	v15 =	vperm.xlane v13, v0;
	_ =	swait.ge [sflag:s26], $0x80  }
0x1a2: {  	[sflag:s26] =	ssyncset.done $0x0  }
0x1a3: {  	vm4 =	veq.f32 v14, v12;
	vm5 =	vlt.s32 v15, v13;
	[sflag:s26] =	ssyncadd.s32 $0xFFFFFF80  }
0x1a4: {  	vm6 =	vgt.f32 v14, v12;
	vm4 =	vmand vm4, vm5;
	_ =	swait.ge [sflag:s26], $0x80  }
0x1a5: {  	vm4 =	vmor vm6, vm4;
	[sflag:s26] =	ssyncset.done $0x0  }
0x1a6: {  	v12 =	vsel vm4, v14, v12;
	v13 =	vsel vm4, v15, v13;
	[sflag:s26] =	ssyncadd.s32 $0xFFFFFF80  }
0x1a7: {  	v14 =	vperm.xlane v12, v1;
	v15 =	vperm.xlane v13, v1;
	_ =	swait.ge [sflag:s26], $0x80  }
0x1a8: {  	[sflag:s26] =	ssyncset.done $0x0  }
0x1a9: {  	vm4 =	veq.f32 v14, v12;
	vm5 =	vlt.s32 v15, v13;
	s29 =	simm.s32 $0x0;
	[sflag:s26] =	ssyncadd.s32 $0xFFFFFF80  }
0x1aa: {  	vm6 =	vgt.f32 v14, v12;
	vm4 =	vmand vm4, vm5;
	v16 =	vld [tilespmem:s29+$0x0]  }
0x1ab: {  	vm4 =	vmor vm6, vm4;
	v17 =	vld [tilespmem:s29+$0x800]  }
0x1ac: {  	v12 =	vsel vm4, v14, v12;
	v14 =	vsel vm4, v15, v13  }
0x1ad: {  	v13 =	vperm.xlane v12, v2;
	v15 =	vperm.xlane v14, v2;
	v18 =	vld [tilespmem:s29+$0x1000];
	_ =	sdelay $0x1  }
0x1ae: {  	vm4 =	veq.f32 v13, v12;
	vm5 =	vlt.s32 v15, v14;
	s29 =	simm.s32 $0x10  }
0x1af: {  	vm6 =	vgt.f32 v13, v12;
	vm4 =	vmand vm4, vm5;
	v20 =	vld [tilespmem:s29+$0x0];
	v19 =	vadd.f32 v17, v16  }
0x1b0: {  	vm4 =	vmor vm6, vm4;
	v22 =	vld [tilespmem:s29+$0x800];
	v16 =	vimm.f32 $-Inf;
	v17 =	vimm.s32 $0x0  }
0x1b1: {  	v13 =	vsel vm4, v13, v12;
	vm6 =	vlt.s32 v18, v17;
	vm5 =	veq.f32 v19, v16  }
0x1b2: {  	v12 =	vsel vm4, v15, v14;
	v21 =	vld [tilespmem:s29+$0x1000];
	vm4 =	vgt.f32 v19, v16;
	vm5 =	vmand vm5, vm6  }
0x1b3: {  	v15 =	vperm.xlane v13, v3;
	v14 =	vperm.xlane v12, v3;
	s29 =	simm.s32 $0x80;
	vm4 =	vmor vm4, vm5  }
.LBB2_8:
0x1b4: {  	s30 =	sshra.s32 s29, $0x2;
	v16 =	vsel vm4, v19, v16;
	v17 =	vsel vm4, v18, v17;
	p0 =	sne.s32 s29, $0x1FC0  }
.Ltmp3:
0x1b5: {  	s29 =	sadd.s32 $0x40, s29;
	v19 =	vadd.f32 v22, v20;
	v20 =	vld [tilespmem:s30+$0x0];
	(pc) =	sbr.rel @p0 .LBB2_8-.Ltmp3, $4  }
0x1b6: {  	v22 =	vld [tilespmem:s30+$0x800]  }
0x1b7: {  	vm4 =	veq.f32 v19, v16;
	vm5 =	vlt.s32 v21, v17;
	v18 =	vmov v21  }
0x1b8: {  	vm6 =	vgt.f32 v19, v16;
	v21 =	vld [tilespmem:s30+$0x1000];
	vm4 =	vmand vm4, vm5  }
0x1b9: {  	vm4 =	vmor vm6, vm4  }
0x1ba: {  	_ = 	snop  }
0x1bb: {  	v20 =	vadd.f32 v22, v20  }
0x1bc: {  	v16 =	vsel vm4, v19, v16;
	v17 =	vsel vm4, v18, v17  }
0x1bd: {  	vm4 =	veq.f32 v20, v16;
	vm5 =	vlt.s32 v21, v17  }
0x1be: {  	vm6 =	vgt.f32 v20, v16;
	vm4 =	vmand vm4, vm5  }
0x1bf: {  	vm4 =	vmor vm6, vm4  }
0x1c0: {  	v16 =	vsel vm4, v20, v16;
	v17 =	vsel vm4, v21, v17  }
0x1c1: {  	v56 =	vperm.xlane v16, v0;
	v57 =	vperm.xlane v17, v0;
	_ =	sdelay $0x1  }
0x1c2: {  	vm4 =	veq.f32 v56, v16;
	vm5 =	vlt.s32 v57, v17  }
0x1c3: {  	vm10 =	vgt.f32 v56, v16;
	vm4 =	vmand vm4, vm5  }
0x1c4: {  	vm4 =	vmor vm10, vm4  }
0x1c5: {  	v16 =	vsel vm4, v56, v16;
	v17 =	vsel vm4, v57, v17  }
0x1c6: {  	v18 =	vperm.xlane v16, v1;
	v19 =	vperm.xlane v17, v1;
	_ =	sdelay $0x1  }
0x1c7: {  	vm4 =	veq.f32 v18, v16;
	vm5 =	vlt.s32 v19, v17  }
0x1c8: {  	vm11 =	vgt.f32 v18, v16;
	vm4 =	vmand vm4, vm5  }
0x1c9: {  	vm7 =	veq.f32 v7, v6;
	vm12 =	vlt.s32 v5, v4;
	vm4 =	vmor vm11, vm4  }
0x1ca: {  	vm5 =	vgt.f32 v7, v6;
	v58 =	vsel vm4, v18, v16;
	v59 =	vsel vm4, v19, v17  }
0x1cb: {  	vm4 =	vmand vm7, vm12;
	v16 =	vperm.xlane v58, v2;
	v17 =	vperm.xlane v59, v2  }
0x1cc: {  	vm13 =	vlt.s32 v9, v8;
	vm8 =	vgt.f32 v11, v10;
	vm4 =	vmor vm5, vm4  }
0x1cd: {  	vm5 =	veq.f32 v11, v10;
	vm14 =	veq.f32 v16, v58;
	vm15 =	vlt.s32 v17, v59  }
0x1ce: {  	vm5 =	vmand vm5, vm13;
	vm12 =	vgt.f32 v16, v58;
	vm6 =	vmand vm14, vm15  }
0x1cf: {  	v4 =	vsel vm4, v5, v4;
	vm4 =	vmor vm8, vm5;
	vm5 =	vmor vm12, vm6  }
0x1d0: {  	vm13 =	veq.f32 v15, v13;
	v5 =	vsel vm5, v16, v58;
	v60 =	vsel vm5, v17, v59  }
0x1d1: {  	vm5 =	vlt.s32 v14, v12;
	v61 =	vperm.xlane v5, v3;
	v62 =	vperm.xlane v60, v3  }
0x1d2: {  	v63 =	vsel vm4, v9, v8;
	vm4 =	vgt.f32 v15, v13;
	vm5 =	vmand vm13, vm5  }
0x1d3: {  	vm4 =	vmor vm4, vm5;
	vm5 =	veq.f32 v61, v5;
	vm14 =	vlt.s32 v62, v60  }
0x1d4: {  	v4 =	vnsel vm0, $0x0, v4;
	vm15 =	vgt.f32 v61, v5;
	vm5 =	vmand vm5, vm14  }
0x1d5: {  	v4 =	vsel vm1, v4, v63;
	v5 =	vsel vm4, v14, v12;
	vm4 =	vmor vm15, vm5  }
0x1d6: {  	v4 =	vsel vm2, v4, v5;
	v5 =	vsel vm4, v62, v60  }
0x1d7: {  	v4 =	vsel vm3, v4, v5  }
0x1d8: {  	s29 =	simm.s32 $0x0;
	s30 =	rddreg [dreg:$0xa];
	s31 =	simm.s32 $0x1800;
	[tilespmem:$0x1800] =	vst v4  }
0x1d9: {  	[hbm4b:s30+s29] =	stream.linear.scatter [tilespmem:s31], [sflag:$0x2], $0x10, $0x38;
	[tilespmem:$0x1810] =	vst v63  }
0x1da: {  	_ =	swait.ge [sflag:s18], $0x10  }
0x1db: {  	s28 =	sadd.s32 $0x1, s28;
	s31 =	rddreg [dreg:$0xb]  }
0x1dc: {  	p0 =	sne.s32 s28, s31  }
.Ltmp4:
0x1dd: {  	_ = 	snop;
	(pc) =	sbr.rel @p0 .LBB2_1-.Ltmp4, $3  }
0x1de: {  	_ =	sdelay $0x1  }
0x1df: {  	[sflag:s18] =	ssyncset.done $0x0  }
0x1e0: {  	[sflag:s18] =	ssyncadd.s32 $0xFFFFFFF0  }
0x1e1: {  	_ =	sfence.sel $0x180000  }
0x1e2: {  	[bflag:$0x0] =	sbarrier.arrive $0xFFFF  }
0x1e3: {  	_ =	strace $0x9000004A  }
0x1e4: {  	s0 =	stileid.u32;
	[bflag:$0x2] =	sbarrier.arrive $0xFFFF  }
0x1e5: {  	p0 =	sne.s32 s0, $0x0;
	s0 =	rddreg [dreg:$0x1]  }
0x1e6: {  	s0 =	sadd.s32 @!p0 $0x100000, s0  }
0x1e7: {  	[sflag:s0] =	ssyncadd.tile.s32 @!p0 $0x1;
	_ =	shalt  }
.Lfunc_end2:
_tile_overlayer_lowered:
.L_overlay_start_2:
0x1e8: {  	(tag) =	ssettag $0x2  }
0x1e9: {  	s0 =	rddreg [dreg:$0x0];
	s2 =	stileid.u32  }
0x1ea: {  	s1 =	rddreg [dreg:$0x1];
	p0 =	sne.s32 s2, $0x0  }
0x1eb: {  	s3 =	rddreg [dreg:$0x2];
	[bflag:$0x3] =	sbarrier.arrive $0xFFFF;
	s2 =	simm.s32 @!p0 $0x1C02  }
0x1ec: {  	[timem:s3], [sflag:s2] =	dma.local @!p0 [hbm:s0], s1  }
0x1ed: {  	s0 =	simm.s32 @!p0 $0x2  }
0x1ee: {  	_ =	swait.ge @!p0 [sflag:s0], s1  }
0x1ef: {  	s1 =	ssub.s32 @!p0 $0x0, s1;
	[sflag:s0] =	ssyncset.done @!p0 $0x0  }
0x1f0: {  	[sflag:s0] =	ssyncadd.s32 @!p0 s1  }
0x1f1: {  	[bflag:$0x3] =	sbarrier.arrive $0xFFFF  }
0x1f2: {  	_ =	shalt  }

// kernel: sparse-core-data-format-call.cloned.1.call-start
scs
called_computation_lowered:
.L_overlay_start_0:
0x0: {  	s1 =	sld [smem:$0x3FD9]  }
0x1: {  	s2 =	sld [smem:$0x3FFE];
	_ =	sdelay $0x1  }
0x2: {  	s3 =	srdreg.scid  }
0x3: {  	s0 =	sand.u32 $0x1, s3  }
0x4: {  	s17 =	sshll.u32 s0, $0xA;
	s1 =	sadd.s32 s2, s1  }
0x5: {  	s1 =	sadd.s32 s1, s17  }
0x6: {  	[smem:$0x3FC5] =	sst s1  }
0x7: {  	_ = 	snop  }
0x8: {  	(tm) =	ssettm $0x1  }
0x9: {  	s18 =	sld [smem:$0x3FFB];
	_ =	sdelay $0x3  }
0xa: {  	_ =	strace s18  }
0xb: {  	s1 =	sld [smem:$0x3FFC];
	_ =	sdelay $0x3  }
0xc: {  	_ =	strace s1  }
0xd: {  	s1 =	sld [smem:$0x3FFD];
	_ =	sdelay $0x3  }
0xe: {  	_ =	strace s1  }
0xf: {  	_ =	strace $0x8FFFFFFF  }
0x10: {  	s19 =	sld [smem:$0x3FDB];
	_ =	sdelay $0x1  }
0x11: {  	s20 =	simm.s32 $_scs_section_size  }
0x12: {  	s4 =	simm.s32 $_size__tile_overlayer_lowered;
	s5 =	simm.s32 $_tile_overlayer_lowered  }
0x13: {  	s23 =	simm.s32 $0x1BFF;
	s22 =	sshll.u32 s5, $0x1;
	s1 =	sadd.s32 s20, s19  }
0x14: {  	s6 =	simm.s32 $0x0;
	s21 =	sshll.u32 s4, $0x1;
	s4 =	sadd.s32 s22, s1  }
0x15: {  	[timem:s6], [sflag:s23] =	dma.local [hbm:s4], s21  }
0x16: {  	_ =	swait.ge [sflag:s23], s21  }
0x17: {  	s2 =	ssub.s32 $0x0, s21;
	[sflag:s23] =	ssyncset.done $0x0  }
0x18: {  	[sflag:s23] =	ssyncadd.s32 s2;
	_ =	sdelay $0x1  }
0x19: {  	s24 =	simm.s32 $0x1B8B  }
0x1a: {  	_ =	swait.ge [sflag:s24], $0x1  }
0x1b: {  	[sflag:s24] =	ssyncset.done $0x0  }
0x1c: {  	s26 =	simm.s32 $0x1B8E;
	s25 =	sld [smem:$0x3FFE];
	[sflag:s24] =	ssyncadd.s32 $0xFFFFFFFF  }
0x1d: {  	s27 =	simm.s32 $execute0_lowered;
	[smem:$0x3FD2] =	sst s26  }
0x1e: {  	s4 =	sshll.u32 s27, $0x1;
	_ =	strace $0x80000046;
	[dreg:$0x1] =	wrdreg $0xFFFFFFFF  }
0x1f: {  	s28 =	simm.s32 $_size_execute0_lowered;
	s1 =	sadd.s32 s1, s4;
	[dreg:$0x0] =	wrdreg $0x0  }
0x20: {  	s4 =	sshll.u32 s28, $0x1;
	[dreg:$0x2] =	wrdreg s1  }
0x21: {  	[dreg:$0x3] =	wrdreg s4  }
0x22: {  	[dreg:$0x4] =	wrdreg $0xC0  }
0x23: {  	_ =	task [dreg:s6], $0x5FFFF  }
0x24: {  	[dreg:$0x1] =	wrdreg $0xFFFFFFFF  }
0x25: {  	[dreg:$0x0] =	wrdreg $0x60  }
0x26: {  	[dreg:$0x2] =	wrdreg s25  }
0x27: {  	[dreg:$0x3] =	wrdreg $0x9  }
0x28: {  	_ =	task.clear_ibuf [dreg:s6], $0x4FFFF;
	_ =	strace $0x90000046  }
0x29: {  	s29 =	simm.s32 $0x9;
	_ =	strace $0x80000048  }
0x2a: {  	_ =	swait.ge [sflag:s29], $0x1  }
0x2b: {  	[sflag:s29] =	ssyncadd.s32 $0xFFFFFFFF  }
0x2c: {  	_ =	strace $0x90000048  }
0x2d: {  	_ =	sfence  }
0x2e: {  	s30 =	sld [smem:$0x0];
	_ =	sdelay $0x2  }
0x2f: {  	s31 =	sshll.u32 s3, $0xD;
	s3 =	sshrl.u32 s3, $0x2  }
0x30: {  	s2 =	sand.u32 $0x4000, s31;
	s1 =	sadd.s32 s3, s30  }
0x31: {  	s0 =	sor.u32 s2, s0;
	s1 =	sshll.u32 s1, $0x11  }
0x32: {  	s0 =	sor.u32 s1, s0  }
0x33: {  	s0 =	sadd.s32 $0x8F2B, s0  }
0x34: {  	[sflag:s0] =	ssyncadd.remote.s32 $0x1  }
0x35: {  	_ =	sfence.sel $0xFFFF  }
0x36: {  	[dreg:$0x0] =	wrdreg $0xFFFFFFFF;
	(pc) =	sbr.abs _section_cstart, $3  }
0x37: {  	[dreg:$0x1] =	wrdreg $0xFFFFFFFF  }
0x38: {  	_ =	task.clear_ibuf [dreg:s6], $0x2FFFF;
	_ =	strace $0x9FFFFFFF  }
0x39: {  	(tm) =	ssettm $0x7FFFFFFF  }
tec
execute0_lowered:
.L_overlay_start_1:
0x0: {  	(tag) =	ssettag $0x1  }
0x1: {  	s0 =	srdreg.scid;
	s2 =	rddreg [dreg:$0x0]  }
0x2: {  	s1 =	stileid.u32;
	s5 =	simm.s32 $0x1;
	s7 =	simm.s32 $0x2  }
0x3: {  	s14 =	simm.s32 $0x0;
	p0 =	por $0x0, $0x0;
	s0 =	sshll.u32 s0, $0x4  }
0x4: {  	s13 =	simm.s32 $0x0;
	s8 =	simm.s32 $0x0;
	s3 =	sand.u32 $0x10, s0  }
.Ltmp0:
0x5: {  	s9 =	simm.s32 $0x0;
	s3 =	sor.u32 s1, s3;
	(pc) =	sbr.rel .LBB1_1-.Ltmp0, $4  }
0x6: {  	s11 =	simm.s32 $0x0;
	s12 =	simm.s32 $0x0;
	s3 =	sshll.u32 s3, $0x7  }
0x7: {  	s0 =	rddreg [dreg:$0x1];
	_ =	strace $0x80000047;
	s6 =	ssub.s32 $0x18680, s3  }
0x8: {  	s4 =	sadd.s32 $0x187000, s2;
	[sflag:s5] =	ssyncpa.u1 $0x0;
	s6 =	sshrl.u32 s6, $0xC  }
0x9: {  	[sflag:s7] =	ssyncpa.u1 $0x0;
	s10 =	smov.u32 s3;
	s7 =	sadd.s32 $0x2, s6  }
.LBB1_5:
0xa: {  	p1 =	slt.u32 s12, $0x2  }
0xb: {  	p2 =	sgt.s32 @!p1 s14, $0x18620  }
0xc: {  	s15 =	smov.u32 s14;
	s16 =	sshra.s32 @!p1 s14, $0x1F;
	p2 =	por !p2, p1  }
0xd: {  	s14 =	sand.u32 @!p1 s16, s14;
	s15 =	simm.s32 @p2 $0x18620  }
0xe: {  	s14 =	ssub.s32 @!p1 s15, s14;
	s15 =	ssub.s32 @!p1 $0x0, s13  }
0xf: {  	s17 =	smov.u32 s11;
	s16 =	sadd.s32 @!p1 $0xFFFE79E0, s14;
	s13 =	smin.u32 @!p1 s13, s15  }
0x10: {  	s14 =	ssub.s32 @!p1 $0x186A0, s14;
	p2 =	sgt.s32 @!p1 s16, $0x7F;
	p3 =	sgt.s32 @!p1 s13, $0x7F  }
0x11: {  	s13 =	ssub.s32 @!p1 $0x80, s13;
	p2 =	por !p2, p1;
	p3 =	por !p3, p1  }
0x12: {  	s15 =	sadd.s32 $0x1000, s10;
	s14 =	simm.s32 @!p2 $0x0;
	s13 =	simm.s32 @!p3 $0x0  }
0x13: {  	p2 =	sgt.s32 s15, $0x1869F;
	s13 =	smul.u32 @!p1 s13, s14;
	s14 =	sadd.s32 $0x80, s11  }
0x14: {  	s17 =	smov.u32 @p2 s14  }
0x15: {  	s15 =	smov.u32 @p2 s3;
	p2 =	sgt.s32 s17, $0x7F  }
0x16: {  	s17 =	simm.s32 @p2 $0x0;
	p2 =	sne.s32 s12, s7  }
.Ltmp1:
0x17: {  	p0 =	por !p0, !p0;
	s16 =	simm.s32 @!p1 $0x2;
	(pc) =	sbr.rel @!p2 .LBB1_6-.Ltmp1, $4  }
0x18: {  	s14 =	smov.u32 s8;
	s8 =	smov.u32 s10;
	s13 =	sand.u32 @!p1 $0x3FFFFFFF, s13  }
0x19: {  	s10 =	smov.u32 s15;
	_ =	swait.ge @!p1 [sflag:s16], s13;
	s18 =	ssub.s32 @!p1 $0x0, s13  }
0x1a: {  	s13 =	smov.u32 s9;
	s12 =	sadd.s32 $0x1, s12;
	[sflag:s16] =	ssyncset.done @!p1 $0x0  }
0x1b: {  	s9 =	smov.u32 s11;
	s11 =	smov.u32 s17;
	[sflag:s16] =	ssyncadd.s32 @!p1 s18  }
.LBB1_1:
0x1c: {  	p1 =	sgt.u32 s12, s6  }
0x1d: {  	s15 =	sshrl.u32 @!p1 s11, $0x3  }
0x1e: {  	s16 =	sshll.u32 @!p1 s10, $0x3;
	s15 =	smul.u32 @!p1 $0xC3800, s15  }
0x1f: {  	s17 =	sshll.u32 @!p1 s11, $0x7;
	s16 =	sand.u32 @!p1 $0xFFFFFC00, s16  }
0x20: {  	s15 =	sadd.s32 @!p1 s15, s16;
	s16 =	sand.u32 @!p1 $0x380, s17  }
0x21: {  	s17 =	sand.u32 @!p1 $0x7F, s10;
	s15 =	sor.u32 @!p1 s16, s15  }
0x22: {  	s16 =	sor.u32 @!p1 s17, s15  }
0x23: {  	s17 =	smulhi.u32 @!p1 $0xA79C7B17, s16;
	_ =	sdelay $0x1  }
0x24: {  	s15 =	smulhi.u32 @!p1 $0xA79C7B17, s15;
	s17 =	sshrl.u32 @!p1 s17, $0x10  }
0x25: {  	s17 =	smul.u32 @!p1 $0x18700, s17  }
0x26: {  	s18 =	sxor.u32 @!p1 $0xFFFFFFFF, s12;
	s15 =	sshrl.u32 @!p1 s15, $0x10  }
0x27: {  	s18 =	sshll.u32 @!p1 s18, $0xE;
	s15 =	sand.u32 @!p1 $0x7F, s15;
	s16 =	ssub.s32 @!p1 s16, s17  }
0x28: {  	s15 =	smul.u32 @!p1 $0x30E0, s15;
	s17 =	sshrl.u32 @!p1 s16, $0x3;
	s16 =	sand.u32 @!p1 $0x7, s16  }
0x29: {  	s18 =	sand.u32 @!p1 $0x4000, s18;
	s17 =	sadd.s32 @!p1 s2, s17;
	s16 =	sshll.u32 @!p1 s16, $0x12  }
0x2a: {  	s15 =	sadd.s32 @!p1 s15, s17;
	s16 =	sor.u32 @!p1 $0x400, s16;
	s17 =	simm.s32 @!p1 $0xC3800  }
0x2b: {  	[tilespmem:s18], [sflag:$0x1] =	stream.strided.gather @!p1 [hbm4b:s15+s16], $0x4000, s17, s16, $0x38;
	[tilespmem:$0x10100] =	vst v63  }
0x2c: {  	p1 =	seq.s32 s12, $0x0  }
0x2d: {  	p2 =	sge.u32 @!p1 s12, s7  }
0x2e: {  	p1 =	por p1, p2  }
.Ltmp2:
0x2f: {  	_ = 	snop;
	(pc) =	sbr.rel @p1 .LBB1_5-.Ltmp2, $1  }
0x30: {  	_ =	sdelay $0x3  }
0x31: {  	s15 =	simm.s32 $0x1  }
0x32: {  	_ =	swait.ge [sflag:s5], $0x4000;
	s15 =	simm.s32 @!p0 $0x0  }
0x33: {  	[sflag:s5] =	ssyncset.done $0x0;
	s16 =	sshll.u32 s15, $0xE  }
0x34: {  	[sflag:s5] =	ssyncadd.s32 $0xFFFFC000;
	s16 =	sor.u32 $0x40, s16  }
0x35: {  	s15 =	smul.u32 $0x10200, s15;
	v0 =	vld [tilespmem:s16+$0x30]  }
0x36: {  	v1 =	vld [tilespmem:s16+$0xFFFFFFD0]  }
0x37: {  	s15 =	sshrl.u32 s15, $0x2;
	v5 =	vld [tilespmem:s16+$0xFFFFFFE0]  }
0x38: {  	v6 =	vld [tilespmem:s16+$0xFFFFFFF0];
	s18 =	sor.u32 $0x8000, s15  }
0x39: {  	s31 =	sand.u32 $0x1, s12;
	v4 =	vld [tilespmem:s16+$0x0];
	s17 =	sadd.s32 $0x0, s18  }
0x3a: {  	v3 =	vld [tilespmem:s16+$0x10];
	s15 =	smul.u32 $0x10200, s31;
	[tilespmem:s17+$0x3870 ss:$0x81] =	vst.msk $0xffff, v0  }
0x3b: {  	v2 =	vld [tilespmem:s16+$0x20];
	[tilespmem:s17+$0x810 ss:$0x81] =	vst.msk $0xffff, v1  }
0x3c: {  	s15 =	sshrl.u32 s15, $0x2;
	v0 =	vld [tilespmem:s16+$0xFFFFFFC0];
	[tilespmem:s17+$0x1020 ss:$0x81] =	vst.msk $0xffff, v5;
	s16 =	sadd.s32 $0x80, s16  }
0x3d: {  	s19 =	simm.s32 $0x4;
	s20 =	simm.s32 $0x8;
	s15 =	sor.u32 $0x8000, s15;
	[tilespmem:s17+$0x1830 ss:$0x81] =	vst.msk $0xffff, v6;
	v1 =	vld [tilespmem:s16+$0x30]  }
.LBB1_3:
0x3e: {  	p1 =	sne.s32 s20, $0x1FC;
	v5 =	vld [tilespmem:s16+$0xFFFFFFD0];
	[tilespmem:s17+$0x2040 ss:$0x81] =	vst.msk $0xffff, v4  }
0x3f: {  	v6 =	vld [tilespmem:s16+$0xFFFFFFE0];
	[tilespmem:s17+$0x2850 ss:$0x81] =	vst.msk $0xffff, v3  }
0x40: {  	s21 =	sshra.s32 s19, $0x2;
	s19 =	smov.u32 s20;
	v7 =	vld [tilespmem:s16+$0xFFFFFFF0];
	[tilespmem:s17+$0x3060 ss:$0x81] =	vst.msk $0xffff, v2  }
.Ltmp3:
0x41: {  	v4 =	vld [tilespmem:s16+$0x0];
	[tilespmem:s17+$0x0 ss:$0x81] =	vst.msk $0xffff, v0;
	s17 =	sadd.s32 s21, s18;
	(pc) =	sbr.rel @p1 .LBB1_3-.Ltmp3, $4  }
0x42: {  	v3 =	vld [tilespmem:s16+$0x10];
	[tilespmem:s17+$0x3870 ss:$0x81] =	vst.msk $0xffff, v1  }
0x43: {  	[tilespmem:s17+$0x810 ss:$0x81] =	vst.msk $0xffff, v5;
	v2 =	vld [tilespmem:s16+$0x20]  }
0x44: {  	v0 =	vld [tilespmem:s16+$0xFFFFFFC0];
	[tilespmem:s17+$0x1020 ss:$0x81] =	vst.msk $0xffff, v6;
	s16 =	sadd.s32 $0x80, s16  }
0x45: {  	s20 =	sadd.s32 $0x4, s20;
	v1 =	vld [tilespmem:s16+$0x30];
	[tilespmem:s17+$0x1830 ss:$0x81] =	vst.msk $0xffff, v7  }
0x46: {  	s20 =	sshll.u32 s8, $0x7;
	s21 =	sshll.u32 s9, $0x3;
	s19 =	sshra.s32 s19, $0x2  }
0x47: {  	v5 =	vld [tilespmem:s16+$0xFFFFFFD0];
	[tilespmem:s17+$0x2040 ss:$0x81] =	vst.msk $0xffff, v4;
	p1 =	sgt.s32 s8, $0x18620;
	s22 =	sand.u32 $0xFFFFFC00, s20;
	s21 =	sand.u32 $0xFFFFFC00, s21  }
0x48: {  	v58 =	vld [tilespmem:s16+$0xFFFFFFE0];
	s24 =	sshra.s32 s8, $0x1F;
	s20 =	sand.u32 $0x380, s20;
	[tilespmem:s17+$0x2850 ss:$0x81] =	vst.msk $0xffff, v3;
	s21 =	sadd.s32 s21, s22  }
0x49: {  	v59 =	vld [tilespmem:s16+$0xFFFFFFF0];
	s26 =	ssub.s32 $0x0, s9;
	s18 =	sadd.s32 s19, s18;
	[tilespmem:s17+$0x3060 ss:$0x81] =	vst.msk $0xffff, v2;
	s23 =	sor.u32 s20, s21  }
0x4a: {  	v60 =	vld [tilespmem:s16+$0x0];
	s28 =	smin.u32 s9, s26;
	s20 =	smov.u32 s8;
	[tilespmem:s17+$0x0 ss:$0x81] =	vst.msk $0xffff, v0;
	s19 =	sshrl.u32 s23, $0x7  }
0x4b: {  	v61 =	vld [tilespmem:s16+$0x10];
	s21 =	sand.u32 s24, s8;
	s20 =	simm.s32 @!p1 $0x18620;
	[tilespmem:s18+$0x3870 ss:$0x81] =	vst.msk $0xffff, v1;
	s25 =	smulhi.u32 $0x14F8B59, s19  }
0x4c: {  	v62 =	vld [tilespmem:s16+$0x20];
	s29 =	sshrl.u32 s9, $0x3;
	p2 =	sgt.s32 s28, $0x7F;
	s20 =	ssub.s32 s20, s21;
	[tilespmem:s18+$0x810 ss:$0x81] =	vst.msk $0xffff, v5  }
0x4d: {  	v63 =	vld [tilespmem:s16+$0xFFFFFFC0];
	[tilespmem:s18+$0x1020 ss:$0x81] =	vst.msk $0xffff, v58;
	s21 =	sadd.s32 $0xFFFE79E0, s20;
	s20 =	ssub.s32 $0x186A0, s20;
	s17 =	sshrl.u32 s25, $0x9  }
0x4e: {  	[tilespmem:s18+$0x1830 ss:$0x81] =	vst.msk $0xffff, v59;
	p1 =	sgt.s32 s21, $0x7F;
	s27 =	smul.u32 $0x186A0, s17;
	s17 =	ssub.s32 $0x80, s28  }
.Ltmp4:
0x4f: {  	[tilespmem:s18+$0x2040 ss:$0x81] =	vst.msk $0xffff, v60;
	s20 =	simm.s32 @p1 $0x0;
	s17 =	simm.s32 @p2 $0x0;
	(pc) =	sbr.rel .LBB1_5-.Ltmp4, $4  }
0x50: {  	s30 =	sand.u32 $0xF, s29;
	[tilespmem:s18+$0x2850 ss:$0x81] =	vst.msk $0xffff, v61;
	s16 =	ssub.s32 s19, s27;
	s17 =	smul.u32 s17, s20  }
0x51: {  	[tilespmem:s18+$0x3060 ss:$0x81] =	vst.msk $0xffff, v62;
	s19 =	sadd.s32 s4, s30;
	s16 =	sshll.u32 s16, $0x4  }
0x52: {  	s31 =	sand.u32 $0x7, s9;
	[tilespmem:s18+$0x0 ss:$0x81] =	vst.msk $0xffff, v63;
	s17 =	sand.u32 $0x3FFFFFFF, s17;
	s16 =	sadd.s32 s16, s19  }
0x53: {  	[hbm4b:s16+s31] =	stream.linear.scatter [tilespmem:s15], [sflag:$0x2], s17, $0x20;
	[tilespmem:$0x10100] =	vst v63  }
.LBB1_6:
0x54: {  	_ =	sfence.sel $0x180000  }
0x55: {  	s2 =	simm.s32 $0x1;
	[bflag:$0x0] =	sbarrier.arrive $0xFFFF  }
0x56: {  	s31 =	simm.s32 $0x2;
	[sflag:s2] =	ssyncpa.u1 $0x1  }
0x57: {  	[sflag:s31] =	ssyncpa.u1 $0x1  }
0x58: {  	p0 =	sne.s32 s1, $0x0;
	_ =	strace $0x90000047  }
0x59: {  	s0 =	sadd.s32 @!p0 $0x100000, s0;
	[bflag:$0x2] =	sbarrier.arrive $0xFFFF  }
0x5a: {  	[sflag:s0] =	ssyncadd.tile.s32 @!p0 $0x1;
	_ =	shalt  }
.Lfunc_end1:
_tile_overlayer_lowered:
.L_overlay_start_2:
0x5b: {  	(tag) =	ssettag $0x2  }
0x5c: {  	s0 =	rddreg [dreg:$0x0];
	s2 =	stileid.u32  }
0x5d: {  	s1 =	rddreg [dreg:$0x1];
	p0 =	sne.s32 s2, $0x0  }
0x5e: {  	s3 =	rddreg [dreg:$0x2];
	[bflag:$0x3] =	sbarrier.arrive $0xFFFF;
	s2 =	simm.s32 @!p0 $0x1C01  }
0x5f: {  	[timem:s3], [sflag:s2] =	dma.local @!p0 [hbm:s0], s1  }
0x60: {  	s0 =	simm.s32 @!p0 $0x1  }
0x61: {  	_ =	swait.ge @!p0 [sflag:s0], s1  }
0x62: {  	s1 =	ssub.s32 @!p0 $0x0, s1;
	[sflag:s0] =	ssyncset.done @!p0 $0x0  }
0x63: {  	[sflag:s0] =	ssyncadd.s32 @!p0 s1  }
0x64: {  	[bflag:$0x3] =	sbarrier.arrive $0xFFFF  }
0x65: {  	_ =	shalt  }

</sc_bundles>
